<compile_context>
chip_gen: v7x
topology: tpu7x:2x2x1
jax: 0.10.2.dev20260603
libtpu: 0.0.44.dev20260713+nightly
codegen_flags: <defaults>
</compile_context>

<pallas_src>
import numpy as np
import jax
import jax.numpy as jnp
from jax import lax
from jax.experimental import pallas as pl
from jax.experimental.pallas import tpu as pltpu
from jax.experimental.pallas import tpu_sc as plsc

_TOPK = 10
_NHEADS = 4
_PADK = 16
_M = 16


def _q_body(qst_ref, wq_ref, bq_ref, wk_ref, q_ref, qhat_ref):
    B, C = qst_ref.shape
    H = _NHEADS
    dh = C // H
    q = lax.dot_general(qst_ref[...], wq_ref[...], (((1,), (1,)), ((), ())),
                        preferred_element_type=jnp.float32)
    q = (q + bq_ref[...]) * np.float32(1.0 / np.sqrt(dh))
    q_ref[...] = q.reshape(B, 1, C)
    parts = []
    for h in range(H):
        qh = q[:, h * dh:(h + 1) * dh]
        wkh = wk_ref[h * dh:(h + 1) * dh, :]
        parts.append(lax.dot_general(qh, wkh, (((1,), (0,)), ((), ())),
                                     preferred_element_type=jnp.float32,
                                     precision=lax.Precision.HIGHEST
                                     ).reshape(B, 1, C))
    qhat_ref[...] = jnp.concatenate(parts, axis=1)


def _approx_body(qhat_ref, vis_ref, cand_ref, m2_ref, z2_ref, lg_ref):
    b = pl.program_id(0)
    t = pl.program_id(1)
    nb = pl.num_programs(0)
    nt = pl.num_programs(1)
    Tt = vis_ref.shape[1]
    B, H, T = lg_ref.shape
    lg_ref[pl.ds(b, 1), :, pl.ds(t * Tt, Tt)] = lax.dot_general(
        qhat_ref[0], vis_ref[0], (((1,), (1,)), ((), ())),
        preferred_element_type=jnp.float32,
        precision=lax.Precision.HIGHEST).reshape(1, H, Tt)

    @pl.when((b == nb - 1) & (t == nt - 1))
    def _():
        lg = lg_ref[...]
        m = jnp.max(lg, axis=2, keepdims=True)
        e = jnp.exp(lg - m)
        z = jnp.sum(e, axis=2, keepdims=True)
        temp = jnp.sum(e / z, axis=1)
        gio = (lax.broadcasted_iota(jnp.int32, (B, T), 0) * T
               + lax.broadcasted_iota(jnp.int32, (B, T), 1))
        iota_m = lax.broadcasted_iota(jnp.int32, (B, _M), 1)
        crow = jnp.zeros((B, _M), jnp.int32)
        tw = temp
        for i in range(_M):
            mval = jnp.max(tw, axis=1, keepdims=True)
            gi = jnp.max(jnp.where(tw == mval, gio, -1),
                         axis=1, keepdims=True)
            crow = jnp.where(iota_m == i, gi, crow)
            tw = jnp.where(gio == gi, -jnp.inf, tw)
        cand_ref[...] = crow
        m2_ref[...] = m.reshape(B, H)
        z2_ref[...] = z.reshape(B, H)


def _rerank_body(vc_ref, q_ref, wk_ref, m2_ref, z2_ref, cand_ref, idx_ref):
    B, M = cand_ref.shape
    C = vc_ref.shape[2]
    H = _NHEADS
    dh = C // H
    vc = vc_ref[...].reshape(B * M, C)
    k = lax.dot_general(vc, wk_ref[...], (((1,), (1,)), ((), ())),
                        preferred_element_type=jnp.float32)
    qf = q_ref[...].reshape(B, C)
    rows = []
    for b in range(B):
        for h in range(H):
            rows.append(lax.dot_general(
                qf[b:b + 1, h * dh:(h + 1) * dh],
                k[b * M:(b + 1) * M, h * dh:(h + 1) * dh],
                (((1,), (1,)), ((), ())),
                preferred_element_type=jnp.float32))
    L = jnp.concatenate(rows, axis=0).reshape(B, H, M)
    m2 = m2_ref[...].reshape(B, H, 1)
    z2 = z2_ref[...].reshape(B, H, 1)
    temp = jnp.sum(jnp.exp(L - m2) / z2, axis=1)
    candv = cand_ref[...]
    iota_k = lax.broadcasted_iota(jnp.int32, (B, _PADK), 1)
    tw = temp
    selvals = []
    for _ in range(_TOPK):
        mval = jnp.max(tw, axis=1, keepdims=True)
        gi = jnp.max(jnp.where(tw == mval, candv, -1),
                     axis=1, keepdims=True)
        selvals.append(gi)
        tw = jnp.where(candv == gi, -jnp.inf, tw)
    big = jnp.int32(2 ** 30)
    selv = jnp.full((B, _PADK), big, jnp.int32)
    for i, gi in enumerate(selvals):
        selv = jnp.where(iota_k == i, gi, selv)
    asc = []
    for _ in range(_TOPK):
        mn = jnp.min(selv, axis=1, keepdims=True)
        asc.append(mn)
        selv = jnp.where(selv == mn, big, selv)
    row = jnp.zeros((B, _PADK), jnp.int32)
    for i in range(_PADK):
        v = asc[i] if i < _TOPK else asc[_TOPK - 1]
        row = jnp.where(iota_k == i, v, row)
    idx_ref[...] = row


def _gcand_body(vis_hbm, cand_hbm, vc_out, idx_v, rows_v, sem):
    info = plsc.get_sparse_core_info()
    nc = info.num_cores
    nw = nc * info.num_subcores
    R = cand_hbm.shape[0]
    wid = lax.axis_index("s") * nc + lax.axis_index("c")
    for j in range((R + nw - 1) // nw):
        r = wid + nw * j

        @pl.when(r < R)
        def _(r=r):
            pltpu.sync_copy(cand_hbm.at[r], idx_v)
            pltpu.async_copy(vis_hbm.at[idx_v], rows_v, sem).wait()
            pltpu.sync_copy(rows_v, vc_out.at[r])


def _gather_body(audio_hbm, pa_hbm, pv_hbm, idx_hbm,
                 out_a, out_pa, out_pv, idx_v, rows_v, sem):
    info = plsc.get_sparse_core_info()
    nc = info.num_cores
    nw = nc * info.num_subcores
    B = idx_hbm.shape[0]
    wid = lax.axis_index("s") * nc + lax.axis_index("c")
    npairs = 3 * B
    for j in range((npairs + nw - 1) // nw):
        p = wid + nw * j
        bidx = lax.rem(p, B)
        for ti, (tref, oref) in enumerate(
                ((audio_hbm, out_a), (pa_hbm, out_pa), (pv_hbm, out_pv))):
            lo = ti * B

            @pl.when((p >= lo) & (p < lo + B))
            def _(tref=tref, oref=oref, bidx=bidx):
                pltpu.sync_copy(idx_hbm.at[bidx], idx_v)
                pltpu.async_copy(tref.at[idx_v], rows_v, sem).wait()
                pltpu.sync_copy(rows_v, oref.at[bidx])


def kernel(audio_input, visual_input, patch_inputs, qst_input,
           in_proj_weight, in_proj_bias, out_proj_weight, out_proj_bias,
           lin1_w, lin1_b, lin2_w, lin2_b, ln_g, ln_b):
    B, T, C = audio_input.shape
    wq = in_proj_weight[:C]
    wk = in_proj_weight[C:2 * C]
    bq = in_proj_bias[:C].reshape(1, C)

    q, qhat = pl.pallas_call(
        _q_body,
        out_shape=[jax.ShapeDtypeStruct((B, 1, C), jnp.float32),
                   jax.ShapeDtypeStruct((B, _NHEADS, C), jnp.float32)],
    )(qst_input, wq, bq, wk)

    Tt = 2048
    cand, m2, z2 = pl.pallas_call(
        _approx_body,
        grid=(B, T // Tt),
        in_specs=[pl.BlockSpec((1, _NHEADS, C), lambda b, t: (b, 0, 0)),
                  pl.BlockSpec((1, Tt, C), lambda b, t: (b, t, 0))],
        out_specs=[pl.BlockSpec((B, _M), lambda b, t: (0, 0)),
                   pl.BlockSpec((B, _NHEADS), lambda b, t: (0, 0)),
                   pl.BlockSpec((B, _NHEADS), lambda b, t: (0, 0))],
        out_shape=[jax.ShapeDtypeStruct((B, _M), jnp.int32),
                   jax.ShapeDtypeStruct((B, _NHEADS), jnp.float32),
                   jax.ShapeDtypeStruct((B, _NHEADS), jnp.float32)],
        scratch_shapes=[pltpu.VMEM((B, _NHEADS, T), jnp.float32)],
    )(qhat, visual_input)

    mesh = plsc.VectorSubcoreMesh(core_axis_name="c", subcore_axis_name="s")
    vc = pl.kernel(
        _gcand_body,
        mesh=mesh,
        out_type=jax.ShapeDtypeStruct((B, _M, C), jnp.float32),
        scratch_types=[pltpu.VMEM((_M,), jnp.int32),
                       pltpu.VMEM((_M, C), jnp.float32),
                       pltpu.SemaphoreType.DMA],
    )(visual_input.reshape(B * T, C), cand)

    idx2 = pl.pallas_call(
        _rerank_body,
        out_shape=jax.ShapeDtypeStruct((B, _PADK), jnp.int32),
    )(vc, q, wk, m2, z2, cand)

    out_a, out_pa, out_pv = pl.kernel(
        _gather_body,
        mesh=mesh,
        out_type=[jax.ShapeDtypeStruct((B, _PADK, C), jnp.float32)] * 3,
        scratch_types=[pltpu.VMEM((_PADK,), jnp.int32),
                       pltpu.VMEM((_PADK, C), jnp.float32),
                       pltpu.SemaphoreType.DMA],
    )(audio_input.reshape(B * T, C),
      patch_inputs[0].reshape(B * T, C),
      patch_inputs[1].reshape(B * T, C),
      idx2)
    return (out_a[:, :_TOPK, :], out_pa[:, :_TOPK, :], out_pv[:, :_TOPK, :])

# --- scband reference (transcript-rebuilt; emitter-appended) ---
"""Pipeline reference for scband-tspm-top-kselection-86440511799909 (READ-ONLY COPY).

The authoritative reference and input builder live on the scoring server;
editing this copy changes nothing except your own understanding.
"""

import jax, jax.numpy as jnp
import numpy as np

TOPK = 10
NHEADS = 4


def setup_inputs(seed: int = 0) -> dict:
    key = jax.random.key(seed)
    ks = jax.random.split(key, 12)
    B, T, C = 16, 4096, 512
    s = 0.02
    return {
        "audio_input": jax.random.normal(ks[0], (B, T, C), dtype=jnp.float32),
        "visual_input": jax.random.normal(ks[1], (B, T, C), dtype=jnp.float32),
        "patch_inputs": jax.random.normal(ks[2], (2, B, T, C), dtype=jnp.float32),
        "qst_input": jax.random.normal(ks[3], (B, C), dtype=jnp.float32),
        "in_proj_weight": jax.random.normal(ks[4], (3 * C, C), dtype=jnp.float32) * s,
        "in_proj_bias": jnp.zeros((3 * C,), dtype=jnp.float32),
        "out_proj_weight": jax.random.normal(ks[5], (C, C), dtype=jnp.float32) * s,
        "out_proj_bias": jnp.zeros((C,), dtype=jnp.float32),
        "lin1_w": jax.random.normal(ks[6], (C, C), dtype=jnp.float32) * s,
        "lin1_b": jnp.zeros((C,), dtype=jnp.float32),
        "lin2_w": jax.random.normal(ks[7], (C, C), dtype=jnp.float32) * s,
        "lin2_b": jnp.zeros((C,), dtype=jnp.float32),
        "ln_g": jnp.ones((C,), dtype=jnp.float32),
        "ln_b": jnp.zeros((C,), dtype=jnp.float32),
    }


def _forward(audio_input, visual_input, patch_inputs, qst_input,
             in_proj_weight, in_proj_bias, out_proj_weight, out_proj_bias,
             lin1_w, lin1_b, lin2_w, lin2_b, ln_g, ln_b):
    B, T, C = audio_input.shape
    H = NHEADS
    dh = C // H
    # QstQueryClipAttn (eval mode, dropout = identity)
    kv = jnp.transpose(visual_input, (1, 0, 2))          # [T, B, C]
    q_in = qst_input[None, :, :]                          # [1, B, C]
    Wq, Wk, Wv = jnp.split(in_proj_weight, 3, axis=0)
    bq, bk, bv = jnp.split(in_proj_bias, 3)
    q = jnp.einsum('lbc,dc->lbd', q_in, Wq) + bq
    k = jnp.einsum('lbc,dc->lbd', kv, Wk) + bk
    v = jnp.einsum('lbc,dc->lbd', kv, Wv) + bv
    q = jnp.transpose(q.reshape(1, B * H, dh), (1, 0, 2)) * (1.0 / np.sqrt(dh))
    k = jnp.transpose(k.reshape(T, B * H, dh), (1, 0, 2))
    v = jnp.transpose(v.reshape(T, B * H, dh), (1, 0, 2))
    logits = jnp.einsum('bqd,bkd->bqk', q, k)             # [B*H, 1, T]
    w = jax.nn.softmax(logits, axis=-1)
    attn_out = jnp.einsum('bqk,bkd->bqd', w, v)           # [B*H, 1, dh]
    attn_out = jnp.transpose(attn_out, (1, 0, 2)).reshape(1, B, C)
    attn_out = attn_out @ out_proj_weight.T + out_proj_bias
    temp_weights = w.reshape(B, H, 1, T).mean(axis=1)     # [B, 1, T]
    # FFN + residual + LayerNorm (computed faithfully; not part of returned outputs)
    attn_feat = attn_out[0]
    src = jax.nn.relu(attn_feat @ lin1_w.T + lin1_b) @ lin2_w.T + lin2_b
    attn = attn_feat + src
    mu = attn.mean(axis=-1, keepdims=True)
    var = ((attn - mu) ** 2).mean(axis=-1, keepdims=True)
    attn = (attn - mu) / jnp.sqrt(var + 1e-5) * ln_g + ln_b
    # SelectTopK
    sort_index = jnp.argsort(temp_weights, axis=-1)       # [B, 1, T]
    top_k_index = sort_index[:, :, -TOPK:]
    top_k_index_sort = jnp.sort(top_k_index, axis=-1)     # [B, 1, TOPK]
    idx = top_k_index_sort[:, 0, :]                       # [B, TOPK]
    output_audio = jnp.take_along_axis(audio_input, idx[:, :, None], axis=1)
    out_a_patches = jnp.take_along_axis(patch_inputs[0], idx[:, :, None], axis=1)
    out_v_patches = jnp.take_along_axis(patch_inputs[1], idx[:, :, None], axis=1)
    return (output_audio, out_a_patches, out_v_patches)


def reference(audio_input, visual_input, patch_inputs, qst_input,
              in_proj_weight, in_proj_bias, out_proj_weight, out_proj_bias,
              lin1_w, lin1_b, lin2_w, lin2_b, ln_g, ln_b):
    return _forward(audio_input=audio_input, visual_input=visual_input,
                    patch_inputs=patch_inputs, qst_input=qst_input,
                    in_proj_weight=in_proj_weight, in_proj_bias=in_proj_bias,
                    out_proj_weight=out_proj_weight, out_proj_bias=out_proj_bias,
                    lin1_w=lin1_w, lin1_b=lin1_b, lin2_w=lin2_w, lin2_b=lin2_b,
                    ln_g=ln_g, ln_b=ln_b)

if __name__ == "__main__":
    import jax
    _d = setup_inputs()
    print(jax.jit(kernel)(*tuple(_d.values())))

</pallas_src>

<mosaic_0001>
#map = affine_map<(d0, d1) -> (0, 0)>
#map1 = affine_map<(d0, d1) -> (0, 0, 0)>
module attributes {stable_mosaic.version = 14 : i64} {
  func.func @_gcand_body(%arg0: i32, %arg1: i32, %arg2: memref<65536x512xf32, #tpu.memory_space<hbm>>, %arg3: memref<16x16xi32, #tpu.memory_space<hbm>>, %arg4: memref<16x16x512xf32, #tpu.memory_space<hbm>>, %arg5: memref<16xi32, #tpu.memory_space<vmem>>, %arg6: memref<16x512xf32, #tpu.memory_space<vmem>>, %arg7: memref<!tpu.dma_semaphore, #tpu.memory_space<semaphore_mem>>) attributes {dimension_semantics = [#tpu.dimension_semantics<core_parallel>, #tpu.dimension_semantics<subcore_parallel>], iteration_bounds = array<i64: 2, 16>, scalar_prefetch = 0 : i64, scratch_operands = 3 : i64, tpu.core_type = #tpu.core_type<sc_vector_subcore>, window_params = [{transform_indices = #map}, {transform_indices = #map}, {transform_indices = #map1}]} {
    %mul3A = arith.constant 2 : i32
    %mul3A_0 = arith.muli %arg1, %mul3A : i32
    %add3A = arith.addi %mul3A_0, %arg0 : i32
    %add3A_1 = arith.constant 0 : i32
    %add3A_2 = arith.addi %add3A, %add3A_1 : i32
    %lt3A = arith.constant 16 : i32
    %lt3A_3 = arith.cmpi slt, %add3A_2, %lt3A : i32
    %convert_element_type3A = arith.extui %lt3A_3 : i1 to i32
    %cond3A = arith.constant 0 : i32
    %cond3A_4 = arith.cmpi ne, %convert_element_type3A, %cond3A : i32
    scf.if %cond3A_4 {
      "tpu.region"() ({
        %run_scoped3A = tpu.sem_alloc : memref<!tpu.dma_semaphore, #tpu.memory_space<semaphore_mem>>
        %dma_start3A_9 = arith.constant 0 : i32
        %dma_start3A_10 = tpu.memref_slice %arg3[%add3A_2, %dma_start3A_9] : memref<16x16xi32, #tpu.memory_space<hbm>> -> memref<1x16xi32, #tpu.memory_space<hbm>>
        %dma_start3A_11 = tpu.memref_squeeze %dma_start3A_10 : memref<1x16xi32, #tpu.memory_space<hbm>> -> memref<16xi32, #tpu.memory_space<hbm>>
        %dma_start3A_12 = arith.constant 0 : i32
        %dma_start3A_13 = tpu.memref_slice %arg3[%add3A_2, %dma_start3A_12] : memref<16x16xi32, #tpu.memory_space<hbm>> -> memref<1x16xi32, #tpu.memory_space<hbm>>
        %dma_start3A_14 = tpu.memref_squeeze %dma_start3A_13 : memref<1x16xi32, #tpu.memory_space<hbm>> -> memref<16xi32, #tpu.memory_space<hbm>>
        tpu.enqueue_dma source(%dma_start3A_14 : memref<16xi32, #tpu.memory_space<hbm>>) target(%arg5 : memref<16xi32, #tpu.memory_space<vmem>>) target_semaphore(%run_scoped3A : memref<!tpu.dma_semaphore, #tpu.memory_space<semaphore_mem>>)
        %dma_wait3A_15 = arith.constant 0 : i32
        %dma_wait3A_16 = tpu.memref_slice %arg3[%add3A_2, %dma_wait3A_15] : memref<16x16xi32, #tpu.memory_space<hbm>> -> memref<1x16xi32, #tpu.memory_space<hbm>>
        %dma_wait3A_17 = tpu.memref_squeeze %dma_wait3A_16 : memref<1x16xi32, #tpu.memory_space<hbm>> -> memref<16xi32, #tpu.memory_space<hbm>>
        %dma_wait3A_18 = arith.constant 0 : i32
        %dma_wait3A_19 = tpu.memref_slice %arg3[%add3A_2, %dma_wait3A_18] : memref<16x16xi32, #tpu.memory_space<hbm>> -> memref<1x16xi32, #tpu.memory_space<hbm>>
        %dma_wait3A_20 = tpu.memref_squeeze %dma_wait3A_19 : memref<1x16xi32, #tpu.memory_space<hbm>> -> memref<16xi32, #tpu.memory_space<hbm>>
        tpu.wait_dma2 semaphore(%run_scoped3A : memref<!tpu.dma_semaphore, #tpu.memory_space<semaphore_mem>>) src(%dma_wait3A_20 : memref<16xi32, #tpu.memory_space<hbm>>) dst(%arg5 : memref<16xi32, #tpu.memory_space<vmem>>)
        tpu.yield
      }) : () -> ()
      %dma_start3A = arith.constant 0 : i32
      %dma_start3A_5 = arith.constant 0 : i32
      %dma_start3A_6 = tpu.memref_slice %arg2[%dma_start3A, %dma_start3A_5] : memref<65536x512xf32, #tpu.memory_space<hbm>> -> memref<65536x512xf32, #tpu.memory_space<hbm>>
      tpu.enqueue_indirect_dma source(%dma_start3A_6 : memref<65536x512xf32, #tpu.memory_space<hbm>>) target(%arg6 : memref<16x512xf32, #tpu.memory_space<vmem>>) offsets(%arg5 : memref<16xi32, #tpu.memory_space<vmem>>) semaphore(%arg7 : memref<!tpu.dma_semaphore, #tpu.memory_space<semaphore_mem>>)
      %dma_wait3A = arith.constant 0 : i32
      %dma_wait3A_7 = arith.constant 0 : i32
      %dma_wait3A_8 = tpu.memref_slice %arg2[%dma_wait3A, %dma_wait3A_7] : memref<65536x512xf32, #tpu.memory_space<hbm>> -> memref<65536x512xf32, #tpu.memory_space<hbm>>
      tpu.wait_indirect_dma semaphore(%arg7 : memref<!tpu.dma_semaphore, #tpu.memory_space<semaphore_mem>>) src(%dma_wait3A_8 : memref<65536x512xf32, #tpu.memory_space<hbm>>) dst(%arg6 : memref<16x512xf32, #tpu.memory_space<vmem>>)
      "tpu.region"() ({
        %run_scoped3A = tpu.sem_alloc : memref<!tpu.dma_semaphore, #tpu.memory_space<semaphore_mem>>
        %dma_start3A_9 = arith.constant 0 : i32
        %dma_start3A_10 = arith.constant 0 : i32
        %dma_start3A_11 = tpu.memref_slice %arg4[%add3A_2, %dma_start3A_9, %dma_start3A_10] : memref<16x16x512xf32, #tpu.memory_space<hbm>> -> memref<1x16x512xf32, #tpu.memory_space<hbm>>
        %dma_start3A_12 = tpu.memref_squeeze %dma_start3A_11 : memref<1x16x512xf32, #tpu.memory_space<hbm>> -> memref<16x512xf32, #tpu.memory_space<hbm>>
        %dma_start3A_13 = arith.constant 0 : i32
        %dma_start3A_14 = arith.constant 0 : i32
        %dma_start3A_15 = tpu.memref_slice %arg4[%add3A_2, %dma_start3A_13, %dma_start3A_14] : memref<16x16x512xf32, #tpu.memory_space<hbm>> -> memref<1x16x512xf32, #tpu.memory_space<hbm>>
        %dma_start3A_16 = tpu.memref_squeeze %dma_start3A_15 : memref<1x16x512xf32, #tpu.memory_space<hbm>> -> memref<16x512xf32, #tpu.memory_space<hbm>>
        tpu.enqueue_dma source(%arg6 : memref<16x512xf32, #tpu.memory_space<vmem>>) target(%dma_start3A_16 : memref<16x512xf32, #tpu.memory_space<hbm>>) target_semaphore(%run_scoped3A : memref<!tpu.dma_semaphore, #tpu.memory_space<semaphore_mem>>)
        %dma_wait3A_17 = arith.constant 0 : i32
        %dma_wait3A_18 = arith.constant 0 : i32
        %dma_wait3A_19 = tpu.memref_slice %arg4[%add3A_2, %dma_wait3A_17, %dma_wait3A_18] : memref<16x16x512xf32, #tpu.memory_space<hbm>> -> memref<1x16x512xf32, #tpu.memory_space<hbm>>
        %dma_wait3A_20 = tpu.memref_squeeze %dma_wait3A_19 : memref<1x16x512xf32, #tpu.memory_space<hbm>> -> memref<16x512xf32, #tpu.memory_space<hbm>>
        %dma_wait3A_21 = arith.constant 0 : i32
        %dma_wait3A_22 = arith.constant 0 : i32
        %dma_wait3A_23 = tpu.memref_slice %arg4[%add3A_2, %dma_wait3A_21, %dma_wait3A_22] : memref<16x16x512xf32, #tpu.memory_space<hbm>> -> memref<1x16x512xf32, #tpu.memory_space<hbm>>
        %dma_wait3A_24 = tpu.memref_squeeze %dma_wait3A_23 : memref<1x16x512xf32, #tpu.memory_space<hbm>> -> memref<16x512xf32, #tpu.memory_space<hbm>>
        tpu.wait_dma2 semaphore(%run_scoped3A : memref<!tpu.dma_semaphore, #tpu.memory_space<semaphore_mem>>) src(%arg6 : memref<16x512xf32, #tpu.memory_space<vmem>>) dst(%dma_wait3A_24 : memref<16x512xf32, #tpu.memory_space<hbm>>)
        tpu.yield
      }) : () -> ()
    } else {
    }
    return
  }
}

#map = affine_map<(d0, d1) -> (0, 0)>
#map1 = affine_map<(d0, d1) -> (0, 0, 0)>
module attributes {stable_mosaic.version = 14 : i64} {
  func.func @_gather_body(%arg0: i32, %arg1: i32, %arg2: memref<65536x512xf32, #tpu.memory_space<hbm>>, %arg3: memref<65536x512xf32, #tpu.memory_space<hbm>>, %arg4: memref<65536x512xf32, #tpu.memory_space<hbm>>, %arg5: memref<16x16xi32, #tpu.memory_space<hbm>>, %arg6: memref<16x16x512xf32, #tpu.memory_space<hbm>>, %arg7: memref<16x16x512xf32, #tpu.memory_space<hbm>>, %arg8: memref<16x16x512xf32, #tpu.memory_space<hbm>>, %arg9: memref<16xi32, #tpu.memory_space<vmem>>, %arg10: memref<16x512xf32, #tpu.memory_space<vmem>>, %arg11: memref<!tpu.dma_semaphore, #tpu.memory_space<semaphore_mem>>) attributes {dimension_semantics = [#tpu.dimension_semantics<core_parallel>, #tpu.dimension_semantics<subcore_parallel>], iteration_bounds = array<i64: 2, 16>, scalar_prefetch = 0 : i64, scratch_operands = 3 : i64, tpu.core_type = #tpu.core_type<sc_vector_subcore>, window_params = [{transform_indices = #map}, {transform_indices = #map}, {transform_indices = #map}, {transform_indices = #map}, {transform_indices = #map1}, {transform_indices = #map1}, {transform_indices = #map1}]} {
    %mul3A = arith.constant 2 : i32
    %mul3A_0 = arith.muli %arg1, %mul3A : i32
    %add3A = arith.addi %mul3A_0, %arg0 : i32
    %add3A_1 = arith.constant 0 : i32
    %add3A_2 = arith.addi %add3A, %add3A_1 : i32
    %rem3A = arith.constant 16 : i32
    %rem3A_3 = arith.remsi %add3A_2, %rem3A : i32
    %ge3A = arith.constant 0 : i32
    %ge3A_4 = arith.cmpi sge, %add3A_2, %ge3A : i32
    %lt3A = arith.constant 16 : i32
    %lt3A_5 = arith.cmpi slt, %add3A_2, %lt3A : i32
    %and3A = arith.andi %ge3A_4, %lt3A_5 : i1
    %convert_element_type3A = arith.extui %and3A : i1 to i32
    %cond3A = arith.constant 0 : i32
    %cond3A_6 = arith.cmpi ne, %convert_element_type3A, %cond3A : i32
    scf.if %cond3A_6 {
      "tpu.region"() ({
        %run_scoped3A = tpu.sem_alloc : memref<!tpu.dma_semaphore, #tpu.memory_space<semaphore_mem>>
        %dma_start3A_55 = arith.constant 0 : i32
        %dma_start3A_56 = tpu.memref_slice %arg5[%rem3A_3, %dma_start3A_55] : memref<16x16xi32, #tpu.memory_space<hbm>> -> memref<1x16xi32, #tpu.memory_space<hbm>>
        %dma_start3A_57 = tpu.memref_squeeze %dma_start3A_56 : memref<1x16xi32, #tpu.memory_space<hbm>> -> memref<16xi32, #tpu.memory_space<hbm>>
        %dma_start3A_58 = arith.constant 0 : i32
        %dma_start3A_59 = tpu.memref_slice %arg5[%rem3A_3, %dma_start3A_58] : memref<16x16xi32, #tpu.memory_space<hbm>> -> memref<1x16xi32, #tpu.memory_space<hbm>>
        %dma_start3A_60 = tpu.memref_squeeze %dma_start3A_59 : memref<1x16xi32, #tpu.memory_space<hbm>> -> memref<16xi32, #tpu.memory_space<hbm>>
        tpu.enqueue_dma source(%dma_start3A_60 : memref<16xi32, #tpu.memory_space<hbm>>) target(%arg9 : memref<16xi32, #tpu.memory_space<vmem>>) target_semaphore(%run_scoped3A : memref<!tpu.dma_semaphore, #tpu.memory_space<semaphore_mem>>)
        %dma_wait3A_61 = arith.constant 0 : i32
        %dma_wait3A_62 = tpu.memref_slice %arg5[%rem3A_3, %dma_wait3A_61] : memref<16x16xi32, #tpu.memory_space<hbm>> -> memref<1x16xi32, #tpu.memory_space<hbm>>
        %dma_wait3A_63 = tpu.memref_squeeze %dma_wait3A_62 : memref<1x16xi32, #tpu.memory_space<hbm>> -> memref<16xi32, #tpu.memory_space<hbm>>
        %dma_wait3A_64 = arith.constant 0 : i32
        %dma_wait3A_65 = tpu.memref_slice %arg5[%rem3A_3, %dma_wait3A_64] : memref<16x16xi32, #tpu.memory_space<hbm>> -> memref<1x16xi32, #tpu.memory_space<hbm>>
        %dma_wait3A_66 = tpu.memref_squeeze %dma_wait3A_65 : memref<1x16xi32, #tpu.memory_space<hbm>> -> memref<16xi32, #tpu.memory_space<hbm>>
        tpu.wait_dma2 semaphore(%run_scoped3A : memref<!tpu.dma_semaphore, #tpu.memory_space<semaphore_mem>>) src(%dma_wait3A_66 : memref<16xi32, #tpu.memory_space<hbm>>) dst(%arg9 : memref<16xi32, #tpu.memory_space<vmem>>)
        tpu.yield
      }) : () -> ()
      %dma_start3A = arith.constant 0 : i32
      %dma_start3A_51 = arith.constant 0 : i32
      %dma_start3A_52 = tpu.memref_slice %arg2[%dma_start3A, %dma_start3A_51] : memref<65536x512xf32, #tpu.memory_space<hbm>> -> memref<65536x512xf32, #tpu.memory_space<hbm>>
      tpu.enqueue_indirect_dma source(%dma_start3A_52 : memref<65536x512xf32, #tpu.memory_space<hbm>>) target(%arg10 : memref<16x512xf32, #tpu.memory_space<vmem>>) offsets(%arg9 : memref<16xi32, #tpu.memory_space<vmem>>) semaphore(%arg11 : memref<!tpu.dma_semaphore, #tpu.memory_space<semaphore_mem>>)
      %dma_wait3A = arith.constant 0 : i32
      %dma_wait3A_53 = arith.constant 0 : i32
      %dma_wait3A_54 = tpu.memref_slice %arg2[%dma_wait3A, %dma_wait3A_53] : memref<65536x512xf32, #tpu.memory_space<hbm>> -> memref<65536x512xf32, #tpu.memory_space<hbm>>
      tpu.wait_indirect_dma semaphore(%arg11 : memref<!tpu.dma_semaphore, #tpu.memory_space<semaphore_mem>>) src(%dma_wait3A_54 : memref<65536x512xf32, #tpu.memory_space<hbm>>) dst(%arg10 : memref<16x512xf32, #tpu.memory_space<vmem>>)
      "tpu.region"() ({
        %run_scoped3A = tpu.sem_alloc : memref<!tpu.dma_semaphore, #tpu.memory_space<semaphore_mem>>
        %dma_start3A_55 = arith.constant 0 : i32
        %dma_start3A_56 = arith.constant 0 : i32
        %dma_start3A_57 = tpu.memref_slice %arg6[%rem3A_3, %dma_start3A_55, %dma_start3A_56] : memref<16x16x512xf32, #tpu.memory_space<hbm>> -> memref<1x16x512xf32, #tpu.memory_space<hbm>>
        %dma_start3A_58 = tpu.memref_squeeze %dma_start3A_57 : memref<1x16x512xf32, #tpu.memory_space<hbm>> -> memref<16x512xf32, #tpu.memory_space<hbm>>
        %dma_start3A_59 = arith.constant 0 : i32
        %dma_start3A_60 = arith.constant 0 : i32
        %dma_start3A_61 = tpu.memref_slice %arg6[%rem3A_3, %dma_start3A_59, %dma_start3A_60] : memref<16x16x512xf32, #tpu.memory_space<hbm>> -> memref<1x16x512xf32, #tpu.memory_space<hbm>>
        %dma_start3A_62 = tpu.memref_squeeze %dma_start3A_61 : memref<1x16x512xf32, #tpu.memory_space<hbm>> -> memref<16x512xf32, #tpu.memory_space<hbm>>
        tpu.enqueue_dma source(%arg10 : memref<16x512xf32, #tpu.memory_space<vmem>>) target(%dma_start3A_62 : memref<16x512xf32, #tpu.memory_space<hbm>>) target_semaphore(%run_scoped3A : memref<!tpu.dma_semaphore, #tpu.memory_space<semaphore_mem>>)
        %dma_wait3A_63 = arith.constant 0 : i32
        %dma_wait3A_64 = arith.constant 0 : i32
        %dma_wait3A_65 = tpu.memref_slice %arg6[%rem3A_3, %dma_wait3A_63, %dma_wait3A_64] : memref<16x16x512xf32, #tpu.memory_space<hbm>> -> memref<1x16x512xf32, #tpu.memory_space<hbm>>
        %dma_wait3A_66 = tpu.memref_squeeze %dma_wait3A_65 : memref<1x16x512xf32, #tpu.memory_space<hbm>> -> memref<16x512xf32, #tpu.memory_space<hbm>>
        %dma_wait3A_67 = arith.constant 0 : i32
        %dma_wait3A_68 = arith.constant 0 : i32
        %dma_wait3A_69 = tpu.memref_slice %arg6[%rem3A_3, %dma_wait3A_67, %dma_wait3A_68] : memref<16x16x512xf32, #tpu.memory_space<hbm>> -> memref<1x16x512xf32, #tpu.memory_space<hbm>>
        %dma_wait3A_70 = tpu.memref_squeeze %dma_wait3A_69 : memref<1x16x512xf32, #tpu.memory_space<hbm>> -> memref<16x512xf32, #tpu.memory_space<hbm>>
        tpu.wait_dma2 semaphore(%run_scoped3A : memref<!tpu.dma_semaphore, #tpu.memory_space<semaphore_mem>>) src(%arg10 : memref<16x512xf32, #tpu.memory_space<vmem>>) dst(%dma_wait3A_70 : memref<16x512xf32, #tpu.memory_space<hbm>>)
        tpu.yield
      }) : () -> ()
    } else {
    }
    %ge3A_7 = arith.constant 16 : i32
    %ge3A_8 = arith.cmpi sge, %add3A_2, %ge3A_7 : i32
    %lt3A_9 = arith.constant 32 : i32
    %lt3A_10 = arith.cmpi slt, %add3A_2, %lt3A_9 : i32
    %and3A_11 = arith.andi %ge3A_8, %lt3A_10 : i1
    %convert_element_type3A_12 = arith.extui %and3A_11 : i1 to i32
    %cond3A_13 = arith.constant 0 : i32
    %cond3A_14 = arith.cmpi ne, %convert_element_type3A_12, %cond3A_13 : i32
    scf.if %cond3A_14 {
      "tpu.region"() ({
        %run_scoped3A = tpu.sem_alloc : memref<!tpu.dma_semaphore, #tpu.memory_space<semaphore_mem>>
        %dma_start3A_55 = arith.constant 0 : i32
        %dma_start3A_56 = tpu.memref_slice %arg5[%rem3A_3, %dma_start3A_55] : memref<16x16xi32, #tpu.memory_space<hbm>> -> memref<1x16xi32, #tpu.memory_space<hbm>>
        %dma_start3A_57 = tpu.memref_squeeze %dma_start3A_56 : memref<1x16xi32, #tpu.memory_space<hbm>> -> memref<16xi32, #tpu.memory_space<hbm>>
        %dma_start3A_58 = arith.constant 0 : i32
        %dma_start3A_59 = tpu.memref_slice %arg5[%rem3A_3, %dma_start3A_58] : memref<16x16xi32, #tpu.memory_space<hbm>> -> memref<1x16xi32, #tpu.memory_space<hbm>>
        %dma_start3A_60 = tpu.memref_squeeze %dma_start3A_59 : memref<1x16xi32, #tpu.memory_space<hbm>> -> memref<16xi32, #tpu.memory_space<hbm>>
        tpu.enqueue_dma source(%dma_start3A_60 : memref<16xi32, #tpu.memory_space<hbm>>) target(%arg9 : memref<16xi32, #tpu.memory_space<vmem>>) target_semaphore(%run_scoped3A : memref<!tpu.dma_semaphore, #tpu.memory_space<semaphore_mem>>)
        %dma_wait3A_61 = arith.constant 0 : i32
        %dma_wait3A_62 = tpu.memref_slice %arg5[%rem3A_3, %dma_wait3A_61] : memref<16x16xi32, #tpu.memory_space<hbm>> -> memref<1x16xi32, #tpu.memory_space<hbm>>
        %dma_wait3A_63 = tpu.memref_squeeze %dma_wait3A_62 : memref<1x16xi32, #tpu.memory_space<hbm>> -> memref<16xi32, #tpu.memory_space<hbm>>
        %dma_wait3A_64 = arith.constant 0 : i32
        %dma_wait3A_65 = tpu.memref_slice %arg5[%rem3A_3, %dma_wait3A_64] : memref<16x16xi32, #tpu.memory_space<hbm>> -> memref<1x16xi32, #tpu.memory_space<hbm>>
        %dma_wait3A_66 = tpu.memref_squeeze %dma_wait3A_65 : memref<1x16xi32, #tpu.memory_space<hbm>> -> memref<16xi32, #tpu.memory_space<hbm>>
        tpu.wait_dma2 semaphore(%run_scoped3A : memref<!tpu.dma_semaphore, #tpu.memory_space<semaphore_mem>>) src(%dma_wait3A_66 : memref<16xi32, #tpu.memory_space<hbm>>) dst(%arg9 : memref<16xi32, #tpu.memory_space<vmem>>)
        tpu.yield
      }) : () -> ()
      %dma_start3A = arith.constant 0 : i32
      %dma_start3A_51 = arith.constant 0 : i32
      %dma_start3A_52 = tpu.memref_slice %arg3[%dma_start3A, %dma_start3A_51] : memref<65536x512xf32, #tpu.memory_space<hbm>> -> memref<65536x512xf32, #tpu.memory_space<hbm>>
      tpu.enqueue_indirect_dma source(%dma_start3A_52 : memref<65536x512xf32, #tpu.memory_space<hbm>>) target(%arg10 : memref<16x512xf32, #tpu.memory_space<vmem>>) offsets(%arg9 : memref<16xi32, #tpu.memory_space<vmem>>) semaphore(%arg11 : memref<!tpu.dma_semaphore, #tpu.memory_space<semaphore_mem>>)
      %dma_wait3A = arith.constant 0 : i32
      %dma_wait3A_53 = arith.constant 0 : i32
      %dma_wait3A_54 = tpu.memref_slice %arg3[%dma_wait3A, %dma_wait3A_53] : memref<65536x512xf32, #tpu.memory_space<hbm>> -> memref<65536x512xf32, #tpu.memory_space<hbm>>
      tpu.wait_indirect_dma semaphore(%arg11 : memref<!tpu.dma_semaphore, #tpu.memory_space<semaphore_mem>>) src(%dma_wait3A_54 : memref<65536x512xf32, #tpu.memory_space<hbm>>) dst(%arg10 : memref<16x512xf32, #tpu.memory_space<vmem>>)
      "tpu.region"() ({
        %run_scoped3A = tpu.sem_alloc : memref<!tpu.dma_semaphore, #tpu.memory_space<semaphore_mem>>
        %dma_start3A_55 = arith.constant 0 : i32
        %dma_start3A_56 = arith.constant 0 : i32
        %dma_start3A_57 = tpu.memref_slice %arg7[%rem3A_3, %dma_start3A_55, %dma_start3A_56] : memref<16x16x512xf32, #tpu.memory_space<hbm>> -> memref<1x16x512xf32, #tpu.memory_space<hbm>>
        %dma_start3A_58 = tpu.memref_squeeze %dma_start3A_57 : memref<1x16x512xf32, #tpu.memory_space<hbm>> -> memref<16x512xf32, #tpu.memory_space<hbm>>
        %dma_start3A_59 = arith.constant 0 : i32
        %dma_start3A_60 = arith.constant 0 : i32
        %dma_start3A_61 = tpu.memref_slice %arg7[%rem3A_3, %dma_start3A_59, %dma_start3A_60] : memref<16x16x512xf32, #tpu.memory_space<hbm>> -> memref<1x16x512xf32, #tpu.memory_space<hbm>>
        %dma_start3A_62 = tpu.memref_squeeze %dma_start3A_61 : memref<1x16x512xf32, #tpu.memory_space<hbm>> -> memref<16x512xf32, #tpu.memory_space<hbm>>
        tpu.enqueue_dma source(%arg10 : memref<16x512xf32, #tpu.memory_space<vmem>>) target(%dma_start3A_62 : memref<16x512xf32, #tpu.memory_space<hbm>>) target_semaphore(%run_scoped3A : memref<!tpu.dma_semaphore, #tpu.memory_space<semaphore_mem>>)
        %dma_wait3A_63 = arith.constant 0 : i32
        %dma_wait3A_64 = arith.constant 0 : i32
        %dma_wait3A_65 = tpu.memref_slice %arg7[%rem3A_3, %dma_wait3A_63, %dma_wait3A_64] : memref<16x16x512xf32, #tpu.memory_space<hbm>> -> memref<1x16x512xf32, #tpu.memory_space<hbm>>
        %dma_wait3A_66 = tpu.memref_squeeze %dma_wait3A_65 : memref<1x16x512xf32, #tpu.memory_space<hbm>> -> memref<16x512xf32, #tpu.memory_space<hbm>>
        %dma_wait3A_67 = arith.constant 0 : i32
        %dma_wait3A_68 = arith.constant 0 : i32
        %dma_wait3A_69 = tpu.memref_slice %arg7[%rem3A_3, %dma_wait3A_67, %dma_wait3A_68] : memref<16x16x512xf32, #tpu.memory_space<hbm>> -> memref<1x16x512xf32, #tpu.memory_space<hbm>>
        %dma_wait3A_70 = tpu.memref_squeeze %dma_wait3A_69 : memref<1x16x512xf32, #tpu.memory_space<hbm>> -> memref<16x512xf32, #tpu.memory_space<hbm>>
        tpu.wait_dma2 semaphore(%run_scoped3A : memref<!tpu.dma_semaphore, #tpu.memory_space<semaphore_mem>>) src(%arg10 : memref<16x512xf32, #tpu.memory_space<vmem>>) dst(%dma_wait3A_70 : memref<16x512xf32, #tpu.memory_space<hbm>>)
        tpu.yield
      }) : () -> ()
    } else {
    }
    %ge3A_15 = arith.constant 32 : i32
    %ge3A_16 = arith.cmpi sge, %add3A_2, %ge3A_15 : i32
    %lt3A_17 = arith.constant 48 : i32
    %lt3A_18 = arith.cmpi slt, %add3A_2, %lt3A_17 : i32
    %and3A_19 = arith.andi %ge3A_16, %lt3A_18 : i1
    %convert_element_type3A_20 = arith.extui %and3A_19 : i1 to i32
    %cond3A_21 = arith.constant 0 : i32
    %cond3A_22 = arith.cmpi ne, %convert_element_type3A_20, %cond3A_21 : i32
    scf.if %cond3A_22 {
      "tpu.region"() ({
        %run_scoped3A = tpu.sem_alloc : memref<!tpu.dma_semaphore, #tpu.memory_space<semaphore_mem>>
        %dma_start3A_55 = arith.constant 0 : i32
        %dma_start3A_56 = tpu.memref_slice %arg5[%rem3A_3, %dma_start3A_55] : memref<16x16xi32, #tpu.memory_space<hbm>> -> memref<1x16xi32, #tpu.memory_space<hbm>>
        %dma_start3A_57 = tpu.memref_squeeze %dma_start3A_56 : memref<1x16xi32, #tpu.memory_space<hbm>> -> memref<16xi32, #tpu.memory_space<hbm>>
        %dma_start3A_58 = arith.constant 0 : i32
        %dma_start3A_59 = tpu.memref_slice %arg5[%rem3A_3, %dma_start3A_58] : memref<16x16xi32, #tpu.memory_space<hbm>> -> memref<1x16xi32, #tpu.memory_space<hbm>>
        %dma_start3A_60 = tpu.memref_squeeze %dma_start3A_59 : memref<1x16xi32, #tpu.memory_space<hbm>> -> memref<16xi32, #tpu.memory_space<hbm>>
        tpu.enqueue_dma source(%dma_start3A_60 : memref<16xi32, #tpu.memory_space<hbm>>) target(%arg9 : memref<16xi32, #tpu.memory_space<vmem>>) target_semaphore(%run_scoped3A : memref<!tpu.dma_semaphore, #tpu.memory_space<semaphore_mem>>)
        %dma_wait3A_61 = arith.constant 0 : i32
        %dma_wait3A_62 = tpu.memref_slice %arg5[%rem3A_3, %dma_wait3A_61] : memref<16x16xi32, #tpu.memory_space<hbm>> -> memref<1x16xi32, #tpu.memory_space<hbm>>
        %dma_wait3A_63 = tpu.memref_squeeze %dma_wait3A_62 : memref<1x16xi32, #tpu.memory_space<hbm>> -> memref<16xi32, #tpu.memory_space<hbm>>
        %dma_wait3A_64 = arith.constant 0 : i32
        %dma_wait3A_65 = tpu.memref_slice %arg5[%rem3A_3, %dma_wait3A_64] : memref<16x16xi32, #tpu.memory_space<hbm>> -> memref<1x16xi32, #tpu.memory_space<hbm>>
        %dma_wait3A_66 = tpu.memref_squeeze %dma_wait3A_65 : memref<1x16xi32, #tpu.memory_space<hbm>> -> memref<16xi32, #tpu.memory_space<hbm>>
        tpu.wait_dma2 semaphore(%run_scoped3A : memref<!tpu.dma_semaphore, #tpu.memory_space<semaphore_mem>>) src(%dma_wait3A_66 : memref<16xi32, #tpu.memory_space<hbm>>) dst(%arg9 : memref<16xi32, #tpu.memory_space<vmem>>)
        tpu.yield
      }) : () -> ()
      %dma_start3A = arith.constant 0 : i32
      %dma_start3A_51 = arith.constant 0 : i32
      %dma_start3A_52 = tpu.memref_slice %arg4[%dma_start3A, %dma_start3A_51] : memref<65536x512xf32, #tpu.memory_space<hbm>> -> memref<65536x512xf32, #tpu.memory_space<hbm>>
      tpu.enqueue_indirect_dma source(%dma_start3A_52 : memref<65536x512xf32, #tpu.memory_space<hbm>>) target(%arg10 : memref<16x512xf32, #tpu.memory_space<vmem>>) offsets(%arg9 : memref<16xi32, #tpu.memory_space<vmem>>) semaphore(%arg11 : memref<!tpu.dma_semaphore, #tpu.memory_space<semaphore_mem>>)
      %dma_wait3A = arith.constant 0 : i32
      %dma_wait3A_53 = arith.constant 0 : i32
      %dma_wait3A_54 = tpu.memref_slice %arg4[%dma_wait3A, %dma_wait3A_53] : memref<65536x512xf32, #tpu.memory_space<hbm>> -> memref<65536x512xf32, #tpu.memory_space<hbm>>
      tpu.wait_indirect_dma semaphore(%arg11 : memref<!tpu.dma_semaphore, #tpu.memory_space<semaphore_mem>>) src(%dma_wait3A_54 : memref<65536x512xf32, #tpu.memory_space<hbm>>) dst(%arg10 : memref<16x512xf32, #tpu.memory_space<vmem>>)
      "tpu.region"() ({
        %run_scoped3A = tpu.sem_alloc : memref<!tpu.dma_semaphore, #tpu.memory_space<semaphore_mem>>
        %dma_start3A_55 = arith.constant 0 : i32
        %dma_start3A_56 = arith.constant 0 : i32
        %dma_start3A_57 = tpu.memref_slice %arg8[%rem3A_3, %dma_start3A_55, %dma_start3A_56] : memref<16x16x512xf32, #tpu.memory_space<hbm>> -> memref<1x16x512xf32, #tpu.memory_space<hbm>>
        %dma_start3A_58 = tpu.memref_squeeze %dma_start3A_57 : memref<1x16x512xf32, #tpu.memory_space<hbm>> -> memref<16x512xf32, #tpu.memory_space<hbm>>
        %dma_start3A_59 = arith.constant 0 : i32
        %dma_start3A_60 = arith.constant 0 : i32
        %dma_start3A_61 = tpu.memref_slice %arg8[%rem3A_3, %dma_start3A_59, %dma_start3A_60] : memref<16x16x512xf32, #tpu.memory_space<hbm>> -> memref<1x16x512xf32, #tpu.memory_space<hbm>>
        %dma_start3A_62 = tpu.memref_squeeze %dma_start3A_61 : memref<1x16x512xf32, #tpu.memory_space<hbm>> -> memref<16x512xf32, #tpu.memory_space<hbm>>
        tpu.enqueue_dma source(%arg10 : memref<16x512xf32, #tpu.memory_space<vmem>>) target(%dma_start3A_62 : memref<16x512xf32, #tpu.memory_space<hbm>>) target_semaphore(%run_scoped3A : memref<!tpu.dma_semaphore, #tpu.memory_space<semaphore_mem>>)
        %dma_wait3A_63 = arith.constant 0 : i32
        %dma_wait3A_64 = arith.constant 0 : i32
        %dma_wait3A_65 = tpu.memref_slice %arg8[%rem3A_3, %dma_wait3A_63, %dma_wait3A_64] : memref<16x16x512xf32, #tpu.memory_space<hbm>> -> memref<1x16x512xf32, #tpu.memory_space<hbm>>
        %dma_wait3A_66 = tpu.memref_squeeze %dma_wait3A_65 : memref<1x16x512xf32, #tpu.memory_space<hbm>> -> memref<16x512xf32, #tpu.memory_space<hbm>>
        %dma_wait3A_67 = arith.constant 0 : i32
        %dma_wait3A_68 = arith.constant 0 : i32
        %dma_wait3A_69 = tpu.memref_slice %arg8[%rem3A_3, %dma_wait3A_67, %dma_wait3A_68] : memref<16x16x512xf32, #tpu.memory_space<hbm>> -> memref<1x16x512xf32, #tpu.memory_space<hbm>>
        %dma_wait3A_70 = tpu.memref_squeeze %dma_wait3A_69 : memref<1x16x512xf32, #tpu.memory_space<hbm>> -> memref<16x512xf32, #tpu.memory_space<hbm>>
        tpu.wait_dma2 semaphore(%run_scoped3A : memref<!tpu.dma_semaphore, #tpu.memory_space<semaphore_mem>>) src(%arg10 : memref<16x512xf32, #tpu.memory_space<vmem>>) dst(%dma_wait3A_70 : memref<16x512xf32, #tpu.memory_space<hbm>>)
        tpu.yield
      }) : () -> ()
    } else {
    }
    %add3A_23 = arith.constant 32 : i32
    %add3A_24 = arith.addi %add3A, %add3A_23 : i32
    %rem3A_25 = arith.constant 16 : i32
    %rem3A_26 = arith.remsi %add3A_24, %rem3A_25 : i32
    %ge3A_27 = arith.constant 0 : i32
    %ge3A_28 = arith.cmpi sge, %add3A_24, %ge3A_27 : i32
    %lt3A_29 = arith.constant 16 : i32
    %lt3A_30 = arith.cmpi slt, %add3A_24, %lt3A_29 : i32
    %and3A_31 = arith.andi %ge3A_28, %lt3A_30 : i1
    %convert_element_type3A_32 = arith.extui %and3A_31 : i1 to i32
    %cond3A_33 = arith.constant 0 : i32
    %cond3A_34 = arith.cmpi ne, %convert_element_type3A_32, %cond3A_33 : i32
    scf.if %cond3A_34 {
      "tpu.region"() ({
        %run_scoped3A = tpu.sem_alloc : memref<!tpu.dma_semaphore, #tpu.memory_space<semaphore_mem>>
        %dma_start3A_55 = arith.constant 0 : i32
        %dma_start3A_56 = tpu.memref_slice %arg5[%rem3A_26, %dma_start3A_55] : memref<16x16xi32, #tpu.memory_space<hbm>> -> memref<1x16xi32, #tpu.memory_space<hbm>>
        %dma_start3A_57 = tpu.memref_squeeze %dma_start3A_56 : memref<1x16xi32, #tpu.memory_space<hbm>> -> memref<16xi32, #tpu.memory_space<hbm>>
        %dma_start3A_58 = arith.constant 0 : i32
        %dma_start3A_59 = tpu.memref_slice %arg5[%rem3A_26, %dma_start3A_58] : memref<16x16xi32, #tpu.memory_space<hbm>> -> memref<1x16xi32, #tpu.memory_space<hbm>>
        %dma_start3A_60 = tpu.memref_squeeze %dma_start3A_59 : memref<1x16xi32, #tpu.memory_space<hbm>> -> memref<16xi32, #tpu.memory_space<hbm>>
        tpu.enqueue_dma source(%dma_start3A_60 : memref<16xi32, #tpu.memory_space<hbm>>) target(%arg9 : memref<16xi32, #tpu.memory_space<vmem>>) target_semaphore(%run_scoped3A : memref<!tpu.dma_semaphore, #tpu.memory_space<semaphore_mem>>)
        %dma_wait3A_61 = arith.constant 0 : i32
        %dma_wait3A_62 = tpu.memref_slice %arg5[%rem3A_26, %dma_wait3A_61] : memref<16x16xi32, #tpu.memory_space<hbm>> -> memref<1x16xi32, #tpu.memory_space<hbm>>
        %dma_wait3A_63 = tpu.memref_squeeze %dma_wait3A_62 : memref<1x16xi32, #tpu.memory_space<hbm>> -> memref<16xi32, #tpu.memory_space<hbm>>
        %dma_wait3A_64 = arith.constant 0 : i32
        %dma_wait3A_65 = tpu.memref_slice %arg5[%rem3A_26, %dma_wait3A_64] : memref<16x16xi32, #tpu.memory_space<hbm>> -> memref<1x16xi32, #tpu.memory_space<hbm>>
        %dma_wait3A_66 = tpu.memref_squeeze %dma_wait3A_65 : memref<1x16xi32, #tpu.memory_space<hbm>> -> memref<16xi32, #tpu.memory_space<hbm>>
        tpu.wait_dma2 semaphore(%run_scoped3A : memref<!tpu.dma_semaphore, #tpu.memory_space<semaphore_mem>>) src(%dma_wait3A_66 : memref<16xi32, #tpu.memory_space<hbm>>) dst(%arg9 : memref<16xi32, #tpu.memory_space<vmem>>)
        tpu.yield
      }) : () -> ()
      %dma_start3A = arith.constant 0 : i32
      %dma_start3A_51 = arith.constant 0 : i32
      %dma_start3A_52 = tpu.memref_slice %arg2[%dma_start3A, %dma_start3A_51] : memref<65536x512xf32, #tpu.memory_space<hbm>> -> memref<65536x512xf32, #tpu.memory_space<hbm>>
      tpu.enqueue_indirect_dma source(%dma_start3A_52 : memref<65536x512xf32, #tpu.memory_space<hbm>>) target(%arg10 : memref<16x512xf32, #tpu.memory_space<vmem>>) offsets(%arg9 : memref<16xi32, #tpu.memory_space<vmem>>) semaphore(%arg11 : memref<!tpu.dma_semaphore, #tpu.memory_space<semaphore_mem>>)
      %dma_wait3A = arith.constant 0 : i32
      %dma_wait3A_53 = arith.constant 0 : i32
      %dma_wait3A_54 = tpu.memref_slice %arg2[%dma_wait3A, %dma_wait3A_53] : memref<65536x512xf32, #tpu.memory_space<hbm>> -> memref<65536x512xf32, #tpu.memory_space<hbm>>
      tpu.wait_indirect_dma semaphore(%arg11 : memref<!tpu.dma_semaphore, #tpu.memory_space<semaphore_mem>>) src(%dma_wait3A_54 : memref<65536x512xf32, #tpu.memory_space<hbm>>) dst(%arg10 : memref<16x512xf32, #tpu.memory_space<vmem>>)
      "tpu.region"() ({
        %run_scoped3A = tpu.sem_alloc : memref<!tpu.dma_semaphore, #tpu.memory_space<semaphore_mem>>
        %dma_start3A_55 = arith.constant 0 : i32
        %dma_start3A_56 = arith.constant 0 : i32
        %dma_start3A_57 = tpu.memref_slice %arg6[%rem3A_26, %dma_start3A_55, %dma_start3A_56] : memref<16x16x512xf32, #tpu.memory_space<hbm>> -> memref<1x16x512xf32, #tpu.memory_space<hbm>>
        %dma_start3A_58 = tpu.memref_squeeze %dma_start3A_57 : memref<1x16x512xf32, #tpu.memory_space<hbm>> -> memref<16x512xf32, #tpu.memory_space<hbm>>
        %dma_start3A_59 = arith.constant 0 : i32
        %dma_start3A_60 = arith.constant 0 : i32
        %dma_start3A_61 = tpu.memref_slice %arg6[%rem3A_26, %dma_start3A_59, %dma_start3A_60] : memref<16x16x512xf32, #tpu.memory_space<hbm>> -> memref<1x16x512xf32, #tpu.memory_space<hbm>>
        %dma_start3A_62 = tpu.memref_squeeze %dma_start3A_61 : memref<1x16x512xf32, #tpu.memory_space<hbm>> -> memref<16x512xf32, #tpu.memory_space<hbm>>
        tpu.enqueue_dma source(%arg10 : memref<16x512xf32, #tpu.memory_space<vmem>>) target(%dma_start3A_62 : memref<16x512xf32, #tpu.memory_space<hbm>>) target_semaphore(%run_scoped3A : memref<!tpu.dma_semaphore, #tpu.memory_space<semaphore_mem>>)
        %dma_wait3A_63 = arith.constant 0 : i32
        %dma_wait3A_64 = arith.constant 0 : i32
        %dma_wait3A_65 = tpu.memref_slice %arg6[%rem3A_26, %dma_wait3A_63, %dma_wait3A_64] : memref<16x16x512xf32, #tpu.memory_space<hbm>> -> memref<1x16x512xf32, #tpu.memory_space<hbm>>
        %dma_wait3A_66 = tpu.memref_squeeze %dma_wait3A_65 : memref<1x16x512xf32, #tpu.memory_space<hbm>> -> memref<16x512xf32, #tpu.memory_space<hbm>>
        %dma_wait3A_67 = arith.constant 0 : i32
        %dma_wait3A_68 = arith.constant 0 : i32
        %dma_wait3A_69 = tpu.memref_slice %arg6[%rem3A_26, %dma_wait3A_67, %dma_wait3A_68] : memref<16x16x512xf32, #tpu.memory_space<hbm>> -> memref<1x16x512xf32, #tpu.memory_space<hbm>>
        %dma_wait3A_70 = tpu.memref_squeeze %dma_wait3A_69 : memref<1x16x512xf32, #tpu.memory_space<hbm>> -> memref<16x512xf32, #tpu.memory_space<hbm>>
        tpu.wait_dma2 semaphore(%run_scoped3A : memref<!tpu.dma_semaphore, #tpu.memory_space<semaphore_mem>>) src(%arg10 : memref<16x512xf32, #tpu.memory_space<vmem>>) dst(%dma_wait3A_70 : memref<16x512xf32, #tpu.memory_space<hbm>>)
        tpu.yield
      }) : () -> ()
    } else {
    }
    %ge3A_35 = arith.constant 16 : i32
    %ge3A_36 = arith.cmpi sge, %add3A_24, %ge3A_35 : i32
    %lt3A_37 = arith.constant 32 : i32
    %lt3A_38 = arith.cmpi slt, %add3A_24, %lt3A_37 : i32
    %and3A_39 = arith.andi %ge3A_36, %lt3A_38 : i1
    %convert_element_type3A_40 = arith.extui %and3A_39 : i1 to i32
    %cond3A_41 = arith.constant 0 : i32
    %cond3A_42 = arith.cmpi ne, %convert_element_type3A_40, %cond3A_41 : i32
    scf.if %cond3A_42 {
      "tpu.region"() ({
        %run_scoped3A = tpu.sem_alloc : memref<!tpu.dma_semaphore, #tpu.memory_space<semaphore_mem>>
        %dma_start3A_55 = arith.constant 0 : i32
        %dma_start3A_56 = tpu.memref_slice %arg5[%rem3A_26, %dma_start3A_55] : memref<16x16xi32, #tpu.memory_space<hbm>> -> memref<1x16xi32, #tpu.memory_space<hbm>>
        %dma_start3A_57 = tpu.memref_squeeze %dma_start3A_56 : memref<1x16xi32, #tpu.memory_space<hbm>> -> memref<16xi32, #tpu.memory_space<hbm>>
        %dma_start3A_58 = arith.constant 0 : i32
        %dma_start3A_59 = tpu.memref_slice %arg5[%rem3A_26, %dma_start3A_58] : memref<16x16xi32, #tpu.memory_space<hbm>> -> memref<1x16xi32, #tpu.memory_space<hbm>>
        %dma_start3A_60 = tpu.memref_squeeze %dma_start3A_59 : memref<1x16xi32, #tpu.memory_space<hbm>> -> memref<16xi32, #tpu.memory_space<hbm>>
        tpu.enqueue_dma source(%dma_start3A_60 : memref<16xi32, #tpu.memory_space<hbm>>) target(%arg9 : memref<16xi32, #tpu.memory_space<vmem>>) target_semaphore(%run_scoped3A : memref<!tpu.dma_semaphore, #tpu.memory_space<semaphore_mem>>)
        %dma_wait3A_61 = arith.constant 0 : i32
        %dma_wait3A_62 = tpu.memref_slice %arg5[%rem3A_26, %dma_wait3A_61] : memref<16x16xi32, #tpu.memory_space<hbm>> -> memref<1x16xi32, #tpu.memory_space<hbm>>
        %dma_wait3A_63 = tpu.memref_squeeze %dma_wait3A_62 : memref<1x16xi32, #tpu.memory_space<hbm>> -> memref<16xi32, #tpu.memory_space<hbm>>
        %dma_wait3A_64 = arith.constant 0 : i32
        %dma_wait3A_65 = tpu.memref_slice %arg5[%rem3A_26, %dma_wait3A_64] : memref<16x16xi32, #tpu.memory_space<hbm>> -> memref<1x16xi32, #tpu.memory_space<hbm>>
        %dma_wait3A_66 = tpu.memref_squeeze %dma_wait3A_65 : memref<1x16xi32, #tpu.memory_space<hbm>> -> memref<16xi32, #tpu.memory_space<hbm>>
        tpu.wait_dma2 semaphore(%run_scoped3A : memref<!tpu.dma_semaphore, #tpu.memory_space<semaphore_mem>>) src(%dma_wait3A_66 : memref<16xi32, #tpu.memory_space<hbm>>) dst(%arg9 : memref<16xi32, #tpu.memory_space<vmem>>)
        tpu.yield
      }) : () -> ()
      %dma_start3A = arith.constant 0 : i32
      %dma_start3A_51 = arith.constant 0 : i32
      %dma_start3A_52 = tpu.memref_slice %arg3[%dma_start3A, %dma_start3A_51] : memref<65536x512xf32, #tpu.memory_space<hbm>> -> memref<65536x512xf32, #tpu.memory_space<hbm>>
      tpu.enqueue_indirect_dma source(%dma_start3A_52 : memref<65536x512xf32, #tpu.memory_space<hbm>>) target(%arg10 : memref<16x512xf32, #tpu.memory_space<vmem>>) offsets(%arg9 : memref<16xi32, #tpu.memory_space<vmem>>) semaphore(%arg11 : memref<!tpu.dma_semaphore, #tpu.memory_space<semaphore_mem>>)
      %dma_wait3A = arith.constant 0 : i32
      %dma_wait3A_53 = arith.constant 0 : i32
      %dma_wait3A_54 = tpu.memref_slice %arg3[%dma_wait3A, %dma_wait3A_53] : memref<65536x512xf32, #tpu.memory_space<hbm>> -> memref<65536x512xf32, #tpu.memory_space<hbm>>
      tpu.wait_indirect_dma semaphore(%arg11 : memref<!tpu.dma_semaphore, #tpu.memory_space<semaphore_mem>>) src(%dma_wait3A_54 : memref<65536x512xf32, #tpu.memory_space<hbm>>) dst(%arg10 : memref<16x512xf32, #tpu.memory_space<vmem>>)
      "tpu.region"() ({
        %run_scoped3A = tpu.sem_alloc : memref<!tpu.dma_semaphore, #tpu.memory_space<semaphore_mem>>
        %dma_start3A_55 = arith.constant 0 : i32
        %dma_start3A_56 = arith.constant 0 : i32
        %dma_start3A_57 = tpu.memref_slice %arg7[%rem3A_26, %dma_start3A_55, %dma_start3A_56] : memref<16x16x512xf32, #tpu.memory_space<hbm>> -> memref<1x16x512xf32, #tpu.memory_space<hbm>>
        %dma_start3A_58 = tpu.memref_squeeze %dma_start3A_57 : memref<1x16x512xf32, #tpu.memory_space<hbm>> -> memref<16x512xf32, #tpu.memory_space<hbm>>
        %dma_start3A_59 = arith.constant 0 : i32
        %dma_start3A_60 = arith.constant 0 : i32
        %dma_start3A_61 = tpu.memref_slice %arg7[%rem3A_26, %dma_start3A_59, %dma_start3A_60] : memref<16x16x512xf32, #tpu.memory_space<hbm>> -> memref<1x16x512xf32, #tpu.memory_space<hbm>>
        %dma_start3A_62 = tpu.memref_squeeze %dma_start3A_61 : memref<1x16x512xf32, #tpu.memory_space<hbm>> -> memref<16x512xf32, #tpu.memory_space<hbm>>
        tpu.enqueue_dma source(%arg10 : memref<16x512xf32, #tpu.memory_space<vmem>>) target(%dma_start3A_62 : memref<16x512xf32, #tpu.memory_space<hbm>>) target_semaphore(%run_scoped3A : memref<!tpu.dma_semaphore, #tpu.memory_space<semaphore_mem>>)
        %dma_wait3A_63 = arith.constant 0 : i32
        %dma_wait3A_64 = arith.constant 0 : i32
        %dma_wait3A_65 = tpu.memref_slice %arg7[%rem3A_26, %dma_wait3A_63, %dma_wait3A_64] : memref<16x16x512xf32, #tpu.memory_space<hbm>> -> memref<1x16x512xf32, #tpu.memory_space<hbm>>
        %dma_wait3A_66 = tpu.memref_squeeze %dma_wait3A_65 : memref<1x16x512xf32, #tpu.memory_space<hbm>> -> memref<16x512xf32, #tpu.memory_space<hbm>>
        %dma_wait3A_67 = arith.constant 0 : i32
        %dma_wait3A_68 = arith.constant 0 : i32
        %dma_wait3A_69 = tpu.memref_slice %arg7[%rem3A_26, %dma_wait3A_67, %dma_wait3A_68] : memref<16x16x512xf32, #tpu.memory_space<hbm>> -> memref<1x16x512xf32, #tpu.memory_space<hbm>>
        %dma_wait3A_70 = tpu.memref_squeeze %dma_wait3A_69 : memref<1x16x512xf32, #tpu.memory_space<hbm>> -> memref<16x512xf32, #tpu.memory_space<hbm>>
        tpu.wait_dma2 semaphore(%run_scoped3A : memref<!tpu.dma_semaphore, #tpu.memory_space<semaphore_mem>>) src(%arg10 : memref<16x512xf32, #tpu.memory_space<vmem>>) dst(%dma_wait3A_70 : memref<16x512xf32, #tpu.memory_space<hbm>>)
        tpu.yield
      }) : () -> ()
    } else {
    }
    %ge3A_43 = arith.constant 32 : i32
    %ge3A_44 = arith.cmpi sge, %add3A_24, %ge3A_43 : i32
    %lt3A_45 = arith.constant 48 : i32
    %lt3A_46 = arith.cmpi slt, %add3A_24, %lt3A_45 : i32
    %and3A_47 = arith.andi %ge3A_44, %lt3A_46 : i1
    %convert_element_type3A_48 = arith.extui %and3A_47 : i1 to i32
    %cond3A_49 = arith.constant 0 : i32
    %cond3A_50 = arith.cmpi ne, %convert_element_type3A_48, %cond3A_49 : i32
    scf.if %cond3A_50 {
      "tpu.region"() ({
        %run_scoped3A = tpu.sem_alloc : memref<!tpu.dma_semaphore, #tpu.memory_space<semaphore_mem>>
        %dma_start3A_55 = arith.constant 0 : i32
        %dma_start3A_56 = tpu.memref_slice %arg5[%rem3A_26, %dma_start3A_55] : memref<16x16xi32, #tpu.memory_space<hbm>> -> memref<1x16xi32, #tpu.memory_space<hbm>>
        %dma_start3A_57 = tpu.memref_squeeze %dma_start3A_56 : memref<1x16xi32, #tpu.memory_space<hbm>> -> memref<16xi32, #tpu.memory_space<hbm>>
        %dma_start3A_58 = arith.constant 0 : i32
        %dma_start3A_59 = tpu.memref_slice %arg5[%rem3A_26, %dma_start3A_58] : memref<16x16xi32, #tpu.memory_space<hbm>> -> memref<1x16xi32, #tpu.memory_space<hbm>>
        %dma_start3A_60 = tpu.memref_squeeze %dma_start3A_59 : memref<1x16xi32, #tpu.memory_space<hbm>> -> memref<16xi32, #tpu.memory_space<hbm>>
        tpu.enqueue_dma source(%dma_start3A_60 : memref<16xi32, #tpu.memory_space<hbm>>) target(%arg9 : memref<16xi32, #tpu.memory_space<vmem>>) target_semaphore(%run_scoped3A : memref<!tpu.dma_semaphore, #tpu.memory_space<semaphore_mem>>)
        %dma_wait3A_61 = arith.constant 0 : i32
        %dma_wait3A_62 = tpu.memref_slice %arg5[%rem3A_26, %dma_wait3A_61] : memref<16x16xi32, #tpu.memory_space<hbm>> -> memref<1x16xi32, #tpu.memory_space<hbm>>
        %dma_wait3A_63 = tpu.memref_squeeze %dma_wait3A_62 : memref<1x16xi32, #tpu.memory_space<hbm>> -> memref<16xi32, #tpu.memory_space<hbm>>
        %dma_wait3A_64 = arith.constant 0 : i32
        %dma_wait3A_65 = tpu.memref_slice %arg5[%rem3A_26, %dma_wait3A_64] : memref<16x16xi32, #tpu.memory_space<hbm>> -> memref<1x16xi32, #tpu.memory_space<hbm>>
        %dma_wait3A_66 = tpu.memref_squeeze %dma_wait3A_65 : memref<1x16xi32, #tpu.memory_space<hbm>> -> memref<16xi32, #tpu.memory_space<hbm>>
        tpu.wait_dma2 semaphore(%run_scoped3A : memref<!tpu.dma_semaphore, #tpu.memory_space<semaphore_mem>>) src(%dma_wait3A_66 : memref<16xi32, #tpu.memory_space<hbm>>) dst(%arg9 : memref<16xi32, #tpu.memory_space<vmem>>)
        tpu.yield
      }) : () -> ()
      %dma_start3A = arith.constant 0 : i32
      %dma_start3A_51 = arith.constant 0 : i32
      %dma_start3A_52 = tpu.memref_slice %arg4[%dma_start3A, %dma_start3A_51] : memref<65536x512xf32, #tpu.memory_space<hbm>> -> memref<65536x512xf32, #tpu.memory_space<hbm>>
      tpu.enqueue_indirect_dma source(%dma_start3A_52 : memref<65536x512xf32, #tpu.memory_space<hbm>>) target(%arg10 : memref<16x512xf32, #tpu.memory_space<vmem>>) offsets(%arg9 : memref<16xi32, #tpu.memory_space<vmem>>) semaphore(%arg11 : memref<!tpu.dma_semaphore, #tpu.memory_space<semaphore_mem>>)
      %dma_wait3A = arith.constant 0 : i32
      %dma_wait3A_53 = arith.constant 0 : i32
      %dma_wait3A_54 = tpu.memref_slice %arg4[%dma_wait3A, %dma_wait3A_53] : memref<65536x512xf32, #tpu.memory_space<hbm>> -> memref<65536x512xf32, #tpu.memory_space<hbm>>
      tpu.wait_indirect_dma semaphore(%arg11 : memref<!tpu.dma_semaphore, #tpu.memory_space<semaphore_mem>>) src(%dma_wait3A_54 : memref<65536x512xf32, #tpu.memory_space<hbm>>) dst(%arg10 : memref<16x512xf32, #tpu.memory_space<vmem>>)
      "tpu.region"() ({
        %run_scoped3A = tpu.sem_alloc : memref<!tpu.dma_semaphore, #tpu.memory_space<semaphore_mem>>
        %dma_start3A_55 = arith.constant 0 : i32
        %dma_start3A_56 = arith.constant 0 : i32
        %dma_start3A_57 = tpu.memref_slice %arg8[%rem3A_26, %dma_start3A_55, %dma_start3A_56] : memref<16x16x512xf32, #tpu.memory_space<hbm>> -> memref<1x16x512xf32, #tpu.memory_space<hbm>>
        %dma_start3A_58 = tpu.memref_squeeze %dma_start3A_57 : memref<1x16x512xf32, #tpu.memory_space<hbm>> -> memref<16x512xf32, #tpu.memory_space<hbm>>
        %dma_start3A_59 = arith.constant 0 : i32
        %dma_start3A_60 = arith.constant 0 : i32
        %dma_start3A_61 = tpu.memref_slice %arg8[%rem3A_26, %dma_start3A_59, %dma_start3A_60] : memref<16x16x512xf32, #tpu.memory_space<hbm>> -> memref<1x16x512xf32, #tpu.memory_space<hbm>>
        %dma_start3A_62 = tpu.memref_squeeze %dma_start3A_61 : memref<1x16x512xf32, #tpu.memory_space<hbm>> -> memref<16x512xf32, #tpu.memory_space<hbm>>
        tpu.enqueue_dma source(%arg10 : memref<16x512xf32, #tpu.memory_space<vmem>>) target(%dma_start3A_62 : memref<16x512xf32, #tpu.memory_space<hbm>>) target_semaphore(%run_scoped3A : memref<!tpu.dma_semaphore, #tpu.memory_space<semaphore_mem>>)
        %dma_wait3A_63 = arith.constant 0 : i32
        %dma_wait3A_64 = arith.constant 0 : i32
        %dma_wait3A_65 = tpu.memref_slice %arg8[%rem3A_26, %dma_wait3A_63, %dma_wait3A_64] : memref<16x16x512xf32, #tpu.memory_space<hbm>> -> memref<1x16x512xf32, #tpu.memory_space<hbm>>
        %dma_wait3A_66 = tpu.memref_squeeze %dma_wait3A_65 : memref<1x16x512xf32, #tpu.memory_space<hbm>> -> memref<16x512xf32, #tpu.memory_space<hbm>>
        %dma_wait3A_67 = arith.constant 0 : i32
        %dma_wait3A_68 = arith.constant 0 : i32
        %dma_wait3A_69 = tpu.memref_slice %arg8[%rem3A_26, %dma_wait3A_67, %dma_wait3A_68] : memref<16x16x512xf32, #tpu.memory_space<hbm>> -> memref<1x16x512xf32, #tpu.memory_space<hbm>>
        %dma_wait3A_70 = tpu.memref_squeeze %dma_wait3A_69 : memref<1x16x512xf32, #tpu.memory_space<hbm>> -> memref<16x512xf32, #tpu.memory_space<hbm>>
        tpu.wait_dma2 semaphore(%run_scoped3A : memref<!tpu.dma_semaphore, #tpu.memory_space<semaphore_mem>>) src(%arg10 : memref<16x512xf32, #tpu.memory_space<vmem>>) dst(%dma_wait3A_70 : memref<16x512xf32, #tpu.memory_space<hbm>>)
        tpu.yield
      }) : () -> ()
    } else {
    }
    return
  }
}

module attributes {stable_mosaic.version = 14 : i64} {
  func.func @_q_body(%arg0: memref<16x512xf32, #tpu.memory_space<vmem>>, %arg1: memref<512x512xf32, #tpu.memory_space<vmem>>, %arg2: memref<1x512xf32, #tpu.memory_space<vmem>>, %arg3: memref<512x512xf32, #tpu.memory_space<vmem>>, %arg4: memref<16x1x512xf32, #tpu.memory_space<vmem>>, %arg5: memref<16x4x512xf32, #tpu.memory_space<vmem>>) attributes {dimension_semantics = [], scalar_prefetch = 0 : i64, scratch_operands = 0 : i64, tpu.core_type = #tpu.core_type<tc>} {
    %get3A = arith.constant 0 : index
    %get3A_0 = arith.constant 0 : index
    %get3A_1 = vector.load %arg0[%get3A, %get3A_0] : memref<16x512xf32, #tpu.memory_space<vmem>>, vector<16x512xf32>
    %get3A_2 = arith.constant 0 : index
    %get3A_3 = arith.constant 0 : index
    %get3A_4 = vector.load %arg1[%get3A_2, %get3A_3] : memref<512x512xf32, #tpu.memory_space<vmem>>, vector<512x512xf32>
    %dot_general3A = arith.constant dense<0.000000e+00> : vector<16x512xf32>
    %dot_general3A_5 = tpu.matmul %get3A_1, %get3A_4, %dot_general3A {dimension_numbers = #tpu.dot_dimension_numbers<[1], [1], [0], [0], [0, 0, 1, 0], [], []>, transpose_lhs_hint = false} : vector<16x512xf32>, vector<512x512xf32>, vector<16x512xf32> -> vector<16x512xf32>
    %get3A_6 = arith.constant 0 : index
    %get3A_7 = arith.constant 0 : index
    %get3A_8 = vector.load %arg2[%get3A_6, %get3A_7] : memref<1x512xf32, #tpu.memory_space<vmem>>, vector<1x512xf32>
    %add3A = vector.broadcast %get3A_8 : vector<1x512xf32> to vector<16x512xf32>
    %add3A_9 = arith.addf %dot_general3A_5, %add3A : vector<16x512xf32>
    %mul3A = arith.constant 0.0883883461 : f32
    %mul3A_10 = vector.broadcast %mul3A : f32 to vector<16x512xf32>
    %mul3A_11 = arith.mulf %add3A_9, %mul3A_10 : vector<16x512xf32>
    %reshape3A = vector.shape_cast %mul3A_11 : vector<16x512xf32> to vector<16x1x512xf32>
    %swap3A = arith.constant 0 : index
    %swap3A_12 = arith.constant 0 : index
    %swap3A_13 = arith.constant 0 : index
    %swap3A_14 = vector.load %arg4[%swap3A, %swap3A_12, %swap3A_13] : memref<16x1x512xf32, #tpu.memory_space<vmem>>, vector<16x1x512xf32>
    tpu.vector_store %arg4[%swap3A, %swap3A_12, %swap3A_13], %reshape3A {strides = array<i32>} : memref<16x1x512xf32, #tpu.memory_space<vmem>>, vector<16x1x512xf32>,
    %slice3A = vector.extract_strided_slice %mul3A_11 {offsets = [0, 0], sizes = [16, 128], strides = [1, 1]} : vector<16x512xf32> to vector<16x128xf32>
    %get3A_15 = arith.constant 0 : index
    %get3A_16 = arith.constant 0 : index
    %get3A_17 = vector.load %arg3[%get3A_15, %get3A_16] : memref<512x512xf32, #tpu.memory_space<vmem>>, vector<128x512xf32>
    %dot_general3A_18 = arith.constant dense<0.000000e+00> : vector<16x512xf32>
    %dot_general3A_19 = tpu.matmul %slice3A, %get3A_17, %dot_general3A_18 {dimension_numbers = #tpu.dot_dimension_numbers<[1], [0], [0], [1], [0, 0, 1, 1], [], []>, precision = #tpu.contract_precision<fp32>, transpose_lhs_hint = false} : vector<16x128xf32>, vector<128x512xf32>, vector<16x512xf32> -> vector<16x512xf32>
    %reshape3A_20 = vector.shape_cast %dot_general3A_19 : vector<16x512xf32> to vector<16x1x512xf32>
    %slice3A_21 = vector.extract_strided_slice %mul3A_11 {offsets = [0, 128], sizes = [16, 128], strides = [1, 1]} : vector<16x512xf32> to vector<16x128xf32>
    %get3A_22 = arith.constant 128 : index
    %get3A_23 = arith.constant 0 : index
    %get3A_24 = vector.load %arg3[%get3A_22, %get3A_23] : memref<512x512xf32, #tpu.memory_space<vmem>>, vector<128x512xf32>
    %dot_general3A_25 = arith.constant dense<0.000000e+00> : vector<16x512xf32>
    %dot_general3A_26 = tpu.matmul %slice3A_21, %get3A_24, %dot_general3A_25 {dimension_numbers = #tpu.dot_dimension_numbers<[1], [0], [0], [1], [0, 0, 1, 1], [], []>, precision = #tpu.contract_precision<fp32>, transpose_lhs_hint = false} : vector<16x128xf32>, vector<128x512xf32>, vector<16x512xf32> -> vector<16x512xf32>
    %reshape3A_27 = vector.shape_cast %dot_general3A_26 : vector<16x512xf32> to vector<16x1x512xf32>
    %slice3A_28 = vector.extract_strided_slice %mul3A_11 {offsets = [0, 256], sizes = [16, 128], strides = [1, 1]} : vector<16x512xf32> to vector<16x128xf32>
    %get3A_29 = arith.constant 256 : index
    %get3A_30 = arith.constant 0 : index
    %get3A_31 = vector.load %arg3[%get3A_29, %get3A_30] : memref<512x512xf32, #tpu.memory_space<vmem>>, vector<128x512xf32>
    %dot_general3A_32 = arith.constant dense<0.000000e+00> : vector<16x512xf32>
    %dot_general3A_33 = tpu.matmul %slice3A_28, %get3A_31, %dot_general3A_32 {dimension_numbers = #tpu.dot_dimension_numbers<[1], [0], [0], [1], [0, 0, 1, 1], [], []>, precision = #tpu.contract_precision<fp32>, transpose_lhs_hint = false} : vector<16x128xf32>, vector<128x512xf32>, vector<16x512xf32> -> vector<16x512xf32>
    %reshape3A_34 = vector.shape_cast %dot_general3A_33 : vector<16x512xf32> to vector<16x1x512xf32>
    %slice3A_35 = vector.extract_strided_slice %mul3A_11 {offsets = [0, 384], sizes = [16, 128], strides = [1, 1]} : vector<16x512xf32> to vector<16x128xf32>
    %get3A_36 = arith.constant 384 : index
    %get3A_37 = arith.constant 0 : index
    %get3A_38 = vector.load %arg3[%get3A_36, %get3A_37] : memref<512x512xf32, #tpu.memory_space<vmem>>, vector<128x512xf32>
    %dot_general3A_39 = arith.constant dense<0.000000e+00> : vector<16x512xf32>
    %dot_general3A_40 = tpu.matmul %slice3A_35, %get3A_38, %dot_general3A_39 {dimension_numbers = #tpu.dot_dimension_numbers<[1], [0], [0], [1], [0, 0, 1, 1], [], []>, precision = #tpu.contract_precision<fp32>, transpose_lhs_hint = false} : vector<16x128xf32>, vector<128x512xf32>, vector<16x512xf32> -> vector<16x512xf32>
    %reshape3A_41 = vector.shape_cast %dot_general3A_40 : vector<16x512xf32> to vector<16x1x512xf32>
    %concatenate3A = tpu.concatenate %reshape3A_20, %reshape3A_27, %reshape3A_34, %reshape3A_41 in 1 : vector<16x1x512xf32>, vector<16x1x512xf32>, vector<16x1x512xf32>, vector<16x1x512xf32> -> vector<16x4x512xf32>
    %swap3A_42 = arith.constant 0 : index
    %swap3A_43 = arith.constant 0 : index
    %swap3A_44 = arith.constant 0 : index
    %swap3A_45 = vector.load %arg5[%swap3A_42, %swap3A_43, %swap3A_44] : memref<16x4x512xf32, #tpu.memory_space<vmem>>, vector<16x4x512xf32>
    tpu.vector_store %arg5[%swap3A_42, %swap3A_43, %swap3A_44], %concatenate3A {strides = array<i32>} : memref<16x4x512xf32, #tpu.memory_space<vmem>>, vector<16x4x512xf32>,
    return
  }
}

module attributes {stable_mosaic.version = 14 : i64} {
  func.func @_approx_body(%arg0: i32, %arg1: i32, %arg2: memref<1x4x512xf32, #tpu.memory_space<vmem>>, %arg3: memref<1x2048x512xf32, #tpu.memory_space<vmem>>, %arg4: memref<16x16xi32, #tpu.memory_space<vmem>>, %arg5: memref<16x4xf32, #tpu.memory_space<vmem>>, %arg6: memref<16x4xf32, #tpu.memory_space<vmem>>, %arg7: memref<16x4x4096xf32, #tpu.memory_space<vmem>>) attributes {dimension_semantics = [#tpu.dimension_semantics<arbitrary>, #tpu.dimension_semantics<arbitrary>], iteration_bounds = array<i64: 16, 2>, scalar_prefetch = 0 : i64, scratch_operands = 1 : i64, tpu.core_type = #tpu.core_type<tc>, window_params = [{transform_indices = @transform_0, window_bounds = array<i64: 1, 4, 512>}, {transform_indices = @transform_1, window_bounds = array<i64: 1, 2048, 512>}, {pipeline_mode = #tpu.pipeline_mode<synchronous>, transform_indices = @transform_2, window_bounds = array<i64: 16, 16>}, {pipeline_mode = #tpu.pipeline_mode<synchronous>, transform_indices = @transform_3, window_bounds = array<i64: 16, 4>}, {pipeline_mode = #tpu.pipeline_mode<synchronous>, transform_indices = @transform_4, window_bounds = array<i64: 16, 4>}]} {
    %get3A = arith.constant 0 : index
    %get3A_0 = arith.constant 0 : index
    %get3A_1 = arith.constant 0 : index
    %get3A_2 = vector.load %arg2[%get3A, %get3A_0, %get3A_1] : memref<1x4x512xf32, #tpu.memory_space<vmem>>, vector<1x4x512xf32>
    %get3A_3 = vector.shape_cast %get3A_2 : vector<1x4x512xf32> to vector<4x512xf32>
    %get3A_4 = arith.constant 0 : index
    %get3A_5 = arith.constant 0 : index
    %get3A_6 = arith.constant 0 : index
    %get3A_7 = vector.load %arg3[%get3A_4, %get3A_5, %get3A_6] : memref<1x2048x512xf32, #tpu.memory_space<vmem>>, vector<1x2048x512xf32>
    %get3A_8 = vector.shape_cast %get3A_7 : vector<1x2048x512xf32> to vector<2048x512xf32>
    %dot_general3A = arith.constant dense<0.000000e+00> : vector<4x2048xf32>
    %dot_general3A_9 = tpu.matmul %get3A_3, %get3A_8, %dot_general3A {dimension_numbers = #tpu.dot_dimension_numbers<[1], [1], [0], [0], [0, 0, 1, 0], [], []>, precision = #tpu.contract_precision<fp32>, transpose_lhs_hint = false} : vector<4x512xf32>, vector<2048x512xf32>, vector<4x2048xf32> -> vector<4x2048xf32>
    %reshape3A = vector.shape_cast %dot_general3A_9 : vector<4x2048xf32> to vector<1x4x2048xf32>
    %mul3A = arith.constant 2048 : i32
    %mul3A_10 = arith.muli %arg1, %mul3A : i32
    %swap3A = arith.index_cast %arg0 : i32 to index
    %swap3A_11 = arith.constant 0 : index
    %swap3A_12 = arith.index_cast %mul3A_10 : i32 to index
    %swap3A_13 = vector.load %arg7[%swap3A, %swap3A_11, %swap3A_12] : memref<16x4x4096xf32, #tpu.memory_space<vmem>>, vector<1x4x2048xf32>
    tpu.vector_store %arg7[%swap3A, %swap3A_11, %swap3A_12], %reshape3A {strides = array<i32>} : memref<16x4x4096xf32, #tpu.memory_space<vmem>>, vector<1x4x2048xf32>,
    %eq3A = arith.constant 15 : i32
    %eq3A_14 = arith.cmpi eq, %arg0, %eq3A : i32
    %eq3A_15 = arith.constant 1 : i32
    %eq3A_16 = arith.cmpi eq, %arg1, %eq3A_15 : i32
    %and3A = arith.andi %eq3A_14, %eq3A_16 : i1
    %convert_element_type3A = arith.extui %and3A : i1 to i32
    %cond3A = arith.constant 0 : i32
    %cond3A_17 = arith.cmpi ne, %convert_element_type3A, %cond3A : i32
    scf.if %cond3A_17 {
      %get3A_18 = arith.constant 0 : index
      %get3A_19 = arith.constant 0 : index
      %get3A_20 = arith.constant 0 : index
      %get3A_21 = vector.load %arg7[%get3A_18, %get3A_19, %get3A_20] : memref<16x4x4096xf32, #tpu.memory_space<vmem>>, vector<16x4x4096xf32>
      %reduce_max3A = arith.constant dense<0xFF800000> : vector<16x4xf32>
      %reduce_max3A_22 = vector.multi_reduction <maximumf>, %get3A_21, %reduce_max3A [2] : vector<16x4x4096xf32> to vector<16x4xf32>
      %broadcast_in_dim3A = vector.shape_cast %reduce_max3A_22 : vector<16x4xf32> to vector<16x4x1xf32>
      %sub3A = vector.broadcast %broadcast_in_dim3A : vector<16x4x1xf32> to vector<16x4x4096xf32>
      %sub3A_23 = arith.subf %get3A_21, %sub3A : vector<16x4x4096xf32>
      %exp3A = math.exp %sub3A_23 : vector<16x4x4096xf32>
      %reduce_sum3A = arith.constant dense<0.000000e+00> : vector<16x4xf32>
      %reduce_sum3A_24 = vector.multi_reduction <add>, %exp3A, %reduce_sum3A [2] : vector<16x4x4096xf32> to vector<16x4xf32>
      %broadcast_in_dim3A_25 = vector.shape_cast %reduce_sum3A_24 : vector<16x4xf32> to vector<16x4x1xf32>
      %div3A = vector.broadcast %broadcast_in_dim3A_25 : vector<16x4x1xf32> to vector<16x4x4096xf32>
      %div3A_26 = arith.divf %exp3A, %div3A : vector<16x4x4096xf32>
      %reduce_sum3A_27 = arith.constant dense<0.000000e+00> : vector<16x4096xf32>
      %reduce_sum3A_28 = vector.multi_reduction <add>, %div3A_26, %reduce_sum3A_27 [1] : vector<16x4x4096xf32> to vector<16x4096xf32>
      %iota3A = tpu.iota {dimensions = array<i32: 0>} : vector<16x4096xi32>
      %mul3A_29 = arith.constant 4096 : i32
      %mul3A_30 = vector.broadcast %mul3A_29 : i32 to vector<16x4096xi32>
      %mul3A_31 = arith.muli %iota3A, %mul3A_30 : vector<16x4096xi32>
      %iota3A_32 = tpu.iota {dimensions = array<i32: 1>} : vector<16x4096xi32>
      %add3A = arith.addi %mul3A_31, %iota3A_32 : vector<16x4096xi32>
      %iota3A_33 = tpu.iota {dimensions = array<i32: 1>} : vector<16x16xi32>
      %broadcast_in_dim3A_34 = arith.constant 0 : i32
      %broadcast_in_dim3A_35 = vector.broadcast %broadcast_in_dim3A_34 : i32 to vector<16x16xi32>
      %reduce_max3A_36 = arith.constant dense<0xFF800000> : vector<16xf32>
      %reduce_max3A_37 = vector.multi_reduction <maximumf>, %reduce_sum3A_28, %reduce_max3A_36 [1] : vector<16x4096xf32> to vector<16xf32>
      %broadcast_in_dim3A_38 = vector.shape_cast %reduce_max3A_37 : vector<16xf32> to vector<16x1xf32>
      %eq3A_39 = vector.broadcast %broadcast_in_dim3A_38 : vector<16x1xf32> to vector<16x4096xf32>
      %eq3A_40 = arith.cmpf oeq, %reduce_sum3A_28, %eq3A_39 : vector<16x4096xf32>
      %jit3A = arith.constant -1 : i32
      %broadcast_in_dim3A_41 = vector.broadcast %jit3A : i32 to vector<16x4096xi32>
      %select_n3A = arith.select %eq3A_40, %add3A, %broadcast_in_dim3A_41 : vector<16x4096xi1>, vector<16x4096xi32>
      %reduce_max3A_42 = arith.constant dense<-2147483648> : vector<16xi32>
      %reduce_max3A_43 = vector.multi_reduction <maxsi>, %select_n3A, %reduce_max3A_42 [1] : vector<16x4096xi32> to vector<16xi32>
      %broadcast_in_dim3A_44 = vector.shape_cast %reduce_max3A_43 : vector<16xi32> to vector<16x1xi32>
      %eq3A_45 = arith.constant 0 : i32
      %eq3A_46 = vector.broadcast %eq3A_45 : i32 to vector<16x16xi32>
      %eq3A_47 = arith.cmpi eq, %iota3A_33, %eq3A_46 : vector<16x16xi32>
      %broadcast_in_dim3A_48 = vector.shape_cast %broadcast_in_dim3A_44 : vector<16x1xi32> to vector<16x1xi32>
      %broadcast_in_dim3A_49 = vector.broadcast %broadcast_in_dim3A_48 : vector<16x1xi32> to vector<16x16xi32>
      %select_n3A_50 = arith.select %eq3A_47, %broadcast_in_dim3A_49, %broadcast_in_dim3A_35 : vector<16x16xi1>, vector<16x16xi32>
      %eq3A_51 = vector.broadcast %broadcast_in_dim3A_44 : vector<16x1xi32> to vector<16x4096xi32>
      %eq3A_52 = arith.cmpi eq, %add3A, %eq3A_51 : vector<16x4096xi32>
      %jit3A_53 = arith.constant 0xFF800000 : f32
      %broadcast_in_dim3A_54 = vector.broadcast %jit3A_53 : f32 to vector<16x4096xf32>
      %select_n3A_55 = arith.select %eq3A_52, %broadcast_in_dim3A_54, %reduce_sum3A_28 : vector<16x4096xi1>, vector<16x4096xf32>
      %reduce_max3A_56 = arith.constant dense<0xFF800000> : vector<16xf32>
      %reduce_max3A_57 = vector.multi_reduction <maximumf>, %select_n3A_55, %reduce_max3A_56 [1] : vector<16x4096xf32> to vector<16xf32>
      %broadcast_in_dim3A_58 = vector.shape_cast %reduce_max3A_57 : vector<16xf32> to vector<16x1xf32>
      %eq3A_59 = vector.broadcast %broadcast_in_dim3A_58 : vector<16x1xf32> to vector<16x4096xf32>
      %eq3A_60 = arith.cmpf oeq, %select_n3A_55, %eq3A_59 : vector<16x4096xf32>
      %jit3A_61 = arith.constant -1 : i32
      %broadcast_in_dim3A_62 = vector.broadcast %jit3A_61 : i32 to vector<16x4096xi32>
      %select_n3A_63 = arith.select %eq3A_60, %add3A, %broadcast_in_dim3A_62 : vector<16x4096xi1>, vector<16x4096xi32>
      %reduce_max3A_64 = arith.constant dense<-2147483648> : vector<16xi32>
      %reduce_max3A_65 = vector.multi_reduction <maxsi>, %select_n3A_63, %reduce_max3A_64 [1] : vector<16x4096xi32> to vector<16xi32>
      %broadcast_in_dim3A_66 = vector.shape_cast %reduce_max3A_65 : vector<16xi32> to vector<16x1xi32>
      %eq3A_67 = arith.constant 1 : i32
      %eq3A_68 = vector.broadcast %eq3A_67 : i32 to vector<16x16xi32>
      %eq3A_69 = arith.cmpi eq, %iota3A_33, %eq3A_68 : vector<16x16xi32>
      %broadcast_in_dim3A_70 = vector.shape_cast %broadcast_in_dim3A_66 : vector<16x1xi32> to vector<16x1xi32>
      %broadcast_in_dim3A_71 = vector.broadcast %broadcast_in_dim3A_70 : vector<16x1xi32> to vector<16x16xi32>
      %select_n3A_72 = arith.select %eq3A_69, %broadcast_in_dim3A_71, %select_n3A_50 : vector<16x16xi1>, vector<16x16xi32>
      %eq3A_73 = vector.broadcast %broadcast_in_dim3A_66 : vector<16x1xi32> to vector<16x4096xi32>
      %eq3A_74 = arith.cmpi eq, %add3A, %eq3A_73 : vector<16x4096xi32>
      %jit3A_75 = arith.constant 0xFF800000 : f32
      %broadcast_in_dim3A_76 = vector.broadcast %jit3A_75 : f32 to vector<16x4096xf32>
      %select_n3A_77 = arith.select %eq3A_74, %broadcast_in_dim3A_76, %select_n3A_55 : vector<16x4096xi1>, vector<16x4096xf32>
      %reduce_max3A_78 = arith.constant dense<0xFF800000> : vector<16xf32>
      %reduce_max3A_79 = vector.multi_reduction <maximumf>, %select_n3A_77, %reduce_max3A_78 [1] : vector<16x4096xf32> to vector<16xf32>
      %broadcast_in_dim3A_80 = vector.shape_cast %reduce_max3A_79 : vector<16xf32> to vector<16x1xf32>
      %eq3A_81 = vector.broadcast %broadcast_in_dim3A_80 : vector<16x1xf32> to vector<16x4096xf32>
      %eq3A_82 = arith.cmpf oeq, %select_n3A_77, %eq3A_81 : vector<16x4096xf32>
      %jit3A_83 = arith.constant -1 : i32
      %broadcast_in_dim3A_84 = vector.broadcast %jit3A_83 : i32 to vector<16x4096xi32>
      %select_n3A_85 = arith.select %eq3A_82, %add3A, %broadcast_in_dim3A_84 : vector<16x4096xi1>, vector<16x4096xi32>
      %reduce_max3A_86 = arith.constant dense<-2147483648> : vector<16xi32>
      %reduce_max3A_87 = vector.multi_reduction <maxsi>, %select_n3A_85, %reduce_max3A_86 [1] : vector<16x4096xi32> to vector<16xi32>
      %broadcast_in_dim3A_88 = vector.shape_cast %reduce_max3A_87 : vector<16xi32> to vector<16x1xi32>
      %eq3A_89 = arith.constant 2 : i32
      %eq3A_90 = vector.broadcast %eq3A_89 : i32 to vector<16x16xi32>
      %eq3A_91 = arith.cmpi eq, %iota3A_33, %eq3A_90 : vector<16x16xi32>
      %broadcast_in_dim3A_92 = vector.shape_cast %broadcast_in_dim3A_88 : vector<16x1xi32> to vector<16x1xi32>
      %broadcast_in_dim3A_93 = vector.broadcast %broadcast_in_dim3A_92 : vector<16x1xi32> to vector<16x16xi32>
      %select_n3A_94 = arith.select %eq3A_91, %broadcast_in_dim3A_93, %select_n3A_72 : vector<16x16xi1>, vector<16x16xi32>
      %eq3A_95 = vector.broadcast %broadcast_in_dim3A_88 : vector<16x1xi32> to vector<16x4096xi32>
      %eq3A_96 = arith.cmpi eq, %add3A, %eq3A_95 : vector<16x4096xi32>
      %jit3A_97 = arith.constant 0xFF800000 : f32
      %broadcast_in_dim3A_98 = vector.broadcast %jit3A_97 : f32 to vector<16x4096xf32>
      %select_n3A_99 = arith.select %eq3A_96, %broadcast_in_dim3A_98, %select_n3A_77 : vector<16x4096xi1>, vector<16x4096xf32>
      %reduce_max3A_100 = arith.constant dense<0xFF800000> : vector<16xf32>
      %reduce_max3A_101 = vector.multi_reduction <maximumf>, %select_n3A_99, %reduce_max3A_100 [1] : vector<16x4096xf32> to vector<16xf32>
      %broadcast_in_dim3A_102 = vector.shape_cast %reduce_max3A_101 : vector<16xf32> to vector<16x1xf32>
      %eq3A_103 = vector.broadcast %broadcast_in_dim3A_102 : vector<16x1xf32> to vector<16x4096xf32>
      %eq3A_104 = arith.cmpf oeq, %select_n3A_99, %eq3A_103 : vector<16x4096xf32>
      %jit3A_105 = arith.constant -1 : i32
      %broadcast_in_dim3A_106 = vector.broadcast %jit3A_105 : i32 to vector<16x4096xi32>
      %select_n3A_107 = arith.select %eq3A_104, %add3A, %broadcast_in_dim3A_106 : vector<16x4096xi1>, vector<16x4096xi32>
      %reduce_max3A_108 = arith.constant dense<-2147483648> : vector<16xi32>
      %reduce_max3A_109 = vector.multi_reduction <maxsi>, %select_n3A_107, %reduce_max3A_108 [1] : vector<16x4096xi32> to vector<16xi32>
      %broadcast_in_dim3A_110 = vector.shape_cast %reduce_max3A_109 : vector<16xi32> to vector<16x1xi32>
      %eq3A_111 = arith.constant 3 : i32
      %eq3A_112 = vector.broadcast %eq3A_111 : i32 to vector<16x16xi32>
      %eq3A_113 = arith.cmpi eq, %iota3A_33, %eq3A_112 : vector<16x16xi32>
      %broadcast_in_dim3A_114 = vector.shape_cast %broadcast_in_dim3A_110 : vector<16x1xi32> to vector<16x1xi32>
      %broadcast_in_dim3A_115 = vector.broadcast %broadcast_in_dim3A_114 : vector<16x1xi32> to vector<16x16xi32>
      %select_n3A_116 = arith.select %eq3A_113, %broadcast_in_dim3A_115, %select_n3A_94 : vector<16x16xi1>, vector<16x16xi32>
      %eq3A_117 = vector.broadcast %broadcast_in_dim3A_110 : vector<16x1xi32> to vector<16x4096xi32>
      %eq3A_118 = arith.cmpi eq, %add3A, %eq3A_117 : vector<16x4096xi32>
      %jit3A_119 = arith.constant 0xFF800000 : f32
      %broadcast_in_dim3A_120 = vector.broadcast %jit3A_119 : f32 to vector<16x4096xf32>
      %select_n3A_121 = arith.select %eq3A_118, %broadcast_in_dim3A_120, %select_n3A_99 : vector<16x4096xi1>, vector<16x4096xf32>
      %reduce_max3A_122 = arith.constant dense<0xFF800000> : vector<16xf32>
      %reduce_max3A_123 = vector.multi_reduction <maximumf>, %select_n3A_121, %reduce_max3A_122 [1] : vector<16x4096xf32> to vector<16xf32>
      %broadcast_in_dim3A_124 = vector.shape_cast %reduce_max3A_123 : vector<16xf32> to vector<16x1xf32>
      %eq3A_125 = vector.broadcast %broadcast_in_dim3A_124 : vector<16x1xf32> to vector<16x4096xf32>
      %eq3A_126 = arith.cmpf oeq, %select_n3A_121, %eq3A_125 : vector<16x4096xf32>
      %jit3A_127 = arith.constant -1 : i32
      %broadcast_in_dim3A_128 = vector.broadcast %jit3A_127 : i32 to vector<16x4096xi32>
      %select_n3A_129 = arith.select %eq3A_126, %add3A, %broadcast_in_dim3A_128 : vector<16x4096xi1>, vector<16x4096xi32>
      %reduce_max3A_130 = arith.constant dense<-2147483648> : vector<16xi32>
      %reduce_max3A_131 = vector.multi_reduction <maxsi>, %select_n3A_129, %reduce_max3A_130 [1] : vector<16x4096xi32> to vector<16xi32>
      %broadcast_in_dim3A_132 = vector.shape_cast %reduce_max3A_131 : vector<16xi32> to vector<16x1xi32>
      %eq3A_133 = arith.constant 4 : i32
      %eq3A_134 = vector.broadcast %eq3A_133 : i32 to vector<16x16xi32>
      %eq3A_135 = arith.cmpi eq, %iota3A_33, %eq3A_134 : vector<16x16xi32>
      %broadcast_in_dim3A_136 = vector.shape_cast %broadcast_in_dim3A_132 : vector<16x1xi32> to vector<16x1xi32>
      %broadcast_in_dim3A_137 = vector.broadcast %broadcast_in_dim3A_136 : vector<16x1xi32> to vector<16x16xi32>
      %select_n3A_138 = arith.select %eq3A_135, %broadcast_in_dim3A_137, %select_n3A_116 : vector<16x16xi1>, vector<16x16xi32>
      %eq3A_139 = vector.broadcast %broadcast_in_dim3A_132 : vector<16x1xi32> to vector<16x4096xi32>
      %eq3A_140 = arith.cmpi eq, %add3A, %eq3A_139 : vector<16x4096xi32>
      %jit3A_141 = arith.constant 0xFF800000 : f32
      %broadcast_in_dim3A_142 = vector.broadcast %jit3A_141 : f32 to vector<16x4096xf32>
      %select_n3A_143 = arith.select %eq3A_140, %broadcast_in_dim3A_142, %select_n3A_121 : vector<16x4096xi1>, vector<16x4096xf32>
      %reduce_max3A_144 = arith.constant dense<0xFF800000> : vector<16xf32>
      %reduce_max3A_145 = vector.multi_reduction <maximumf>, %select_n3A_143, %reduce_max3A_144 [1] : vector<16x4096xf32> to vector<16xf32>
      %broadcast_in_dim3A_146 = vector.shape_cast %reduce_max3A_145 : vector<16xf32> to vector<16x1xf32>
      %eq3A_147 = vector.broadcast %broadcast_in_dim3A_146 : vector<16x1xf32> to vector<16x4096xf32>
      %eq3A_148 = arith.cmpf oeq, %select_n3A_143, %eq3A_147 : vector<16x4096xf32>
      %jit3A_149 = arith.constant -1 : i32
      %broadcast_in_dim3A_150 = vector.broadcast %jit3A_149 : i32 to vector<16x4096xi32>
      %select_n3A_151 = arith.select %eq3A_148, %add3A, %broadcast_in_dim3A_150 : vector<16x4096xi1>, vector<16x4096xi32>
      %reduce_max3A_152 = arith.constant dense<-2147483648> : vector<16xi32>
      %reduce_max3A_153 = vector.multi_reduction <maxsi>, %select_n3A_151, %reduce_max3A_152 [1] : vector<16x4096xi32> to vector<16xi32>
      %broadcast_in_dim3A_154 = vector.shape_cast %reduce_max3A_153 : vector<16xi32> to vector<16x1xi32>
      %eq3A_155 = arith.constant 5 : i32
      %eq3A_156 = vector.broadcast %eq3A_155 : i32 to vector<16x16xi32>
      %eq3A_157 = arith.cmpi eq, %iota3A_33, %eq3A_156 : vector<16x16xi32>
      %broadcast_in_dim3A_158 = vector.shape_cast %broadcast_in_dim3A_154 : vector<16x1xi32> to vector<16x1xi32>
      %broadcast_in_dim3A_159 = vector.broadcast %broadcast_in_dim3A_158 : vector<16x1xi32> to vector<16x16xi32>
      %select_n3A_160 = arith.select %eq3A_157, %broadcast_in_dim3A_159, %select_n3A_138 : vector<16x16xi1>, vector<16x16xi32>
      %eq3A_161 = vector.broadcast %broadcast_in_dim3A_154 : vector<16x1xi32> to vector<16x4096xi32>
      %eq3A_162 = arith.cmpi eq, %add3A, %eq3A_161 : vector<16x4096xi32>
      %jit3A_163 = arith.constant 0xFF800000 : f32
      %broadcast_in_dim3A_164 = vector.broadcast %jit3A_163 : f32 to vector<16x4096xf32>
      %select_n3A_165 = arith.select %eq3A_162, %broadcast_in_dim3A_164, %select_n3A_143 : vector<16x4096xi1>, vector<16x4096xf32>
      %reduce_max3A_166 = arith.constant dense<0xFF800000> : vector<16xf32>
      %reduce_max3A_167 = vector.multi_reduction <maximumf>, %select_n3A_165, %reduce_max3A_166 [1] : vector<16x4096xf32> to vector<16xf32>
      %broadcast_in_dim3A_168 = vector.shape_cast %reduce_max3A_167 : vector<16xf32> to vector<16x1xf32>
      %eq3A_169 = vector.broadcast %broadcast_in_dim3A_168 : vector<16x1xf32> to vector<16x4096xf32>
      %eq3A_170 = arith.cmpf oeq, %select_n3A_165, %eq3A_169 : vector<16x4096xf32>
      %jit3A_171 = arith.constant -1 : i32
      %broadcast_in_dim3A_172 = vector.broadcast %jit3A_171 : i32 to vector<16x4096xi32>
      %select_n3A_173 = arith.select %eq3A_170, %add3A, %broadcast_in_dim3A_172 : vector<16x4096xi1>, vector<16x4096xi32>
      %reduce_max3A_174 = arith.constant dense<-2147483648> : vector<16xi32>
      %reduce_max3A_175 = vector.multi_reduction <maxsi>, %select_n3A_173, %reduce_max3A_174 [1] : vector<16x4096xi32> to vector<16xi32>
      %broadcast_in_dim3A_176 = vector.shape_cast %reduce_max3A_175 : vector<16xi32> to vector<16x1xi32>
      %eq3A_177 = arith.constant 6 : i32
      %eq3A_178 = vector.broadcast %eq3A_177 : i32 to vector<16x16xi32>
      %eq3A_179 = arith.cmpi eq, %iota3A_33, %eq3A_178 : vector<16x16xi32>
      %broadcast_in_dim3A_180 = vector.shape_cast %broadcast_in_dim3A_176 : vector<16x1xi32> to vector<16x1xi32>
      %broadcast_in_dim3A_181 = vector.broadcast %broadcast_in_dim3A_180 : vector<16x1xi32> to vector<16x16xi32>
      %select_n3A_182 = arith.select %eq3A_179, %broadcast_in_dim3A_181, %select_n3A_160 : vector<16x16xi1>, vector<16x16xi32>
      %eq3A_183 = vector.broadcast %broadcast_in_dim3A_176 : vector<16x1xi32> to vector<16x4096xi32>
      %eq3A_184 = arith.cmpi eq, %add3A, %eq3A_183 : vector<16x4096xi32>
      %jit3A_185 = arith.constant 0xFF800000 : f32
      %broadcast_in_dim3A_186 = vector.broadcast %jit3A_185 : f32 to vector<16x4096xf32>
      %select_n3A_187 = arith.select %eq3A_184, %broadcast_in_dim3A_186, %select_n3A_165 : vector<16x4096xi1>, vector<16x4096xf32>
      %reduce_max3A_188 = arith.constant dense<0xFF800000> : vector<16xf32>
      %reduce_max3A_189 = vector.multi_reduction <maximumf>, %select_n3A_187, %reduce_max3A_188 [1] : vector<16x4096xf32> to vector<16xf32>
      %broadcast_in_dim3A_190 = vector.shape_cast %reduce_max3A_189 : vector<16xf32> to vector<16x1xf32>
      %eq3A_191 = vector.broadcast %broadcast_in_dim3A_190 : vector<16x1xf32> to vector<16x4096xf32>
      %eq3A_192 = arith.cmpf oeq, %select_n3A_187, %eq3A_191 : vector<16x4096xf32>
      %jit3A_193 = arith.constant -1 : i32
      %broadcast_in_dim3A_194 = vector.broadcast %jit3A_193 : i32 to vector<16x4096xi32>
      %select_n3A_195 = arith.select %eq3A_192, %add3A, %broadcast_in_dim3A_194 : vector<16x4096xi1>, vector<16x4096xi32>
      %reduce_max3A_196 = arith.constant dense<-2147483648> : vector<16xi32>
      %reduce_max3A_197 = vector.multi_reduction <maxsi>, %select_n3A_195, %reduce_max3A_196 [1] : vector<16x4096xi32> to vector<16xi32>
      %broadcast_in_dim3A_198 = vector.shape_cast %reduce_max3A_197 : vector<16xi32> to vector<16x1xi32>
      %eq3A_199 = arith.constant 7 : i32
      %eq3A_200 = vector.broadcast %eq3A_199 : i32 to vector<16x16xi32>
      %eq3A_201 = arith.cmpi eq, %iota3A_33, %eq3A_200 : vector<16x16xi32>
      %broadcast_in_dim3A_202 = vector.shape_cast %broadcast_in_dim3A_198 : vector<16x1xi32> to vector<16x1xi32>
      %broadcast_in_dim3A_203 = vector.broadcast %broadcast_in_dim3A_202 : vector<16x1xi32> to vector<16x16xi32>
      %select_n3A_204 = arith.select %eq3A_201, %broadcast_in_dim3A_203, %select_n3A_182 : vector<16x16xi1>, vector<16x16xi32>
      %eq3A_205 = vector.broadcast %broadcast_in_dim3A_198 : vector<16x1xi32> to vector<16x4096xi32>
      %eq3A_206 = arith.cmpi eq, %add3A, %eq3A_205 : vector<16x4096xi32>
      %jit3A_207 = arith.constant 0xFF800000 : f32
      %broadcast_in_dim3A_208 = vector.broadcast %jit3A_207 : f32 to vector<16x4096xf32>
      %select_n3A_209 = arith.select %eq3A_206, %broadcast_in_dim3A_208, %select_n3A_187 : vector<16x4096xi1>, vector<16x4096xf32>
      %reduce_max3A_210 = arith.constant dense<0xFF800000> : vector<16xf32>
      %reduce_max3A_211 = vector.multi_reduction <maximumf>, %select_n3A_209, %reduce_max3A_210 [1] : vector<16x4096xf32> to vector<16xf32>
      %broadcast_in_dim3A_212 = vector.shape_cast %reduce_max3A_211 : vector<16xf32> to vector<16x1xf32>
      %eq3A_213 = vector.broadcast %broadcast_in_dim3A_212 : vector<16x1xf32> to vector<16x4096xf32>
      %eq3A_214 = arith.cmpf oeq, %select_n3A_209, %eq3A_213 : vector<16x4096xf32>
      %jit3A_215 = arith.constant -1 : i32
      %broadcast_in_dim3A_216 = vector.broadcast %jit3A_215 : i32 to vector<16x4096xi32>
      %select_n3A_217 = arith.select %eq3A_214, %add3A, %broadcast_in_dim3A_216 : vector<16x4096xi1>, vector<16x4096xi32>
      %reduce_max3A_218 = arith.constant dense<-2147483648> : vector<16xi32>
      %reduce_max3A_219 = vector.multi_reduction <maxsi>, %select_n3A_217, %reduce_max3A_218 [1] : vector<16x4096xi32> to vector<16xi32>
      %broadcast_in_dim3A_220 = vector.shape_cast %reduce_max3A_219 : vector<16xi32> to vector<16x1xi32>
      %eq3A_221 = arith.constant 8 : i32
      %eq3A_222 = vector.broadcast %eq3A_221 : i32 to vector<16x16xi32>
      %eq3A_223 = arith.cmpi eq, %iota3A_33, %eq3A_222 : vector<16x16xi32>
      %broadcast_in_dim3A_224 = vector.shape_cast %broadcast_in_dim3A_220 : vector<16x1xi32> to vector<16x1xi32>
      %broadcast_in_dim3A_225 = vector.broadcast %broadcast_in_dim3A_224 : vector<16x1xi32> to vector<16x16xi32>
      %select_n3A_226 = arith.select %eq3A_223, %broadcast_in_dim3A_225, %select_n3A_204 : vector<16x16xi1>, vector<16x16xi32>
      %eq3A_227 = vector.broadcast %broadcast_in_dim3A_220 : vector<16x1xi32> to vector<16x4096xi32>
      %eq3A_228 = arith.cmpi eq, %add3A, %eq3A_227 : vector<16x4096xi32>
      %jit3A_229 = arith.constant 0xFF800000 : f32
      %broadcast_in_dim3A_230 = vector.broadcast %jit3A_229 : f32 to vector<16x4096xf32>
      %select_n3A_231 = arith.select %eq3A_228, %broadcast_in_dim3A_230, %select_n3A_209 : vector<16x4096xi1>, vector<16x4096xf32>
      %reduce_max3A_232 = arith.constant dense<0xFF800000> : vector<16xf32>
      %reduce_max3A_233 = vector.multi_reduction <maximumf>, %select_n3A_231, %reduce_max3A_232 [1] : vector<16x4096xf32> to vector<16xf32>
      %broadcast_in_dim3A_234 = vector.shape_cast %reduce_max3A_233 : vector<16xf32> to vector<16x1xf32>
      %eq3A_235 = vector.broadcast %broadcast_in_dim3A_234 : vector<16x1xf32> to vector<16x4096xf32>
      %eq3A_236 = arith.cmpf oeq, %select_n3A_231, %eq3A_235 : vector<16x4096xf32>
      %jit3A_237 = arith.constant -1 : i32
      %broadcast_in_dim3A_238 = vector.broadcast %jit3A_237 : i32 to vector<16x4096xi32>
      %select_n3A_239 = arith.select %eq3A_236, %add3A, %broadcast_in_dim3A_238 : vector<16x4096xi1>, vector<16x4096xi32>
      %reduce_max3A_240 = arith.constant dense<-2147483648> : vector<16xi32>
      %reduce_max3A_241 = vector.multi_reduction <maxsi>, %select_n3A_239, %reduce_max3A_240 [1] : vector<16x4096xi32> to vector<16xi32>
      %broadcast_in_dim3A_242 = vector.shape_cast %reduce_max3A_241 : vector<16xi32> to vector<16x1xi32>
      %eq3A_243 = arith.constant 9 : i32
      %eq3A_244 = vector.broadcast %eq3A_243 : i32 to vector<16x16xi32>
      %eq3A_245 = arith.cmpi eq, %iota3A_33, %eq3A_244 : vector<16x16xi32>
      %broadcast_in_dim3A_246 = vector.shape_cast %broadcast_in_dim3A_242 : vector<16x1xi32> to vector<16x1xi32>
      %broadcast_in_dim3A_247 = vector.broadcast %broadcast_in_dim3A_246 : vector<16x1xi32> to vector<16x16xi32>
      %select_n3A_248 = arith.select %eq3A_245, %broadcast_in_dim3A_247, %select_n3A_226 : vector<16x16xi1>, vector<16x16xi32>
      %eq3A_249 = vector.broadcast %broadcast_in_dim3A_242 : vector<16x1xi32> to vector<16x4096xi32>
      %eq3A_250 = arith.cmpi eq, %add3A, %eq3A_249 : vector<16x4096xi32>
      %jit3A_251 = arith.constant 0xFF800000 : f32
      %broadcast_in_dim3A_252 = vector.broadcast %jit3A_251 : f32 to vector<16x4096xf32>
      %select_n3A_253 = arith.select %eq3A_250, %broadcast_in_dim3A_252, %select_n3A_231 : vector<16x4096xi1>, vector<16x4096xf32>
      %reduce_max3A_254 = arith.constant dense<0xFF800000> : vector<16xf32>
      %reduce_max3A_255 = vector.multi_reduction <maximumf>, %select_n3A_253, %reduce_max3A_254 [1] : vector<16x4096xf32> to vector<16xf32>
      %broadcast_in_dim3A_256 = vector.shape_cast %reduce_max3A_255 : vector<16xf32> to vector<16x1xf32>
      %eq3A_257 = vector.broadcast %broadcast_in_dim3A_256 : vector<16x1xf32> to vector<16x4096xf32>
      %eq3A_258 = arith.cmpf oeq, %select_n3A_253, %eq3A_257 : vector<16x4096xf32>
      %jit3A_259 = arith.constant -1 : i32
      %broadcast_in_dim3A_260 = vector.broadcast %jit3A_259 : i32 to vector<16x4096xi32>
      %select_n3A_261 = arith.select %eq3A_258, %add3A, %broadcast_in_dim3A_260 : vector<16x4096xi1>, vector<16x4096xi32>
      %reduce_max3A_262 = arith.constant dense<-2147483648> : vector<16xi32>
      %reduce_max3A_263 = vector.multi_reduction <maxsi>, %select_n3A_261, %reduce_max3A_262 [1] : vector<16x4096xi32> to vector<16xi32>
      %broadcast_in_dim3A_264 = vector.shape_cast %reduce_max3A_263 : vector<16xi32> to vector<16x1xi32>
      %eq3A_265 = arith.constant 10 : i32
      %eq3A_266 = vector.broadcast %eq3A_265 : i32 to vector<16x16xi32>
      %eq3A_267 = arith.cmpi eq, %iota3A_33, %eq3A_266 : vector<16x16xi32>
      %broadcast_in_dim3A_268 = vector.shape_cast %broadcast_in_dim3A_264 : vector<16x1xi32> to vector<16x1xi32>
      %broadcast_in_dim3A_269 = vector.broadcast %broadcast_in_dim3A_268 : vector<16x1xi32> to vector<16x16xi32>
      %select_n3A_270 = arith.select %eq3A_267, %broadcast_in_dim3A_269, %select_n3A_248 : vector<16x16xi1>, vector<16x16xi32>
      %eq3A_271 = vector.broadcast %broadcast_in_dim3A_264 : vector<16x1xi32> to vector<16x4096xi32>
      %eq3A_272 = arith.cmpi eq, %add3A, %eq3A_271 : vector<16x4096xi32>
      %jit3A_273 = arith.constant 0xFF800000 : f32
      %broadcast_in_dim3A_274 = vector.broadcast %jit3A_273 : f32 to vector<16x4096xf32>
      %select_n3A_275 = arith.select %eq3A_272, %broadcast_in_dim3A_274, %select_n3A_253 : vector<16x4096xi1>, vector<16x4096xf32>
      %reduce_max3A_276 = arith.constant dense<0xFF800000> : vector<16xf32>
      %reduce_max3A_277 = vector.multi_reduction <maximumf>, %select_n3A_275, %reduce_max3A_276 [1] : vector<16x4096xf32> to vector<16xf32>
      %broadcast_in_dim3A_278 = vector.shape_cast %reduce_max3A_277 : vector<16xf32> to vector<16x1xf32>
      %eq3A_279 = vector.broadcast %broadcast_in_dim3A_278 : vector<16x1xf32> to vector<16x4096xf32>
      %eq3A_280 = arith.cmpf oeq, %select_n3A_275, %eq3A_279 : vector<16x4096xf32>
      %jit3A_281 = arith.constant -1 : i32
      %broadcast_in_dim3A_282 = vector.broadcast %jit3A_281 : i32 to vector<16x4096xi32>
      %select_n3A_283 = arith.select %eq3A_280, %add3A, %broadcast_in_dim3A_282 : vector<16x4096xi1>, vector<16x4096xi32>
      %reduce_max3A_284 = arith.constant dense<-2147483648> : vector<16xi32>
      %reduce_max3A_285 = vector.multi_reduction <maxsi>, %select_n3A_283, %reduce_max3A_284 [1] : vector<16x4096xi32> to vector<16xi32>
      %broadcast_in_dim3A_286 = vector.shape_cast %reduce_max3A_285 : vector<16xi32> to vector<16x1xi32>
      %eq3A_287 = arith.constant 11 : i32
      %eq3A_288 = vector.broadcast %eq3A_287 : i32 to vector<16x16xi32>
      %eq3A_289 = arith.cmpi eq, %iota3A_33, %eq3A_288 : vector<16x16xi32>
      %broadcast_in_dim3A_290 = vector.shape_cast %broadcast_in_dim3A_286 : vector<16x1xi32> to vector<16x1xi32>
      %broadcast_in_dim3A_291 = vector.broadcast %broadcast_in_dim3A_290 : vector<16x1xi32> to vector<16x16xi32>
      %select_n3A_292 = arith.select %eq3A_289, %broadcast_in_dim3A_291, %select_n3A_270 : vector<16x16xi1>, vector<16x16xi32>
      %eq3A_293 = vector.broadcast %broadcast_in_dim3A_286 : vector<16x1xi32> to vector<16x4096xi32>
      %eq3A_294 = arith.cmpi eq, %add3A, %eq3A_293 : vector<16x4096xi32>
      %jit3A_295 = arith.constant 0xFF800000 : f32
      %broadcast_in_dim3A_296 = vector.broadcast %jit3A_295 : f32 to vector<16x4096xf32>
      %select_n3A_297 = arith.select %eq3A_294, %broadcast_in_dim3A_296, %select_n3A_275 : vector<16x4096xi1>, vector<16x4096xf32>
      %reduce_max3A_298 = arith.constant dense<0xFF800000> : vector<16xf32>
      %reduce_max3A_299 = vector.multi_reduction <maximumf>, %select_n3A_297, %reduce_max3A_298 [1] : vector<16x4096xf32> to vector<16xf32>
      %broadcast_in_dim3A_300 = vector.shape_cast %reduce_max3A_299 : vector<16xf32> to vector<16x1xf32>
      %eq3A_301 = vector.broadcast %broadcast_in_dim3A_300 : vector<16x1xf32> to vector<16x4096xf32>
      %eq3A_302 = arith.cmpf oeq, %select_n3A_297, %eq3A_301 : vector<16x4096xf32>
      %jit3A_303 = arith.constant -1 : i32
      %broadcast_in_dim3A_304 = vector.broadcast %jit3A_303 : i32 to vector<16x4096xi32>
      %select_n3A_305 = arith.select %eq3A_302, %add3A, %broadcast_in_dim3A_304 : vector<16x4096xi1>, vector<16x4096xi32>
      %reduce_max3A_306 = arith.constant dense<-2147483648> : vector<16xi32>
      %reduce_max3A_307 = vector.multi_reduction <maxsi>, %select_n3A_305, %reduce_max3A_306 [1] : vector<16x4096xi32> to vector<16xi32>
      %broadcast_in_dim3A_308 = vector.shape_cast %reduce_max3A_307 : vector<16xi32> to vector<16x1xi32>
      %eq3A_309 = arith.constant 12 : i32
      %eq3A_310 = vector.broadcast %eq3A_309 : i32 to vector<16x16xi32>
      %eq3A_311 = arith.cmpi eq, %iota3A_33, %eq3A_310 : vector<16x16xi32>
      %broadcast_in_dim3A_312 = vector.shape_cast %broadcast_in_dim3A_308 : vector<16x1xi32> to vector<16x1xi32>
      %broadcast_in_dim3A_313 = vector.broadcast %broadcast_in_dim3A_312 : vector<16x1xi32> to vector<16x16xi32>
      %select_n3A_314 = arith.select %eq3A_311, %broadcast_in_dim3A_313, %select_n3A_292 : vector<16x16xi1>, vector<16x16xi32>
      %eq3A_315 = vector.broadcast %broadcast_in_dim3A_308 : vector<16x1xi32> to vector<16x4096xi32>
      %eq3A_316 = arith.cmpi eq, %add3A, %eq3A_315 : vector<16x4096xi32>
      %jit3A_317 = arith.constant 0xFF800000 : f32
      %broadcast_in_dim3A_318 = vector.broadcast %jit3A_317 : f32 to vector<16x4096xf32>
      %select_n3A_319 = arith.select %eq3A_316, %broadcast_in_dim3A_318, %select_n3A_297 : vector<16x4096xi1>, vector<16x4096xf32>
      %reduce_max3A_320 = arith.constant dense<0xFF800000> : vector<16xf32>
      %reduce_max3A_321 = vector.multi_reduction <maximumf>, %select_n3A_319, %reduce_max3A_320 [1] : vector<16x4096xf32> to vector<16xf32>
      %broadcast_in_dim3A_322 = vector.shape_cast %reduce_max3A_321 : vector<16xf32> to vector<16x1xf32>
      %eq3A_323 = vector.broadcast %broadcast_in_dim3A_322 : vector<16x1xf32> to vector<16x4096xf32>
      %eq3A_324 = arith.cmpf oeq, %select_n3A_319, %eq3A_323 : vector<16x4096xf32>
      %jit3A_325 = arith.constant -1 : i32
      %broadcast_in_dim3A_326 = vector.broadcast %jit3A_325 : i32 to vector<16x4096xi32>
      %select_n3A_327 = arith.select %eq3A_324, %add3A, %broadcast_in_dim3A_326 : vector<16x4096xi1>, vector<16x4096xi32>
      %reduce_max3A_328 = arith.constant dense<-2147483648> : vector<16xi32>
      %reduce_max3A_329 = vector.multi_reduction <maxsi>, %select_n3A_327, %reduce_max3A_328 [1] : vector<16x4096xi32> to vector<16xi32>
      %broadcast_in_dim3A_330 = vector.shape_cast %reduce_max3A_329 : vector<16xi32> to vector<16x1xi32>
      %eq3A_331 = arith.constant 13 : i32
      %eq3A_332 = vector.broadcast %eq3A_331 : i32 to vector<16x16xi32>
      %eq3A_333 = arith.cmpi eq, %iota3A_33, %eq3A_332 : vector<16x16xi32>
      %broadcast_in_dim3A_334 = vector.shape_cast %broadcast_in_dim3A_330 : vector<16x1xi32> to vector<16x1xi32>
      %broadcast_in_dim3A_335 = vector.broadcast %broadcast_in_dim3A_334 : vector<16x1xi32> to vector<16x16xi32>
      %select_n3A_336 = arith.select %eq3A_333, %broadcast_in_dim3A_335, %select_n3A_314 : vector<16x16xi1>, vector<16x16xi32>
      %eq3A_337 = vector.broadcast %broadcast_in_dim3A_330 : vector<16x1xi32> to vector<16x4096xi32>
      %eq3A_338 = arith.cmpi eq, %add3A, %eq3A_337 : vector<16x4096xi32>
      %jit3A_339 = arith.constant 0xFF800000 : f32
      %broadcast_in_dim3A_340 = vector.broadcast %jit3A_339 : f32 to vector<16x4096xf32>
      %select_n3A_341 = arith.select %eq3A_338, %broadcast_in_dim3A_340, %select_n3A_319 : vector<16x4096xi1>, vector<16x4096xf32>
      %reduce_max3A_342 = arith.constant dense<0xFF800000> : vector<16xf32>
      %reduce_max3A_343 = vector.multi_reduction <maximumf>, %select_n3A_341, %reduce_max3A_342 [1] : vector<16x4096xf32> to vector<16xf32>
      %broadcast_in_dim3A_344 = vector.shape_cast %reduce_max3A_343 : vector<16xf32> to vector<16x1xf32>
      %eq3A_345 = vector.broadcast %broadcast_in_dim3A_344 : vector<16x1xf32> to vector<16x4096xf32>
      %eq3A_346 = arith.cmpf oeq, %select_n3A_341, %eq3A_345 : vector<16x4096xf32>
      %jit3A_347 = arith.constant -1 : i32
      %broadcast_in_dim3A_348 = vector.broadcast %jit3A_347 : i32 to vector<16x4096xi32>
      %select_n3A_349 = arith.select %eq3A_346, %add3A, %broadcast_in_dim3A_348 : vector<16x4096xi1>, vector<16x4096xi32>
      %reduce_max3A_350 = arith.constant dense<-2147483648> : vector<16xi32>
      %reduce_max3A_351 = vector.multi_reduction <maxsi>, %select_n3A_349, %reduce_max3A_350 [1] : vector<16x4096xi32> to vector<16xi32>
      %broadcast_in_dim3A_352 = vector.shape_cast %reduce_max3A_351 : vector<16xi32> to vector<16x1xi32>
      %eq3A_353 = arith.constant 14 : i32
      %eq3A_354 = vector.broadcast %eq3A_353 : i32 to vector<16x16xi32>
      %eq3A_355 = arith.cmpi eq, %iota3A_33, %eq3A_354 : vector<16x16xi32>
      %broadcast_in_dim3A_356 = vector.shape_cast %broadcast_in_dim3A_352 : vector<16x1xi32> to vector<16x1xi32>
      %broadcast_in_dim3A_357 = vector.broadcast %broadcast_in_dim3A_356 : vector<16x1xi32> to vector<16x16xi32>
      %select_n3A_358 = arith.select %eq3A_355, %broadcast_in_dim3A_357, %select_n3A_336 : vector<16x16xi1>, vector<16x16xi32>
      %eq3A_359 = vector.broadcast %broadcast_in_dim3A_352 : vector<16x1xi32> to vector<16x4096xi32>
      %eq3A_360 = arith.cmpi eq, %add3A, %eq3A_359 : vector<16x4096xi32>
      %jit3A_361 = arith.constant 0xFF800000 : f32
      %broadcast_in_dim3A_362 = vector.broadcast %jit3A_361 : f32 to vector<16x4096xf32>
      %select_n3A_363 = arith.select %eq3A_360, %broadcast_in_dim3A_362, %select_n3A_341 : vector<16x4096xi1>, vector<16x4096xf32>
      %reduce_max3A_364 = arith.constant dense<0xFF800000> : vector<16xf32>
      %reduce_max3A_365 = vector.multi_reduction <maximumf>, %select_n3A_363, %reduce_max3A_364 [1] : vector<16x4096xf32> to vector<16xf32>
      %broadcast_in_dim3A_366 = vector.shape_cast %reduce_max3A_365 : vector<16xf32> to vector<16x1xf32>
      %eq3A_367 = vector.broadcast %broadcast_in_dim3A_366 : vector<16x1xf32> to vector<16x4096xf32>
      %eq3A_368 = arith.cmpf oeq, %select_n3A_363, %eq3A_367 : vector<16x4096xf32>
      %jit3A_369 = arith.constant -1 : i32
      %broadcast_in_dim3A_370 = vector.broadcast %jit3A_369 : i32 to vector<16x4096xi32>
      %select_n3A_371 = arith.select %eq3A_368, %add3A, %broadcast_in_dim3A_370 : vector<16x4096xi1>, vector<16x4096xi32>
      %reduce_max3A_372 = arith.constant dense<-2147483648> : vector<16xi32>
      %reduce_max3A_373 = vector.multi_reduction <maxsi>, %select_n3A_371, %reduce_max3A_372 [1] : vector<16x4096xi32> to vector<16xi32>
      %broadcast_in_dim3A_374 = vector.shape_cast %reduce_max3A_373 : vector<16xi32> to vector<16x1xi32>
      %eq3A_375 = arith.constant 15 : i32
      %eq3A_376 = vector.broadcast %eq3A_375 : i32 to vector<16x16xi32>
      %eq3A_377 = arith.cmpi eq, %iota3A_33, %eq3A_376 : vector<16x16xi32>
      %broadcast_in_dim3A_378 = vector.shape_cast %broadcast_in_dim3A_374 : vector<16x1xi32> to vector<16x1xi32>
      %broadcast_in_dim3A_379 = vector.broadcast %broadcast_in_dim3A_378 : vector<16x1xi32> to vector<16x16xi32>
      %select_n3A_380 = arith.select %eq3A_377, %broadcast_in_dim3A_379, %select_n3A_358 : vector<16x16xi1>, vector<16x16xi32>
      %swap3A_381 = arith.constant 0 : index
      %swap3A_382 = arith.constant 0 : index
      %swap3A_383 = vector.load %arg4[%swap3A_381, %swap3A_382] : memref<16x16xi32, #tpu.memory_space<vmem>>, vector<16x16xi32>
      tpu.vector_store %arg4[%swap3A_381, %swap3A_382], %select_n3A_380 {strides = array<i32>} : memref<16x16xi32, #tpu.memory_space<vmem>>, vector<16x16xi32>,
      %reshape3A_384 = vector.shape_cast %broadcast_in_dim3A : vector<16x4x1xf32> to vector<16x4xf32>
      %swap3A_385 = arith.constant 0 : index
      %swap3A_386 = arith.constant 0 : index
      %swap3A_387 = vector.load %arg5[%swap3A_385, %swap3A_386] : memref<16x4xf32, #tpu.memory_space<vmem>>, vector<16x4xf32>
      tpu.vector_store %arg5[%swap3A_385, %swap3A_386], %reshape3A_384 {strides = array<i32>} : memref<16x4xf32, #tpu.memory_space<vmem>>, vector<16x4xf32>,
      %reshape3A_388 = vector.shape_cast %broadcast_in_dim3A_25 : vector<16x4x1xf32> to vector<16x4xf32>
      %swap3A_389 = arith.constant 0 : index
      %swap3A_390 = arith.constant 0 : index
      %swap3A_391 = vector.load %arg6[%swap3A_389, %swap3A_390] : memref<16x4xf32, #tpu.memory_space<vmem>>, vector<16x4xf32>
      tpu.vector_store %arg6[%swap3A_389, %swap3A_390], %reshape3A_388 {strides = array<i32>} : memref<16x4xf32, #tpu.memory_space<vmem>>, vector<16x4xf32>,
    } else {
    }
    return
  }
  func.func @transform_0(%arg0: i32, %arg1: i32) -> (i32, i32, i32) {
    %c0_i32 = arith.constant 0 : i32
    %c0_i32_0 = arith.constant 0 : i32
    %c0_i32_1 = arith.constant 0 : i32
    return %arg0, %c0_i32, %c0_i32_0 : i32, i32, i32
  }
  func.func @transform_1(%arg0: i32, %arg1: i32) -> (i32, i32, i32) {
    %c0_i32 = arith.constant 0 : i32
    %c0_i32_0 = arith.constant 0 : i32
    return %arg0, %arg1, %c0_i32 : i32, i32, i32
  }
  func.func @transform_2(%arg0: i32, %arg1: i32) -> (i32, i32) {
    %c0_i32 = arith.constant 0 : i32
    %c0_i32_0 = arith.constant 0 : i32
    %c0_i32_1 = arith.constant 0 : i32
    return %c0_i32, %c0_i32_0 : i32, i32
  }
  func.func @transform_3(%arg0: i32, %arg1: i32) -> (i32, i32) {
    %c0_i32 = arith.constant 0 : i32
    %c0_i32_0 = arith.constant 0 : i32
    %c0_i32_1 = arith.constant 0 : i32
    return %c0_i32, %c0_i32_0 : i32, i32
  }
  func.func @transform_4(%arg0: i32, %arg1: i32) -> (i32, i32) {
    %c0_i32 = arith.constant 0 : i32
    %c0_i32_0 = arith.constant 0 : i32
    %c0_i32_1 = arith.constant 0 : i32
    return %c0_i32, %c0_i32_0 : i32, i32
  }
}

module attributes {stable_mosaic.version = 14 : i64} {
  func.func @_rerank_body(%arg0: memref<16x16x512xf32, #tpu.memory_space<vmem>>, %arg1: memref<16x1x512xf32, #tpu.memory_space<vmem>>, %arg2: memref<512x512xf32, #tpu.memory_space<vmem>>, %arg3: memref<16x4xf32, #tpu.memory_space<vmem>>, %arg4: memref<16x4xf32, #tpu.memory_space<vmem>>, %arg5: memref<16x16xi32, #tpu.memory_space<vmem>>, %arg6: memref<16x16xi32, #tpu.memory_space<vmem>>) attributes {dimension_semantics = [], scalar_prefetch = 0 : i64, scratch_operands = 0 : i64, tpu.core_type = #tpu.core_type<tc>} {
    %get3A = arith.constant 0 : index
    %get3A_0 = arith.constant 0 : index
    %get3A_1 = arith.constant 0 : index
    %get3A_2 = vector.load %arg0[%get3A, %get3A_0, %get3A_1] : memref<16x16x512xf32, #tpu.memory_space<vmem>>, vector<16x16x512xf32>
    %reshape3A = vector.shape_cast %get3A_2 : vector<16x16x512xf32> to vector<256x512xf32>
    %get3A_3 = arith.constant 0 : index
    %get3A_4 = arith.constant 0 : index
    %get3A_5 = vector.load %arg2[%get3A_3, %get3A_4] : memref<512x512xf32, #tpu.memory_space<vmem>>, vector<512x512xf32>
    %dot_general3A = arith.constant dense<0.000000e+00> : vector<256x512xf32>
    %dot_general3A_6 = tpu.matmul %reshape3A, %get3A_5, %dot_general3A {dimension_numbers = #tpu.dot_dimension_numbers<[1], [1], [0], [0], [0, 0, 1, 0], [], []>, transpose_lhs_hint = false} : vector<256x512xf32>, vector<512x512xf32>, vector<256x512xf32> -> vector<256x512xf32>
    %get3A_7 = arith.constant 0 : index
    %get3A_8 = arith.constant 0 : index
    %get3A_9 = arith.constant 0 : index
    %get3A_10 = vector.load %arg1[%get3A_7, %get3A_8, %get3A_9] : memref<16x1x512xf32, #tpu.memory_space<vmem>>, vector<16x1x512xf32>
    %reshape3A_11 = vector.shape_cast %get3A_10 : vector<16x1x512xf32> to vector<16x512xf32>
    %slice3A = vector.extract_strided_slice %reshape3A_11 {offsets = [0, 0], sizes = [1, 128], strides = [1, 1]} : vector<16x512xf32> to vector<1x128xf32>
    %slice3A_12 = vector.extract_strided_slice %dot_general3A_6 {offsets = [0, 0], sizes = [16, 128], strides = [1, 1]} : vector<256x512xf32> to vector<16x128xf32>
    %dot_general3A_13 = arith.constant dense<0.000000e+00> : vector<1x16xf32>
    %dot_general3A_14 = tpu.matmul %slice3A, %slice3A_12, %dot_general3A_13 {dimension_numbers = #tpu.dot_dimension_numbers<[1], [1], [0], [0], [0, 0, 1, 0], [], []>, transpose_lhs_hint = false} : vector<1x128xf32>, vector<16x128xf32>, vector<1x16xf32> -> vector<1x16xf32>
    %slice3A_15 = vector.extract_strided_slice %reshape3A_11 {offsets = [0, 128], sizes = [1, 128], strides = [1, 1]} : vector<16x512xf32> to vector<1x128xf32>
    %slice3A_16 = vector.extract_strided_slice %dot_general3A_6 {offsets = [0, 128], sizes = [16, 128], strides = [1, 1]} : vector<256x512xf32> to vector<16x128xf32>
    %dot_general3A_17 = arith.constant dense<0.000000e+00> : vector<1x16xf32>
    %dot_general3A_18 = tpu.matmul %slice3A_15, %slice3A_16, %dot_general3A_17 {dimension_numbers = #tpu.dot_dimension_numbers<[1], [1], [0], [0], [0, 0, 1, 0], [], []>, transpose_lhs_hint = false} : vector<1x128xf32>, vector<16x128xf32>, vector<1x16xf32> -> vector<1x16xf32>
    %slice3A_19 = vector.extract_strided_slice %reshape3A_11 {offsets = [0, 256], sizes = [1, 128], strides = [1, 1]} : vector<16x512xf32> to vector<1x128xf32>
    %slice3A_20 = vector.extract_strided_slice %dot_general3A_6 {offsets = [0, 256], sizes = [16, 128], strides = [1, 1]} : vector<256x512xf32> to vector<16x128xf32>
    %dot_general3A_21 = arith.constant dense<0.000000e+00> : vector<1x16xf32>
    %dot_general3A_22 = tpu.matmul %slice3A_19, %slice3A_20, %dot_general3A_21 {dimension_numbers = #tpu.dot_dimension_numbers<[1], [1], [0], [0], [0, 0, 1, 0], [], []>, transpose_lhs_hint = false} : vector<1x128xf32>, vector<16x128xf32>, vector<1x16xf32> -> vector<1x16xf32>
    %slice3A_23 = vector.extract_strided_slice %reshape3A_11 {offsets = [0, 384], sizes = [1, 128], strides = [1, 1]} : vector<16x512xf32> to vector<1x128xf32>
    %slice3A_24 = vector.extract_strided_slice %dot_general3A_6 {offsets = [0, 384], sizes = [16, 128], strides = [1, 1]} : vector<256x512xf32> to vector<16x128xf32>
    %dot_general3A_25 = arith.constant dense<0.000000e+00> : vector<1x16xf32>
    %dot_general3A_26 = tpu.matmul %slice3A_23, %slice3A_24, %dot_general3A_25 {dimension_numbers = #tpu.dot_dimension_numbers<[1], [1], [0], [0], [0, 0, 1, 0], [], []>, transpose_lhs_hint = false} : vector<1x128xf32>, vector<16x128xf32>, vector<1x16xf32> -> vector<1x16xf32>
    %slice3A_27 = vector.extract_strided_slice %reshape3A_11 {offsets = [1, 0], sizes = [1, 128], strides = [1, 1]} : vector<16x512xf32> to vector<1x128xf32>
    %slice3A_28 = vector.extract_strided_slice %dot_general3A_6 {offsets = [16, 0], sizes = [16, 128], strides = [1, 1]} : vector<256x512xf32> to vector<16x128xf32>
    %dot_general3A_29 = arith.constant dense<0.000000e+00> : vector<1x16xf32>
    %dot_general3A_30 = tpu.matmul %slice3A_27, %slice3A_28, %dot_general3A_29 {dimension_numbers = #tpu.dot_dimension_numbers<[1], [1], [0], [0], [0, 0, 1, 0], [], []>, transpose_lhs_hint = false} : vector<1x128xf32>, vector<16x128xf32>, vector<1x16xf32> -> vector<1x16xf32>
    %slice3A_31 = vector.extract_strided_slice %reshape3A_11 {offsets = [1, 128], sizes = [1, 128], strides = [1, 1]} : vector<16x512xf32> to vector<1x128xf32>
    %slice3A_32 = vector.extract_strided_slice %dot_general3A_6 {offsets = [16, 128], sizes = [16, 128], strides = [1, 1]} : vector<256x512xf32> to vector<16x128xf32>
    %dot_general3A_33 = arith.constant dense<0.000000e+00> : vector<1x16xf32>
    %dot_general3A_34 = tpu.matmul %slice3A_31, %slice3A_32, %dot_general3A_33 {dimension_numbers = #tpu.dot_dimension_numbers<[1], [1], [0], [0], [0, 0, 1, 0], [], []>, transpose_lhs_hint = false} : vector<1x128xf32>, vector<16x128xf32>, vector<1x16xf32> -> vector<1x16xf32>
    %slice3A_35 = vector.extract_strided_slice %reshape3A_11 {offsets = [1, 256], sizes = [1, 128], strides = [1, 1]} : vector<16x512xf32> to vector<1x128xf32>
    %slice3A_36 = vector.extract_strided_slice %dot_general3A_6 {offsets = [16, 256], sizes = [16, 128], strides = [1, 1]} : vector<256x512xf32> to vector<16x128xf32>
    %dot_general3A_37 = arith.constant dense<0.000000e+00> : vector<1x16xf32>
    %dot_general3A_38 = tpu.matmul %slice3A_35, %slice3A_36, %dot_general3A_37 {dimension_numbers = #tpu.dot_dimension_numbers<[1], [1], [0], [0], [0, 0, 1, 0], [], []>, transpose_lhs_hint = false} : vector<1x128xf32>, vector<16x128xf32>, vector<1x16xf32> -> vector<1x16xf32>
    %slice3A_39 = vector.extract_strided_slice %reshape3A_11 {offsets = [1, 384], sizes = [1, 128], strides = [1, 1]} : vector<16x512xf32> to vector<1x128xf32>
    %slice3A_40 = vector.extract_strided_slice %dot_general3A_6 {offsets = [16, 384], sizes = [16, 128], strides = [1, 1]} : vector<256x512xf32> to vector<16x128xf32>
    %dot_general3A_41 = arith.constant dense<0.000000e+00> : vector<1x16xf32>
    %dot_general3A_42 = tpu.matmul %slice3A_39, %slice3A_40, %dot_general3A_41 {dimension_numbers = #tpu.dot_dimension_numbers<[1], [1], [0], [0], [0, 0, 1, 0], [], []>, transpose_lhs_hint = false} : vector<1x128xf32>, vector<16x128xf32>, vector<1x16xf32> -> vector<1x16xf32>
    %slice3A_43 = vector.extract_strided_slice %reshape3A_11 {offsets = [2, 0], sizes = [1, 128], strides = [1, 1]} : vector<16x512xf32> to vector<1x128xf32>
    %slice3A_44 = vector.extract_strided_slice %dot_general3A_6 {offsets = [32, 0], sizes = [16, 128], strides = [1, 1]} : vector<256x512xf32> to vector<16x128xf32>
    %dot_general3A_45 = arith.constant dense<0.000000e+00> : vector<1x16xf32>
    %dot_general3A_46 = tpu.matmul %slice3A_43, %slice3A_44, %dot_general3A_45 {dimension_numbers = #tpu.dot_dimension_numbers<[1], [1], [0], [0], [0, 0, 1, 0], [], []>, transpose_lhs_hint = false} : vector<1x128xf32>, vector<16x128xf32>, vector<1x16xf32> -> vector<1x16xf32>
    %slice3A_47 = vector.extract_strided_slice %reshape3A_11 {offsets = [2, 128], sizes = [1, 128], strides = [1, 1]} : vector<16x512xf32> to vector<1x128xf32>
    %slice3A_48 = vector.extract_strided_slice %dot_general3A_6 {offsets = [32, 128], sizes = [16, 128], strides = [1, 1]} : vector<256x512xf32> to vector<16x128xf32>
    %dot_general3A_49 = arith.constant dense<0.000000e+00> : vector<1x16xf32>
    %dot_general3A_50 = tpu.matmul %slice3A_47, %slice3A_48, %dot_general3A_49 {dimension_numbers = #tpu.dot_dimension_numbers<[1], [1], [0], [0], [0, 0, 1, 0], [], []>, transpose_lhs_hint = false} : vector<1x128xf32>, vector<16x128xf32>, vector<1x16xf32> -> vector<1x16xf32>
    %slice3A_51 = vector.extract_strided_slice %reshape3A_11 {offsets = [2, 256], sizes = [1, 128], strides = [1, 1]} : vector<16x512xf32> to vector<1x128xf32>
    %slice3A_52 = vector.extract_strided_slice %dot_general3A_6 {offsets = [32, 256], sizes = [16, 128], strides = [1, 1]} : vector<256x512xf32> to vector<16x128xf32>
    %dot_general3A_53 = arith.constant dense<0.000000e+00> : vector<1x16xf32>
    %dot_general3A_54 = tpu.matmul %slice3A_51, %slice3A_52, %dot_general3A_53 {dimension_numbers = #tpu.dot_dimension_numbers<[1], [1], [0], [0], [0, 0, 1, 0], [], []>, transpose_lhs_hint = false} : vector<1x128xf32>, vector<16x128xf32>, vector<1x16xf32> -> vector<1x16xf32>
    %slice3A_55 = vector.extract_strided_slice %reshape3A_11 {offsets = [2, 384], sizes = [1, 128], strides = [1, 1]} : vector<16x512xf32> to vector<1x128xf32>
    %slice3A_56 = vector.extract_strided_slice %dot_general3A_6 {offsets = [32, 384], sizes = [16, 128], strides = [1, 1]} : vector<256x512xf32> to vector<16x128xf32>
    %dot_general3A_57 = arith.constant dense<0.000000e+00> : vector<1x16xf32>
    %dot_general3A_58 = tpu.matmul %slice3A_55, %slice3A_56, %dot_general3A_57 {dimension_numbers = #tpu.dot_dimension_numbers<[1], [1], [0], [0], [0, 0, 1, 0], [], []>, transpose_lhs_hint = false} : vector<1x128xf32>, vector<16x128xf32>, vector<1x16xf32> -> vector<1x16xf32>
    %slice3A_59 = vector.extract_strided_slice %reshape3A_11 {offsets = [3, 0], sizes = [1, 128], strides = [1, 1]} : vector<16x512xf32> to vector<1x128xf32>
    %slice3A_60 = vector.extract_strided_slice %dot_general3A_6 {offsets = [48, 0], sizes = [16, 128], strides = [1, 1]} : vector<256x512xf32> to vector<16x128xf32>
    %dot_general3A_61 = arith.constant dense<0.000000e+00> : vector<1x16xf32>
    %dot_general3A_62 = tpu.matmul %slice3A_59, %slice3A_60, %dot_general3A_61 {dimension_numbers = #tpu.dot_dimension_numbers<[1], [1], [0], [0], [0, 0, 1, 0], [], []>, transpose_lhs_hint = false} : vector<1x128xf32>, vector<16x128xf32>, vector<1x16xf32> -> vector<1x16xf32>
    %slice3A_63 = vector.extract_strided_slice %reshape3A_11 {offsets = [3, 128], sizes = [1, 128], strides = [1, 1]} : vector<16x512xf32> to vector<1x128xf32>
    %slice3A_64 = vector.extract_strided_slice %dot_general3A_6 {offsets = [48, 128], sizes = [16, 128], strides = [1, 1]} : vector<256x512xf32> to vector<16x128xf32>
    %dot_general3A_65 = arith.constant dense<0.000000e+00> : vector<1x16xf32>
    %dot_general3A_66 = tpu.matmul %slice3A_63, %slice3A_64, %dot_general3A_65 {dimension_numbers = #tpu.dot_dimension_numbers<[1], [1], [0], [0], [0, 0, 1, 0], [], []>, transpose_lhs_hint = false} : vector<1x128xf32>, vector<16x128xf32>, vector<1x16xf32> -> vector<1x16xf32>
    %slice3A_67 = vector.extract_strided_slice %reshape3A_11 {offsets = [3, 256], sizes = [1, 128], strides = [1, 1]} : vector<16x512xf32> to vector<1x128xf32>
    %slice3A_68 = vector.extract_strided_slice %dot_general3A_6 {offsets = [48, 256], sizes = [16, 128], strides = [1, 1]} : vector<256x512xf32> to vector<16x128xf32>
    %dot_general3A_69 = arith.constant dense<0.000000e+00> : vector<1x16xf32>
    %dot_general3A_70 = tpu.matmul %slice3A_67, %slice3A_68, %dot_general3A_69 {dimension_numbers = #tpu.dot_dimension_numbers<[1], [1], [0], [0], [0, 0, 1, 0], [], []>, transpose_lhs_hint = false} : vector<1x128xf32>, vector<16x128xf32>, vector<1x16xf32> -> vector<1x16xf32>
    %slice3A_71 = vector.extract_strided_slice %reshape3A_11 {offsets = [3, 384], sizes = [1, 128], strides = [1, 1]} : vector<16x512xf32> to vector<1x128xf32>
    %slice3A_72 = vector.extract_strided_slice %dot_general3A_6 {offsets = [48, 384], sizes = [16, 128], strides = [1, 1]} : vector<256x512xf32> to vector<16x128xf32>
    %dot_general3A_73 = arith.constant dense<0.000000e+00> : vector<1x16xf32>
    %dot_general3A_74 = tpu.matmul %slice3A_71, %slice3A_72, %dot_general3A_73 {dimension_numbers = #tpu.dot_dimension_numbers<[1], [1], [0], [0], [0, 0, 1, 0], [], []>, transpose_lhs_hint = false} : vector<1x128xf32>, vector<16x128xf32>, vector<1x16xf32> -> vector<1x16xf32>
    %slice3A_75 = vector.extract_strided_slice %reshape3A_11 {offsets = [4, 0], sizes = [1, 128], strides = [1, 1]} : vector<16x512xf32> to vector<1x128xf32>
    %slice3A_76 = vector.extract_strided_slice %dot_general3A_6 {offsets = [64, 0], sizes = [16, 128], strides = [1, 1]} : vector<256x512xf32> to vector<16x128xf32>
    %dot_general3A_77 = arith.constant dense<0.000000e+00> : vector<1x16xf32>
    %dot_general3A_78 = tpu.matmul %slice3A_75, %slice3A_76, %dot_general3A_77 {dimension_numbers = #tpu.dot_dimension_numbers<[1], [1], [0], [0], [0, 0, 1, 0], [], []>, transpose_lhs_hint = false} : vector<1x128xf32>, vector<16x128xf32>, vector<1x16xf32> -> vector<1x16xf32>
    %slice3A_79 = vector.extract_strided_slice %reshape3A_11 {offsets = [4, 128], sizes = [1, 128], strides = [1, 1]} : vector<16x512xf32> to vector<1x128xf32>
    %slice3A_80 = vector.extract_strided_slice %dot_general3A_6 {offsets = [64, 128], sizes = [16, 128], strides = [1, 1]} : vector<256x512xf32> to vector<16x128xf32>
    %dot_general3A_81 = arith.constant dense<0.000000e+00> : vector<1x16xf32>
    %dot_general3A_82 = tpu.matmul %slice3A_79, %slice3A_80, %dot_general3A_81 {dimension_numbers = #tpu.dot_dimension_numbers<[1], [1], [0], [0], [0, 0, 1, 0], [], []>, transpose_lhs_hint = false} : vector<1x128xf32>, vector<16x128xf32>, vector<1x16xf32> -> vector<1x16xf32>
    %slice3A_83 = vector.extract_strided_slice %reshape3A_11 {offsets = [4, 256], sizes = [1, 128], strides = [1, 1]} : vector<16x512xf32> to vector<1x128xf32>
    %slice3A_84 = vector.extract_strided_slice %dot_general3A_6 {offsets = [64, 256], sizes = [16, 128], strides = [1, 1]} : vector<256x512xf32> to vector<16x128xf32>
    %dot_general3A_85 = arith.constant dense<0.000000e+00> : vector<1x16xf32>
    %dot_general3A_86 = tpu.matmul %slice3A_83, %slice3A_84, %dot_general3A_85 {dimension_numbers = #tpu.dot_dimension_numbers<[1], [1], [0], [0], [0, 0, 1, 0], [], []>, transpose_lhs_hint = false} : vector<1x128xf32>, vector<16x128xf32>, vector<1x16xf32> -> vector<1x16xf32>
    %slice3A_87 = vector.extract_strided_slice %reshape3A_11 {offsets = [4, 384], sizes = [1, 128], strides = [1, 1]} : vector<16x512xf32> to vector<1x128xf32>
    %slice3A_88 = vector.extract_strided_slice %dot_general3A_6 {offsets = [64, 384], sizes = [16, 128], strides = [1, 1]} : vector<256x512xf32> to vector<16x128xf32>
    %dot_general3A_89 = arith.constant dense<0.000000e+00> : vector<1x16xf32>
    %dot_general3A_90 = tpu.matmul %slice3A_87, %slice3A_88, %dot_general3A_89 {dimension_numbers = #tpu.dot_dimension_numbers<[1], [1], [0], [0], [0, 0, 1, 0], [], []>, transpose_lhs_hint = false} : vector<1x128xf32>, vector<16x128xf32>, vector<1x16xf32> -> vector<1x16xf32>
    %slice3A_91 = vector.extract_strided_slice %reshape3A_11 {offsets = [5, 0], sizes = [1, 128], strides = [1, 1]} : vector<16x512xf32> to vector<1x128xf32>
    %slice3A_92 = vector.extract_strided_slice %dot_general3A_6 {offsets = [80, 0], sizes = [16, 128], strides = [1, 1]} : vector<256x512xf32> to vector<16x128xf32>
    %dot_general3A_93 = arith.constant dense<0.000000e+00> : vector<1x16xf32>
    %dot_general3A_94 = tpu.matmul %slice3A_91, %slice3A_92, %dot_general3A_93 {dimension_numbers = #tpu.dot_dimension_numbers<[1], [1], [0], [0], [0, 0, 1, 0], [], []>, transpose_lhs_hint = false} : vector<1x128xf32>, vector<16x128xf32>, vector<1x16xf32> -> vector<1x16xf32>
    %slice3A_95 = vector.extract_strided_slice %reshape3A_11 {offsets = [5, 128], sizes = [1, 128], strides = [1, 1]} : vector<16x512xf32> to vector<1x128xf32>
    %slice3A_96 = vector.extract_strided_slice %dot_general3A_6 {offsets = [80, 128], sizes = [16, 128], strides = [1, 1]} : vector<256x512xf32> to vector<16x128xf32>
    %dot_general3A_97 = arith.constant dense<0.000000e+00> : vector<1x16xf32>
    %dot_general3A_98 = tpu.matmul %slice3A_95, %slice3A_96, %dot_general3A_97 {dimension_numbers = #tpu.dot_dimension_numbers<[1], [1], [0], [0], [0, 0, 1, 0], [], []>, transpose_lhs_hint = false} : vector<1x128xf32>, vector<16x128xf32>, vector<1x16xf32> -> vector<1x16xf32>
    %slice3A_99 = vector.extract_strided_slice %reshape3A_11 {offsets = [5, 256], sizes = [1, 128], strides = [1, 1]} : vector<16x512xf32> to vector<1x128xf32>
    %slice3A_100 = vector.extract_strided_slice %dot_general3A_6 {offsets = [80, 256], sizes = [16, 128], strides = [1, 1]} : vector<256x512xf32> to vector<16x128xf32>
    %dot_general3A_101 = arith.constant dense<0.000000e+00> : vector<1x16xf32>
    %dot_general3A_102 = tpu.matmul %slice3A_99, %slice3A_100, %dot_general3A_101 {dimension_numbers = #tpu.dot_dimension_numbers<[1], [1], [0], [0], [0, 0, 1, 0], [], []>, transpose_lhs_hint = false} : vector<1x128xf32>, vector<16x128xf32>, vector<1x16xf32> -> vector<1x16xf32>
    %slice3A_103 = vector.extract_strided_slice %reshape3A_11 {offsets = [5, 384], sizes = [1, 128], strides = [1, 1]} : vector<16x512xf32> to vector<1x128xf32>
    %slice3A_104 = vector.extract_strided_slice %dot_general3A_6 {offsets = [80, 384], sizes = [16, 128], strides = [1, 1]} : vector<256x512xf32> to vector<16x128xf32>
    %dot_general3A_105 = arith.constant dense<0.000000e+00> : vector<1x16xf32>
    %dot_general3A_106 = tpu.matmul %slice3A_103, %slice3A_104, %dot_general3A_105 {dimension_numbers = #tpu.dot_dimension_numbers<[1], [1], [0], [0], [0, 0, 1, 0], [], []>, transpose_lhs_hint = false} : vector<1x128xf32>, vector<16x128xf32>, vector<1x16xf32> -> vector<1x16xf32>
    %slice3A_107 = vector.extract_strided_slice %reshape3A_11 {offsets = [6, 0], sizes = [1, 128], strides = [1, 1]} : vector<16x512xf32> to vector<1x128xf32>
    %slice3A_108 = vector.extract_strided_slice %dot_general3A_6 {offsets = [96, 0], sizes = [16, 128], strides = [1, 1]} : vector<256x512xf32> to vector<16x128xf32>
    %dot_general3A_109 = arith.constant dense<0.000000e+00> : vector<1x16xf32>
    %dot_general3A_110 = tpu.matmul %slice3A_107, %slice3A_108, %dot_general3A_109 {dimension_numbers = #tpu.dot_dimension_numbers<[1], [1], [0], [0], [0, 0, 1, 0], [], []>, transpose_lhs_hint = false} : vector<1x128xf32>, vector<16x128xf32>, vector<1x16xf32> -> vector<1x16xf32>
    %slice3A_111 = vector.extract_strided_slice %reshape3A_11 {offsets = [6, 128], sizes = [1, 128], strides = [1, 1]} : vector<16x512xf32> to vector<1x128xf32>
    %slice3A_112 = vector.extract_strided_slice %dot_general3A_6 {offsets = [96, 128], sizes = [16, 128], strides = [1, 1]} : vector<256x512xf32> to vector<16x128xf32>
    %dot_general3A_113 = arith.constant dense<0.000000e+00> : vector<1x16xf32>
    %dot_general3A_114 = tpu.matmul %slice3A_111, %slice3A_112, %dot_general3A_113 {dimension_numbers = #tpu.dot_dimension_numbers<[1], [1], [0], [0], [0, 0, 1, 0], [], []>, transpose_lhs_hint = false} : vector<1x128xf32>, vector<16x128xf32>, vector<1x16xf32> -> vector<1x16xf32>
    %slice3A_115 = vector.extract_strided_slice %reshape3A_11 {offsets = [6, 256], sizes = [1, 128], strides = [1, 1]} : vector<16x512xf32> to vector<1x128xf32>
    %slice3A_116 = vector.extract_strided_slice %dot_general3A_6 {offsets = [96, 256], sizes = [16, 128], strides = [1, 1]} : vector<256x512xf32> to vector<16x128xf32>
    %dot_general3A_117 = arith.constant dense<0.000000e+00> : vector<1x16xf32>
    %dot_general3A_118 = tpu.matmul %slice3A_115, %slice3A_116, %dot_general3A_117 {dimension_numbers = #tpu.dot_dimension_numbers<[1], [1], [0], [0], [0, 0, 1, 0], [], []>, transpose_lhs_hint = false} : vector<1x128xf32>, vector<16x128xf32>, vector<1x16xf32> -> vector<1x16xf32>
    %slice3A_119 = vector.extract_strided_slice %reshape3A_11 {offsets = [6, 384], sizes = [1, 128], strides = [1, 1]} : vector<16x512xf32> to vector<1x128xf32>
    %slice3A_120 = vector.extract_strided_slice %dot_general3A_6 {offsets = [96, 384], sizes = [16, 128], strides = [1, 1]} : vector<256x512xf32> to vector<16x128xf32>
    %dot_general3A_121 = arith.constant dense<0.000000e+00> : vector<1x16xf32>
    %dot_general3A_122 = tpu.matmul %slice3A_119, %slice3A_120, %dot_general3A_121 {dimension_numbers = #tpu.dot_dimension_numbers<[1], [1], [0], [0], [0, 0, 1, 0], [], []>, transpose_lhs_hint = false} : vector<1x128xf32>, vector<16x128xf32>, vector<1x16xf32> -> vector<1x16xf32>
    %slice3A_123 = vector.extract_strided_slice %reshape3A_11 {offsets = [7, 0], sizes = [1, 128], strides = [1, 1]} : vector<16x512xf32> to vector<1x128xf32>
    %slice3A_124 = vector.extract_strided_slice %dot_general3A_6 {offsets = [112, 0], sizes = [16, 128], strides = [1, 1]} : vector<256x512xf32> to vector<16x128xf32>
    %dot_general3A_125 = arith.constant dense<0.000000e+00> : vector<1x16xf32>
    %dot_general3A_126 = tpu.matmul %slice3A_123, %slice3A_124, %dot_general3A_125 {dimension_numbers = #tpu.dot_dimension_numbers<[1], [1], [0], [0], [0, 0, 1, 0], [], []>, transpose_lhs_hint = false} : vector<1x128xf32>, vector<16x128xf32>, vector<1x16xf32> -> vector<1x16xf32>
    %slice3A_127 = vector.extract_strided_slice %reshape3A_11 {offsets = [7, 128], sizes = [1, 128], strides = [1, 1]} : vector<16x512xf32> to vector<1x128xf32>
    %slice3A_128 = vector.extract_strided_slice %dot_general3A_6 {offsets = [112, 128], sizes = [16, 128], strides = [1, 1]} : vector<256x512xf32> to vector<16x128xf32>
    %dot_general3A_129 = arith.constant dense<0.000000e+00> : vector<1x16xf32>
    %dot_general3A_130 = tpu.matmul %slice3A_127, %slice3A_128, %dot_general3A_129 {dimension_numbers = #tpu.dot_dimension_numbers<[1], [1], [0], [0], [0, 0, 1, 0], [], []>, transpose_lhs_hint = false} : vector<1x128xf32>, vector<16x128xf32>, vector<1x16xf32> -> vector<1x16xf32>
    %slice3A_131 = vector.extract_strided_slice %reshape3A_11 {offsets = [7, 256], sizes = [1, 128], strides = [1, 1]} : vector<16x512xf32> to vector<1x128xf32>
    %slice3A_132 = vector.extract_strided_slice %dot_general3A_6 {offsets = [112, 256], sizes = [16, 128], strides = [1, 1]} : vector<256x512xf32> to vector<16x128xf32>
    %dot_general3A_133 = arith.constant dense<0.000000e+00> : vector<1x16xf32>
    %dot_general3A_134 = tpu.matmul %slice3A_131, %slice3A_132, %dot_general3A_133 {dimension_numbers = #tpu.dot_dimension_numbers<[1], [1], [0], [0], [0, 0, 1, 0], [], []>, transpose_lhs_hint = false} : vector<1x128xf32>, vector<16x128xf32>, vector<1x16xf32> -> vector<1x16xf32>
    %slice3A_135 = vector.extract_strided_slice %reshape3A_11 {offsets = [7, 384], sizes = [1, 128], strides = [1, 1]} : vector<16x512xf32> to vector<1x128xf32>
    %slice3A_136 = vector.extract_strided_slice %dot_general3A_6 {offsets = [112, 384], sizes = [16, 128], strides = [1, 1]} : vector<256x512xf32> to vector<16x128xf32>
    %dot_general3A_137 = arith.constant dense<0.000000e+00> : vector<1x16xf32>
    %dot_general3A_138 = tpu.matmul %slice3A_135, %slice3A_136, %dot_general3A_137 {dimension_numbers = #tpu.dot_dimension_numbers<[1], [1], [0], [0], [0, 0, 1, 0], [], []>, transpose_lhs_hint = false} : vector<1x128xf32>, vector<16x128xf32>, vector<1x16xf32> -> vector<1x16xf32>
    %slice3A_139 = vector.extract_strided_slice %reshape3A_11 {offsets = [8, 0], sizes = [1, 128], strides = [1, 1]} : vector<16x512xf32> to vector<1x128xf32>
    %slice3A_140 = vector.extract_strided_slice %dot_general3A_6 {offsets = [128, 0], sizes = [16, 128], strides = [1, 1]} : vector<256x512xf32> to vector<16x128xf32>
    %dot_general3A_141 = arith.constant dense<0.000000e+00> : vector<1x16xf32>
    %dot_general3A_142 = tpu.matmul %slice3A_139, %slice3A_140, %dot_general3A_141 {dimension_numbers = #tpu.dot_dimension_numbers<[1], [1], [0], [0], [0, 0, 1, 0], [], []>, transpose_lhs_hint = false} : vector<1x128xf32>, vector<16x128xf32>, vector<1x16xf32> -> vector<1x16xf32>
    %slice3A_143 = vector.extract_strided_slice %reshape3A_11 {offsets = [8, 128], sizes = [1, 128], strides = [1, 1]} : vector<16x512xf32> to vector<1x128xf32>
    %slice3A_144 = vector.extract_strided_slice %dot_general3A_6 {offsets = [128, 128], sizes = [16, 128], strides = [1, 1]} : vector<256x512xf32> to vector<16x128xf32>
    %dot_general3A_145 = arith.constant dense<0.000000e+00> : vector<1x16xf32>
    %dot_general3A_146 = tpu.matmul %slice3A_143, %slice3A_144, %dot_general3A_145 {dimension_numbers = #tpu.dot_dimension_numbers<[1], [1], [0], [0], [0, 0, 1, 0], [], []>, transpose_lhs_hint = false} : vector<1x128xf32>, vector<16x128xf32>, vector<1x16xf32> -> vector<1x16xf32>
    %slice3A_147 = vector.extract_strided_slice %reshape3A_11 {offsets = [8, 256], sizes = [1, 128], strides = [1, 1]} : vector<16x512xf32> to vector<1x128xf32>
    %slice3A_148 = vector.extract_strided_slice %dot_general3A_6 {offsets = [128, 256], sizes = [16, 128], strides = [1, 1]} : vector<256x512xf32> to vector<16x128xf32>
    %dot_general3A_149 = arith.constant dense<0.000000e+00> : vector<1x16xf32>
    %dot_general3A_150 = tpu.matmul %slice3A_147, %slice3A_148, %dot_general3A_149 {dimension_numbers = #tpu.dot_dimension_numbers<[1], [1], [0], [0], [0, 0, 1, 0], [], []>, transpose_lhs_hint = false} : vector<1x128xf32>, vector<16x128xf32>, vector<1x16xf32> -> vector<1x16xf32>
    %slice3A_151 = vector.extract_strided_slice %reshape3A_11 {offsets = [8, 384], sizes = [1, 128], strides = [1, 1]} : vector<16x512xf32> to vector<1x128xf32>
    %slice3A_152 = vector.extract_strided_slice %dot_general3A_6 {offsets = [128, 384], sizes = [16, 128], strides = [1, 1]} : vector<256x512xf32> to vector<16x128xf32>
    %dot_general3A_153 = arith.constant dense<0.000000e+00> : vector<1x16xf32>
    %dot_general3A_154 = tpu.matmul %slice3A_151, %slice3A_152, %dot_general3A_153 {dimension_numbers = #tpu.dot_dimension_numbers<[1], [1], [0], [0], [0, 0, 1, 0], [], []>, transpose_lhs_hint = false} : vector<1x128xf32>, vector<16x128xf32>, vector<1x16xf32> -> vector<1x16xf32>
    %slice3A_155 = vector.extract_strided_slice %reshape3A_11 {offsets = [9, 0], sizes = [1, 128], strides = [1, 1]} : vector<16x512xf32> to vector<1x128xf32>
    %slice3A_156 = vector.extract_strided_slice %dot_general3A_6 {offsets = [144, 0], sizes = [16, 128], strides = [1, 1]} : vector<256x512xf32> to vector<16x128xf32>
    %dot_general3A_157 = arith.constant dense<0.000000e+00> : vector<1x16xf32>
    %dot_general3A_158 = tpu.matmul %slice3A_155, %slice3A_156, %dot_general3A_157 {dimension_numbers = #tpu.dot_dimension_numbers<[1], [1], [0], [0], [0, 0, 1, 0], [], []>, transpose_lhs_hint = false} : vector<1x128xf32>, vector<16x128xf32>, vector<1x16xf32> -> vector<1x16xf32>
    %slice3A_159 = vector.extract_strided_slice %reshape3A_11 {offsets = [9, 128], sizes = [1, 128], strides = [1, 1]} : vector<16x512xf32> to vector<1x128xf32>
    %slice3A_160 = vector.extract_strided_slice %dot_general3A_6 {offsets = [144, 128], sizes = [16, 128], strides = [1, 1]} : vector<256x512xf32> to vector<16x128xf32>
    %dot_general3A_161 = arith.constant dense<0.000000e+00> : vector<1x16xf32>
    %dot_general3A_162 = tpu.matmul %slice3A_159, %slice3A_160, %dot_general3A_161 {dimension_numbers = #tpu.dot_dimension_numbers<[1], [1], [0], [0], [0, 0, 1, 0], [], []>, transpose_lhs_hint = false} : vector<1x128xf32>, vector<16x128xf32>, vector<1x16xf32> -> vector<1x16xf32>
    %slice3A_163 = vector.extract_strided_slice %reshape3A_11 {offsets = [9, 256], sizes = [1, 128], strides = [1, 1]} : vector<16x512xf32> to vector<1x128xf32>
    %slice3A_164 = vector.extract_strided_slice %dot_general3A_6 {offsets = [144, 256], sizes = [16, 128], strides = [1, 1]} : vector<256x512xf32> to vector<16x128xf32>
    %dot_general3A_165 = arith.constant dense<0.000000e+00> : vector<1x16xf32>
    %dot_general3A_166 = tpu.matmul %slice3A_163, %slice3A_164, %dot_general3A_165 {dimension_numbers = #tpu.dot_dimension_numbers<[1], [1], [0], [0], [0, 0, 1, 0], [], []>, transpose_lhs_hint = false} : vector<1x128xf32>, vector<16x128xf32>, vector<1x16xf32> -> vector<1x16xf32>
    %slice3A_167 = vector.extract_strided_slice %reshape3A_11 {offsets = [9, 384], sizes = [1, 128], strides = [1, 1]} : vector<16x512xf32> to vector<1x128xf32>
    %slice3A_168 = vector.extract_strided_slice %dot_general3A_6 {offsets = [144, 384], sizes = [16, 128], strides = [1, 1]} : vector<256x512xf32> to vector<16x128xf32>
    %dot_general3A_169 = arith.constant dense<0.000000e+00> : vector<1x16xf32>
    %dot_general3A_170 = tpu.matmul %slice3A_167, %slice3A_168, %dot_general3A_169 {dimension_numbers = #tpu.dot_dimension_numbers<[1], [1], [0], [0], [0, 0, 1, 0], [], []>, transpose_lhs_hint = false} : vector<1x128xf32>, vector<16x128xf32>, vector<1x16xf32> -> vector<1x16xf32>
    %slice3A_171 = vector.extract_strided_slice %reshape3A_11 {offsets = [10, 0], sizes = [1, 128], strides = [1, 1]} : vector<16x512xf32> to vector<1x128xf32>
    %slice3A_172 = vector.extract_strided_slice %dot_general3A_6 {offsets = [160, 0], sizes = [16, 128], strides = [1, 1]} : vector<256x512xf32> to vector<16x128xf32>
    %dot_general3A_173 = arith.constant dense<0.000000e+00> : vector<1x16xf32>
    %dot_general3A_174 = tpu.matmul %slice3A_171, %slice3A_172, %dot_general3A_173 {dimension_numbers = #tpu.dot_dimension_numbers<[1], [1], [0], [0], [0, 0, 1, 0], [], []>, transpose_lhs_hint = false} : vector<1x128xf32>, vector<16x128xf32>, vector<1x16xf32> -> vector<1x16xf32>
    %slice3A_175 = vector.extract_strided_slice %reshape3A_11 {offsets = [10, 128], sizes = [1, 128], strides = [1, 1]} : vector<16x512xf32> to vector<1x128xf32>
    %slice3A_176 = vector.extract_strided_slice %dot_general3A_6 {offsets = [160, 128], sizes = [16, 128], strides = [1, 1]} : vector<256x512xf32> to vector<16x128xf32>
    %dot_general3A_177 = arith.constant dense<0.000000e+00> : vector<1x16xf32>
    %dot_general3A_178 = tpu.matmul %slice3A_175, %slice3A_176, %dot_general3A_177 {dimension_numbers = #tpu.dot_dimension_numbers<[1], [1], [0], [0], [0, 0, 1, 0], [], []>, transpose_lhs_hint = false} : vector<1x128xf32>, vector<16x128xf32>, vector<1x16xf32> -> vector<1x16xf32>
    %slice3A_179 = vector.extract_strided_slice %reshape3A_11 {offsets = [10, 256], sizes = [1, 128], strides = [1, 1]} : vector<16x512xf32> to vector<1x128xf32>
    %slice3A_180 = vector.extract_strided_slice %dot_general3A_6 {offsets = [160, 256], sizes = [16, 128], strides = [1, 1]} : vector<256x512xf32> to vector<16x128xf32>
    %dot_general3A_181 = arith.constant dense<0.000000e+00> : vector<1x16xf32>
    %dot_general3A_182 = tpu.matmul %slice3A_179, %slice3A_180, %dot_general3A_181 {dimension_numbers = #tpu.dot_dimension_numbers<[1], [1], [0], [0], [0, 0, 1, 0], [], []>, transpose_lhs_hint = false} : vector<1x128xf32>, vector<16x128xf32>, vector<1x16xf32> -> vector<1x16xf32>
    %slice3A_183 = vector.extract_strided_slice %reshape3A_11 {offsets = [10, 384], sizes = [1, 128], strides = [1, 1]} : vector<16x512xf32> to vector<1x128xf32>
    %slice3A_184 = vector.extract_strided_slice %dot_general3A_6 {offsets = [160, 384], sizes = [16, 128], strides = [1, 1]} : vector<256x512xf32> to vector<16x128xf32>
    %dot_general3A_185 = arith.constant dense<0.000000e+00> : vector<1x16xf32>
    %dot_general3A_186 = tpu.matmul %slice3A_183, %slice3A_184, %dot_general3A_185 {dimension_numbers = #tpu.dot_dimension_numbers<[1], [1], [0], [0], [0, 0, 1, 0], [], []>, transpose_lhs_hint = false} : vector<1x128xf32>, vector<16x128xf32>, vector<1x16xf32> -> vector<1x16xf32>
    %slice3A_187 = vector.extract_strided_slice %reshape3A_11 {offsets = [11, 0], sizes = [1, 128], strides = [1, 1]} : vector<16x512xf32> to vector<1x128xf32>
    %slice3A_188 = vector.extract_strided_slice %dot_general3A_6 {offsets = [176, 0], sizes = [16, 128], strides = [1, 1]} : vector<256x512xf32> to vector<16x128xf32>
    %dot_general3A_189 = arith.constant dense<0.000000e+00> : vector<1x16xf32>
    %dot_general3A_190 = tpu.matmul %slice3A_187, %slice3A_188, %dot_general3A_189 {dimension_numbers = #tpu.dot_dimension_numbers<[1], [1], [0], [0], [0, 0, 1, 0], [], []>, transpose_lhs_hint = false} : vector<1x128xf32>, vector<16x128xf32>, vector<1x16xf32> -> vector<1x16xf32>
    %slice3A_191 = vector.extract_strided_slice %reshape3A_11 {offsets = [11, 128], sizes = [1, 128], strides = [1, 1]} : vector<16x512xf32> to vector<1x128xf32>
    %slice3A_192 = vector.extract_strided_slice %dot_general3A_6 {offsets = [176, 128], sizes = [16, 128], strides = [1, 1]} : vector<256x512xf32> to vector<16x128xf32>
    %dot_general3A_193 = arith.constant dense<0.000000e+00> : vector<1x16xf32>
    %dot_general3A_194 = tpu.matmul %slice3A_191, %slice3A_192, %dot_general3A_193 {dimension_numbers = #tpu.dot_dimension_numbers<[1], [1], [0], [0], [0, 0, 1, 0], [], []>, transpose_lhs_hint = false} : vector<1x128xf32>, vector<16x128xf32>, vector<1x16xf32> -> vector<1x16xf32>
    %slice3A_195 = vector.extract_strided_slice %reshape3A_11 {offsets = [11, 256], sizes = [1, 128], strides = [1, 1]} : vector<16x512xf32> to vector<1x128xf32>
    %slice3A_196 = vector.extract_strided_slice %dot_general3A_6 {offsets = [176, 256], sizes = [16, 128], strides = [1, 1]} : vector<256x512xf32> to vector<16x128xf32>
    %dot_general3A_197 = arith.constant dense<0.000000e+00> : vector<1x16xf32>
    %dot_general3A_198 = tpu.matmul %slice3A_195, %slice3A_196, %dot_general3A_197 {dimension_numbers = #tpu.dot_dimension_numbers<[1], [1], [0], [0], [0, 0, 1, 0], [], []>, transpose_lhs_hint = false} : vector<1x128xf32>, vector<16x128xf32>, vector<1x16xf32> -> vector<1x16xf32>
    %slice3A_199 = vector.extract_strided_slice %reshape3A_11 {offsets = [11, 384], sizes = [1, 128], strides = [1, 1]} : vector<16x512xf32> to vector<1x128xf32>
    %slice3A_200 = vector.extract_strided_slice %dot_general3A_6 {offsets = [176, 384], sizes = [16, 128], strides = [1, 1]} : vector<256x512xf32> to vector<16x128xf32>
    %dot_general3A_201 = arith.constant dense<0.000000e+00> : vector<1x16xf32>
    %dot_general3A_202 = tpu.matmul %slice3A_199, %slice3A_200, %dot_general3A_201 {dimension_numbers = #tpu.dot_dimension_numbers<[1], [1], [0], [0], [0, 0, 1, 0], [], []>, transpose_lhs_hint = false} : vector<1x128xf32>, vector<16x128xf32>, vector<1x16xf32> -> vector<1x16xf32>
    %slice3A_203 = vector.extract_strided_slice %reshape3A_11 {offsets = [12, 0], sizes = [1, 128], strides = [1, 1]} : vector<16x512xf32> to vector<1x128xf32>
    %slice3A_204 = vector.extract_strided_slice %dot_general3A_6 {offsets = [192, 0], sizes = [16, 128], strides = [1, 1]} : vector<256x512xf32> to vector<16x128xf32>
    %dot_general3A_205 = arith.constant dense<0.000000e+00> : vector<1x16xf32>
    %dot_general3A_206 = tpu.matmul %slice3A_203, %slice3A_204, %dot_general3A_205 {dimension_numbers = #tpu.dot_dimension_numbers<[1], [1], [0], [0], [0, 0, 1, 0], [], []>, transpose_lhs_hint = false} : vector<1x128xf32>, vector<16x128xf32>, vector<1x16xf32> -> vector<1x16xf32>
    %slice3A_207 = vector.extract_strided_slice %reshape3A_11 {offsets = [12, 128], sizes = [1, 128], strides = [1, 1]} : vector<16x512xf32> to vector<1x128xf32>
    %slice3A_208 = vector.extract_strided_slice %dot_general3A_6 {offsets = [192, 128], sizes = [16, 128], strides = [1, 1]} : vector<256x512xf32> to vector<16x128xf32>
    %dot_general3A_209 = arith.constant dense<0.000000e+00> : vector<1x16xf32>
    %dot_general3A_210 = tpu.matmul %slice3A_207, %slice3A_208, %dot_general3A_209 {dimension_numbers = #tpu.dot_dimension_numbers<[1], [1], [0], [0], [0, 0, 1, 0], [], []>, transpose_lhs_hint = false} : vector<1x128xf32>, vector<16x128xf32>, vector<1x16xf32> -> vector<1x16xf32>
    %slice3A_211 = vector.extract_strided_slice %reshape3A_11 {offsets = [12, 256], sizes = [1, 128], strides = [1, 1]} : vector<16x512xf32> to vector<1x128xf32>
    %slice3A_212 = vector.extract_strided_slice %dot_general3A_6 {offsets = [192, 256], sizes = [16, 128], strides = [1, 1]} : vector<256x512xf32> to vector<16x128xf32>
    %dot_general3A_213 = arith.constant dense<0.000000e+00> : vector<1x16xf32>
    %dot_general3A_214 = tpu.matmul %slice3A_211, %slice3A_212, %dot_general3A_213 {dimension_numbers = #tpu.dot_dimension_numbers<[1], [1], [0], [0], [0, 0, 1, 0], [], []>, transpose_lhs_hint = false} : vector<1x128xf32>, vector<16x128xf32>, vector<1x16xf32> -> vector<1x16xf32>
    %slice3A_215 = vector.extract_strided_slice %reshape3A_11 {offsets = [12, 384], sizes = [1, 128], strides = [1, 1]} : vector<16x512xf32> to vector<1x128xf32>
    %slice3A_216 = vector.extract_strided_slice %dot_general3A_6 {offsets = [192, 384], sizes = [16, 128], strides = [1, 1]} : vector<256x512xf32> to vector<16x128xf32>
    %dot_general3A_217 = arith.constant dense<0.000000e+00> : vector<1x16xf32>
    %dot_general3A_218 = tpu.matmul %slice3A_215, %slice3A_216, %dot_general3A_217 {dimension_numbers = #tpu.dot_dimension_numbers<[1], [1], [0], [0], [0, 0, 1, 0], [], []>, transpose_lhs_hint = false} : vector<1x128xf32>, vector<16x128xf32>, vector<1x16xf32> -> vector<1x16xf32>
    %slice3A_219 = vector.extract_strided_slice %reshape3A_11 {offsets = [13, 0], sizes = [1, 128], strides = [1, 1]} : vector<16x512xf32> to vector<1x128xf32>
    %slice3A_220 = vector.extract_strided_slice %dot_general3A_6 {offsets = [208, 0], sizes = [16, 128], strides = [1, 1]} : vector<256x512xf32> to vector<16x128xf32>
    %dot_general3A_221 = arith.constant dense<0.000000e+00> : vector<1x16xf32>
    %dot_general3A_222 = tpu.matmul %slice3A_219, %slice3A_220, %dot_general3A_221 {dimension_numbers = #tpu.dot_dimension_numbers<[1], [1], [0], [0], [0, 0, 1, 0], [], []>, transpose_lhs_hint = false} : vector<1x128xf32>, vector<16x128xf32>, vector<1x16xf32> -> vector<1x16xf32>
    %slice3A_223 = vector.extract_strided_slice %reshape3A_11 {offsets = [13, 128], sizes = [1, 128], strides = [1, 1]} : vector<16x512xf32> to vector<1x128xf32>
    %slice3A_224 = vector.extract_strided_slice %dot_general3A_6 {offsets = [208, 128], sizes = [16, 128], strides = [1, 1]} : vector<256x512xf32> to vector<16x128xf32>
    %dot_general3A_225 = arith.constant dense<0.000000e+00> : vector<1x16xf32>
    %dot_general3A_226 = tpu.matmul %slice3A_223, %slice3A_224, %dot_general3A_225 {dimension_numbers = #tpu.dot_dimension_numbers<[1], [1], [0], [0], [0, 0, 1, 0], [], []>, transpose_lhs_hint = false} : vector<1x128xf32>, vector<16x128xf32>, vector<1x16xf32> -> vector<1x16xf32>
    %slice3A_227 = vector.extract_strided_slice %reshape3A_11 {offsets = [13, 256], sizes = [1, 128], strides = [1, 1]} : vector<16x512xf32> to vector<1x128xf32>
    %slice3A_228 = vector.extract_strided_slice %dot_general3A_6 {offsets = [208, 256], sizes = [16, 128], strides = [1, 1]} : vector<256x512xf32> to vector<16x128xf32>
    %dot_general3A_229 = arith.constant dense<0.000000e+00> : vector<1x16xf32>
    %dot_general3A_230 = tpu.matmul %slice3A_227, %slice3A_228, %dot_general3A_229 {dimension_numbers = #tpu.dot_dimension_numbers<[1], [1], [0], [0], [0, 0, 1, 0], [], []>, transpose_lhs_hint = false} : vector<1x128xf32>, vector<16x128xf32>, vector<1x16xf32> -> vector<1x16xf32>
    %slice3A_231 = vector.extract_strided_slice %reshape3A_11 {offsets = [13, 384], sizes = [1, 128], strides = [1, 1]} : vector<16x512xf32> to vector<1x128xf32>
    %slice3A_232 = vector.extract_strided_slice %dot_general3A_6 {offsets = [208, 384], sizes = [16, 128], strides = [1, 1]} : vector<256x512xf32> to vector<16x128xf32>
    %dot_general3A_233 = arith.constant dense<0.000000e+00> : vector<1x16xf32>
    %dot_general3A_234 = tpu.matmul %slice3A_231, %slice3A_232, %dot_general3A_233 {dimension_numbers = #tpu.dot_dimension_numbers<[1], [1], [0], [0], [0, 0, 1, 0], [], []>, transpose_lhs_hint = false} : vector<1x128xf32>, vector<16x128xf32>, vector<1x16xf32> -> vector<1x16xf32>
    %slice3A_235 = vector.extract_strided_slice %reshape3A_11 {offsets = [14, 0], sizes = [1, 128], strides = [1, 1]} : vector<16x512xf32> to vector<1x128xf32>
    %slice3A_236 = vector.extract_strided_slice %dot_general3A_6 {offsets = [224, 0], sizes = [16, 128], strides = [1, 1]} : vector<256x512xf32> to vector<16x128xf32>
    %dot_general3A_237 = arith.constant dense<0.000000e+00> : vector<1x16xf32>
    %dot_general3A_238 = tpu.matmul %slice3A_235, %slice3A_236, %dot_general3A_237 {dimension_numbers = #tpu.dot_dimension_numbers<[1], [1], [0], [0], [0, 0, 1, 0], [], []>, transpose_lhs_hint = false} : vector<1x128xf32>, vector<16x128xf32>, vector<1x16xf32> -> vector<1x16xf32>
    %slice3A_239 = vector.extract_strided_slice %reshape3A_11 {offsets = [14, 128], sizes = [1, 128], strides = [1, 1]} : vector<16x512xf32> to vector<1x128xf32>
    %slice3A_240 = vector.extract_strided_slice %dot_general3A_6 {offsets = [224, 128], sizes = [16, 128], strides = [1, 1]} : vector<256x512xf32> to vector<16x128xf32>
    %dot_general3A_241 = arith.constant dense<0.000000e+00> : vector<1x16xf32>
    %dot_general3A_242 = tpu.matmul %slice3A_239, %slice3A_240, %dot_general3A_241 {dimension_numbers = #tpu.dot_dimension_numbers<[1], [1], [0], [0], [0, 0, 1, 0], [], []>, transpose_lhs_hint = false} : vector<1x128xf32>, vector<16x128xf32>, vector<1x16xf32> -> vector<1x16xf32>
    %slice3A_243 = vector.extract_strided_slice %reshape3A_11 {offsets = [14, 256], sizes = [1, 128], strides = [1, 1]} : vector<16x512xf32> to vector<1x128xf32>
    %slice3A_244 = vector.extract_strided_slice %dot_general3A_6 {offsets = [224, 256], sizes = [16, 128], strides = [1, 1]} : vector<256x512xf32> to vector<16x128xf32>
    %dot_general3A_245 = arith.constant dense<0.000000e+00> : vector<1x16xf32>
    %dot_general3A_246 = tpu.matmul %slice3A_243, %slice3A_244, %dot_general3A_245 {dimension_numbers = #tpu.dot_dimension_numbers<[1], [1], [0], [0], [0, 0, 1, 0], [], []>, transpose_lhs_hint = false} : vector<1x128xf32>, vector<16x128xf32>, vector<1x16xf32> -> vector<1x16xf32>
    %slice3A_247 = vector.extract_strided_slice %reshape3A_11 {offsets = [14, 384], sizes = [1, 128], strides = [1, 1]} : vector<16x512xf32> to vector<1x128xf32>
    %slice3A_248 = vector.extract_strided_slice %dot_general3A_6 {offsets = [224, 384], sizes = [16, 128], strides = [1, 1]} : vector<256x512xf32> to vector<16x128xf32>
    %dot_general3A_249 = arith.constant dense<0.000000e+00> : vector<1x16xf32>
    %dot_general3A_250 = tpu.matmul %slice3A_247, %slice3A_248, %dot_general3A_249 {dimension_numbers = #tpu.dot_dimension_numbers<[1], [1], [0], [0], [0, 0, 1, 0], [], []>, transpose_lhs_hint = false} : vector<1x128xf32>, vector<16x128xf32>, vector<1x16xf32> -> vector<1x16xf32>
    %slice3A_251 = vector.extract_strided_slice %reshape3A_11 {offsets = [15, 0], sizes = [1, 128], strides = [1, 1]} : vector<16x512xf32> to vector<1x128xf32>
    %slice3A_252 = vector.extract_strided_slice %dot_general3A_6 {offsets = [240, 0], sizes = [16, 128], strides = [1, 1]} : vector<256x512xf32> to vector<16x128xf32>
    %dot_general3A_253 = arith.constant dense<0.000000e+00> : vector<1x16xf32>
    %dot_general3A_254 = tpu.matmul %slice3A_251, %slice3A_252, %dot_general3A_253 {dimension_numbers = #tpu.dot_dimension_numbers<[1], [1], [0], [0], [0, 0, 1, 0], [], []>, transpose_lhs_hint = false} : vector<1x128xf32>, vector<16x128xf32>, vector<1x16xf32> -> vector<1x16xf32>
    %slice3A_255 = vector.extract_strided_slice %reshape3A_11 {offsets = [15, 128], sizes = [1, 128], strides = [1, 1]} : vector<16x512xf32> to vector<1x128xf32>
    %slice3A_256 = vector.extract_strided_slice %dot_general3A_6 {offsets = [240, 128], sizes = [16, 128], strides = [1, 1]} : vector<256x512xf32> to vector<16x128xf32>
    %dot_general3A_257 = arith.constant dense<0.000000e+00> : vector<1x16xf32>
    %dot_general3A_258 = tpu.matmul %slice3A_255, %slice3A_256, %dot_general3A_257 {dimension_numbers = #tpu.dot_dimension_numbers<[1], [1], [0], [0], [0, 0, 1, 0], [], []>, transpose_lhs_hint = false} : vector<1x128xf32>, vector<16x128xf32>, vector<1x16xf32> -> vector<1x16xf32>
    %slice3A_259 = vector.extract_strided_slice %reshape3A_11 {offsets = [15, 256], sizes = [1, 128], strides = [1, 1]} : vector<16x512xf32> to vector<1x128xf32>
    %slice3A_260 = vector.extract_strided_slice %dot_general3A_6 {offsets = [240, 256], sizes = [16, 128], strides = [1, 1]} : vector<256x512xf32> to vector<16x128xf32>
    %dot_general3A_261 = arith.constant dense<0.000000e+00> : vector<1x16xf32>
    %dot_general3A_262 = tpu.matmul %slice3A_259, %slice3A_260, %dot_general3A_261 {dimension_numbers = #tpu.dot_dimension_numbers<[1], [1], [0], [0], [0, 0, 1, 0], [], []>, transpose_lhs_hint = false} : vector<1x128xf32>, vector<16x128xf32>, vector<1x16xf32> -> vector<1x16xf32>
    %slice3A_263 = vector.extract_strided_slice %reshape3A_11 {offsets = [15, 384], sizes = [1, 128], strides = [1, 1]} : vector<16x512xf32> to vector<1x128xf32>
    %slice3A_264 = vector.extract_strided_slice %dot_general3A_6 {offsets = [240, 384], sizes = [16, 128], strides = [1, 1]} : vector<256x512xf32> to vector<16x128xf32>
    %dot_general3A_265 = arith.constant dense<0.000000e+00> : vector<1x16xf32>
    %dot_general3A_266 = tpu.matmul %slice3A_263, %slice3A_264, %dot_general3A_265 {dimension_numbers = #tpu.dot_dimension_numbers<[1], [1], [0], [0], [0, 0, 1, 0], [], []>, transpose_lhs_hint = false} : vector<1x128xf32>, vector<16x128xf32>, vector<1x16xf32> -> vector<1x16xf32>
    %concatenate3A = tpu.concatenate %dot_general3A_14, %dot_general3A_18, %dot_general3A_22, %dot_general3A_26, %dot_general3A_30, %dot_general3A_34, %dot_general3A_38, %dot_general3A_42, %dot_general3A_46, %dot_general3A_50, %dot_general3A_54, %dot_general3A_58, %dot_general3A_62, %dot_general3A_66, %dot_general3A_70, %dot_general3A_74, %dot_general3A_78, %dot_general3A_82, %dot_general3A_86, %dot_general3A_90, %dot_general3A_94, %dot_general3A_98, %dot_general3A_102, %dot_general3A_106, %dot_general3A_110, %dot_general3A_114, %dot_general3A_118, %dot_general3A_122, %dot_general3A_126, %dot_general3A_130, %dot_general3A_134, %dot_general3A_138, %dot_general3A_142, %dot_general3A_146, %dot_general3A_150, %dot_general3A_154, %dot_general3A_158, %dot_general3A_162, %dot_general3A_166, %dot_general3A_170, %dot_general3A_174, %dot_general3A_178, %dot_general3A_182, %dot_general3A_186, %dot_general3A_190, %dot_general3A_194, %dot_general3A_198, %dot_general3A_202, %dot_general3A_206, %dot_general3A_210, %dot_general3A_214, %dot_general3A_218, %dot_general3A_222, %dot_general3A_226, %dot_general3A_230, %dot_general3A_234, %dot_general3A_238, %dot_general3A_242, %dot_general3A_246, %dot_general3A_250, %dot_general3A_254, %dot_general3A_258, %dot_general3A_262, %dot_general3A_266 in 0 : vector<1x16xf32>, vector<1x16xf32>, vector<1x16xf32>, vector<1x16xf32>, vector<1x16xf32>, vector<1x16xf32>, vector<1x16xf32>, vector<1x16xf32>, vector<1x16xf32>, vector<1x16xf32>, vector<1x16xf32>, vector<1x16xf32>, vector<1x16xf32>, vector<1x16xf32>, vector<1x16xf32>, vector<1x16xf32>, vector<1x16xf32>, vector<1x16xf32>, vector<1x16xf32>, vector<1x16xf32>, vector<1x16xf32>, vector<1x16xf32>, vector<1x16xf32>, vector<1x16xf32>, vector<1x16xf32>, vector<1x16xf32>, vector<1x16xf32>, vector<1x16xf32>, vector<1x16xf32>, vector<1x16xf32>, vector<1x16xf32>, vector<1x16xf32>, vector<1x16xf32>, vector<1x16xf32>, vector<1x16xf32>, vector<1x16xf32>, vector<1x16xf32>, vector<1x16xf32>, vector<1x16xf32>, vector<1x16xf32>, vector<1x16xf32>, vector<1x16xf32>, vector<1x16xf32>, vector<1x16xf32>, vector<1x16xf32>, vector<1x16xf32>, vector<1x16xf32>, vector<1x16xf32>, vector<1x16xf32>, vector<1x16xf32>, vector<1x16xf32>, vector<1x16xf32>, vector<1x16xf32>, vector<1x16xf32>, vector<1x16xf32>, vector<1x16xf32>, vector<1x16xf32>, vector<1x16xf32>, vector<1x16xf32>, vector<1x16xf32>, vector<1x16xf32>, vector<1x16xf32>, vector<1x16xf32>, vector<1x16xf32> -> vector<64x16xf32>
    %reshape3A_267 = vector.shape_cast %concatenate3A : vector<64x16xf32> to vector<16x4x16xf32>
    %get3A_268 = arith.constant 0 : index
    %get3A_269 = arith.constant 0 : index
    %get3A_270 = vector.load %arg3[%get3A_268, %get3A_269] : memref<16x4xf32, #tpu.memory_space<vmem>>, vector<16x4xf32>
    %reshape3A_271 = vector.shape_cast %get3A_270 : vector<16x4xf32> to vector<16x4x1xf32>
    %get3A_272 = arith.constant 0 : index
    %get3A_273 = arith.constant 0 : index
    %get3A_274 = vector.load %arg4[%get3A_272, %get3A_273] : memref<16x4xf32, #tpu.memory_space<vmem>>, vector<16x4xf32>
    %reshape3A_275 = vector.shape_cast %get3A_274 : vector<16x4xf32> to vector<16x4x1xf32>
    %sub3A = vector.broadcast %reshape3A_271 : vector<16x4x1xf32> to vector<16x4x16xf32>
    %sub3A_276 = arith.subf %reshape3A_267, %sub3A : vector<16x4x16xf32>
    %exp3A = math.exp %sub3A_276 : vector<16x4x16xf32>
    %div3A = vector.broadcast %reshape3A_275 : vector<16x4x1xf32> to vector<16x4x16xf32>
    %div3A_277 = arith.divf %exp3A, %div3A : vector<16x4x16xf32>
    %reduce_sum3A = arith.constant dense<0.000000e+00> : vector<16x16xf32>
    %reduce_sum3A_278 = vector.multi_reduction <add>, %div3A_277, %reduce_sum3A [1] : vector<16x4x16xf32> to vector<16x16xf32>
    %get3A_279 = arith.constant 0 : index
    %get3A_280 = arith.constant 0 : index
    %get3A_281 = vector.load %arg5[%get3A_279, %get3A_280] : memref<16x16xi32, #tpu.memory_space<vmem>>, vector<16x16xi32>
    %iota3A = tpu.iota {dimensions = array<i32: 1>} : vector<16x16xi32>
    %reduce_max3A = arith.constant dense<0xFF800000> : vector<16xf32>
    %reduce_max3A_282 = vector.multi_reduction <maximumf>, %reduce_sum3A_278, %reduce_max3A [1] : vector<16x16xf32> to vector<16xf32>
    %broadcast_in_dim3A = vector.shape_cast %reduce_max3A_282 : vector<16xf32> to vector<16x1xf32>
    %eq3A = vector.broadcast %broadcast_in_dim3A : vector<16x1xf32> to vector<16x16xf32>
    %eq3A_283 = arith.cmpf oeq, %reduce_sum3A_278, %eq3A : vector<16x16xf32>
    %jit3A = arith.constant -1 : i32
    %broadcast_in_dim3A_284 = vector.broadcast %jit3A : i32 to vector<16x16xi32>
    %select_n3A = arith.select %eq3A_283, %get3A_281, %broadcast_in_dim3A_284 : vector<16x16xi1>, vector<16x16xi32>
    %reduce_max3A_285 = arith.constant dense<-2147483648> : vector<16xi32>
    %reduce_max3A_286 = vector.multi_reduction <maxsi>, %select_n3A, %reduce_max3A_285 [1] : vector<16x16xi32> to vector<16xi32>
    %broadcast_in_dim3A_287 = vector.shape_cast %reduce_max3A_286 : vector<16xi32> to vector<16x1xi32>
    %eq3A_288 = vector.broadcast %broadcast_in_dim3A_287 : vector<16x1xi32> to vector<16x16xi32>
    %eq3A_289 = arith.cmpi eq, %get3A_281, %eq3A_288 : vector<16x16xi32>
    %jit3A_290 = arith.constant 0xFF800000 : f32
    %broadcast_in_dim3A_291 = vector.broadcast %jit3A_290 : f32 to vector<16x16xf32>
    %select_n3A_292 = arith.select %eq3A_289, %broadcast_in_dim3A_291, %reduce_sum3A_278 : vector<16x16xi1>, vector<16x16xf32>
    %reduce_max3A_293 = arith.constant dense<0xFF800000> : vector<16xf32>
    %reduce_max3A_294 = vector.multi_reduction <maximumf>, %select_n3A_292, %reduce_max3A_293 [1] : vector<16x16xf32> to vector<16xf32>
    %broadcast_in_dim3A_295 = vector.shape_cast %reduce_max3A_294 : vector<16xf32> to vector<16x1xf32>
    %eq3A_296 = vector.broadcast %broadcast_in_dim3A_295 : vector<16x1xf32> to vector<16x16xf32>
    %eq3A_297 = arith.cmpf oeq, %select_n3A_292, %eq3A_296 : vector<16x16xf32>
    %jit3A_298 = arith.constant -1 : i32
    %broadcast_in_dim3A_299 = vector.broadcast %jit3A_298 : i32 to vector<16x16xi32>
    %select_n3A_300 = arith.select %eq3A_297, %get3A_281, %broadcast_in_dim3A_299 : vector<16x16xi1>, vector<16x16xi32>
    %reduce_max3A_301 = arith.constant dense<-2147483648> : vector<16xi32>
    %reduce_max3A_302 = vector.multi_reduction <maxsi>, %select_n3A_300, %reduce_max3A_301 [1] : vector<16x16xi32> to vector<16xi32>
    %broadcast_in_dim3A_303 = vector.shape_cast %reduce_max3A_302 : vector<16xi32> to vector<16x1xi32>
    %eq3A_304 = vector.broadcast %broadcast_in_dim3A_303 : vector<16x1xi32> to vector<16x16xi32>
    %eq3A_305 = arith.cmpi eq, %get3A_281, %eq3A_304 : vector<16x16xi32>
    %jit3A_306 = arith.constant 0xFF800000 : f32
    %broadcast_in_dim3A_307 = vector.broadcast %jit3A_306 : f32 to vector<16x16xf32>
    %select_n3A_308 = arith.select %eq3A_305, %broadcast_in_dim3A_307, %select_n3A_292 : vector<16x16xi1>, vector<16x16xf32>
    %reduce_max3A_309 = arith.constant dense<0xFF800000> : vector<16xf32>
    %reduce_max3A_310 = vector.multi_reduction <maximumf>, %select_n3A_308, %reduce_max3A_309 [1] : vector<16x16xf32> to vector<16xf32>
    %broadcast_in_dim3A_311 = vector.shape_cast %reduce_max3A_310 : vector<16xf32> to vector<16x1xf32>
    %eq3A_312 = vector.broadcast %broadcast_in_dim3A_311 : vector<16x1xf32> to vector<16x16xf32>
    %eq3A_313 = arith.cmpf oeq, %select_n3A_308, %eq3A_312 : vector<16x16xf32>
    %jit3A_314 = arith.constant -1 : i32
    %broadcast_in_dim3A_315 = vector.broadcast %jit3A_314 : i32 to vector<16x16xi32>
    %select_n3A_316 = arith.select %eq3A_313, %get3A_281, %broadcast_in_dim3A_315 : vector<16x16xi1>, vector<16x16xi32>
    %reduce_max3A_317 = arith.constant dense<-2147483648> : vector<16xi32>
    %reduce_max3A_318 = vector.multi_reduction <maxsi>, %select_n3A_316, %reduce_max3A_317 [1] : vector<16x16xi32> to vector<16xi32>
    %broadcast_in_dim3A_319 = vector.shape_cast %reduce_max3A_318 : vector<16xi32> to vector<16x1xi32>
    %eq3A_320 = vector.broadcast %broadcast_in_dim3A_319 : vector<16x1xi32> to vector<16x16xi32>
    %eq3A_321 = arith.cmpi eq, %get3A_281, %eq3A_320 : vector<16x16xi32>
    %jit3A_322 = arith.constant 0xFF800000 : f32
    %broadcast_in_dim3A_323 = vector.broadcast %jit3A_322 : f32 to vector<16x16xf32>
    %select_n3A_324 = arith.select %eq3A_321, %broadcast_in_dim3A_323, %select_n3A_308 : vector<16x16xi1>, vector<16x16xf32>
    %reduce_max3A_325 = arith.constant dense<0xFF800000> : vector<16xf32>
    %reduce_max3A_326 = vector.multi_reduction <maximumf>, %select_n3A_324, %reduce_max3A_325 [1] : vector<16x16xf32> to vector<16xf32>
    %broadcast_in_dim3A_327 = vector.shape_cast %reduce_max3A_326 : vector<16xf32> to vector<16x1xf32>
    %eq3A_328 = vector.broadcast %broadcast_in_dim3A_327 : vector<16x1xf32> to vector<16x16xf32>
    %eq3A_329 = arith.cmpf oeq, %select_n3A_324, %eq3A_328 : vector<16x16xf32>
    %jit3A_330 = arith.constant -1 : i32
    %broadcast_in_dim3A_331 = vector.broadcast %jit3A_330 : i32 to vector<16x16xi32>
    %select_n3A_332 = arith.select %eq3A_329, %get3A_281, %broadcast_in_dim3A_331 : vector<16x16xi1>, vector<16x16xi32>
    %reduce_max3A_333 = arith.constant dense<-2147483648> : vector<16xi32>
    %reduce_max3A_334 = vector.multi_reduction <maxsi>, %select_n3A_332, %reduce_max3A_333 [1] : vector<16x16xi32> to vector<16xi32>
    %broadcast_in_dim3A_335 = vector.shape_cast %reduce_max3A_334 : vector<16xi32> to vector<16x1xi32>
    %eq3A_336 = vector.broadcast %broadcast_in_dim3A_335 : vector<16x1xi32> to vector<16x16xi32>
    %eq3A_337 = arith.cmpi eq, %get3A_281, %eq3A_336 : vector<16x16xi32>
    %jit3A_338 = arith.constant 0xFF800000 : f32
    %broadcast_in_dim3A_339 = vector.broadcast %jit3A_338 : f32 to vector<16x16xf32>
    %select_n3A_340 = arith.select %eq3A_337, %broadcast_in_dim3A_339, %select_n3A_324 : vector<16x16xi1>, vector<16x16xf32>
    %reduce_max3A_341 = arith.constant dense<0xFF800000> : vector<16xf32>
    %reduce_max3A_342 = vector.multi_reduction <maximumf>, %select_n3A_340, %reduce_max3A_341 [1] : vector<16x16xf32> to vector<16xf32>
    %broadcast_in_dim3A_343 = vector.shape_cast %reduce_max3A_342 : vector<16xf32> to vector<16x1xf32>
    %eq3A_344 = vector.broadcast %broadcast_in_dim3A_343 : vector<16x1xf32> to vector<16x16xf32>
    %eq3A_345 = arith.cmpf oeq, %select_n3A_340, %eq3A_344 : vector<16x16xf32>
    %jit3A_346 = arith.constant -1 : i32
    %broadcast_in_dim3A_347 = vector.broadcast %jit3A_346 : i32 to vector<16x16xi32>
    %select_n3A_348 = arith.select %eq3A_345, %get3A_281, %broadcast_in_dim3A_347 : vector<16x16xi1>, vector<16x16xi32>
    %reduce_max3A_349 = arith.constant dense<-2147483648> : vector<16xi32>
    %reduce_max3A_350 = vector.multi_reduction <maxsi>, %select_n3A_348, %reduce_max3A_349 [1] : vector<16x16xi32> to vector<16xi32>
    %broadcast_in_dim3A_351 = vector.shape_cast %reduce_max3A_350 : vector<16xi32> to vector<16x1xi32>
    %eq3A_352 = vector.broadcast %broadcast_in_dim3A_351 : vector<16x1xi32> to vector<16x16xi32>
    %eq3A_353 = arith.cmpi eq, %get3A_281, %eq3A_352 : vector<16x16xi32>
    %jit3A_354 = arith.constant 0xFF800000 : f32
    %broadcast_in_dim3A_355 = vector.broadcast %jit3A_354 : f32 to vector<16x16xf32>
    %select_n3A_356 = arith.select %eq3A_353, %broadcast_in_dim3A_355, %select_n3A_340 : vector<16x16xi1>, vector<16x16xf32>
    %reduce_max3A_357 = arith.constant dense<0xFF800000> : vector<16xf32>
    %reduce_max3A_358 = vector.multi_reduction <maximumf>, %select_n3A_356, %reduce_max3A_357 [1] : vector<16x16xf32> to vector<16xf32>
    %broadcast_in_dim3A_359 = vector.shape_cast %reduce_max3A_358 : vector<16xf32> to vector<16x1xf32>
    %eq3A_360 = vector.broadcast %broadcast_in_dim3A_359 : vector<16x1xf32> to vector<16x16xf32>
    %eq3A_361 = arith.cmpf oeq, %select_n3A_356, %eq3A_360 : vector<16x16xf32>
    %jit3A_362 = arith.constant -1 : i32
    %broadcast_in_dim3A_363 = vector.broadcast %jit3A_362 : i32 to vector<16x16xi32>
    %select_n3A_364 = arith.select %eq3A_361, %get3A_281, %broadcast_in_dim3A_363 : vector<16x16xi1>, vector<16x16xi32>
    %reduce_max3A_365 = arith.constant dense<-2147483648> : vector<16xi32>
    %reduce_max3A_366 = vector.multi_reduction <maxsi>, %select_n3A_364, %reduce_max3A_365 [1] : vector<16x16xi32> to vector<16xi32>
    %broadcast_in_dim3A_367 = vector.shape_cast %reduce_max3A_366 : vector<16xi32> to vector<16x1xi32>
    %eq3A_368 = vector.broadcast %broadcast_in_dim3A_367 : vector<16x1xi32> to vector<16x16xi32>
    %eq3A_369 = arith.cmpi eq, %get3A_281, %eq3A_368 : vector<16x16xi32>
    %jit3A_370 = arith.constant 0xFF800000 : f32
    %broadcast_in_dim3A_371 = vector.broadcast %jit3A_370 : f32 to vector<16x16xf32>
    %select_n3A_372 = arith.select %eq3A_369, %broadcast_in_dim3A_371, %select_n3A_356 : vector<16x16xi1>, vector<16x16xf32>
    %reduce_max3A_373 = arith.constant dense<0xFF800000> : vector<16xf32>
    %reduce_max3A_374 = vector.multi_reduction <maximumf>, %select_n3A_372, %reduce_max3A_373 [1] : vector<16x16xf32> to vector<16xf32>
    %broadcast_in_dim3A_375 = vector.shape_cast %reduce_max3A_374 : vector<16xf32> to vector<16x1xf32>
    %eq3A_376 = vector.broadcast %broadcast_in_dim3A_375 : vector<16x1xf32> to vector<16x16xf32>
    %eq3A_377 = arith.cmpf oeq, %select_n3A_372, %eq3A_376 : vector<16x16xf32>
    %jit3A_378 = arith.constant -1 : i32
    %broadcast_in_dim3A_379 = vector.broadcast %jit3A_378 : i32 to vector<16x16xi32>
    %select_n3A_380 = arith.select %eq3A_377, %get3A_281, %broadcast_in_dim3A_379 : vector<16x16xi1>, vector<16x16xi32>
    %reduce_max3A_381 = arith.constant dense<-2147483648> : vector<16xi32>
    %reduce_max3A_382 = vector.multi_reduction <maxsi>, %select_n3A_380, %reduce_max3A_381 [1] : vector<16x16xi32> to vector<16xi32>
    %broadcast_in_dim3A_383 = vector.shape_cast %reduce_max3A_382 : vector<16xi32> to vector<16x1xi32>
    %eq3A_384 = vector.broadcast %broadcast_in_dim3A_383 : vector<16x1xi32> to vector<16x16xi32>
    %eq3A_385 = arith.cmpi eq, %get3A_281, %eq3A_384 : vector<16x16xi32>
    %jit3A_386 = arith.constant 0xFF800000 : f32
    %broadcast_in_dim3A_387 = vector.broadcast %jit3A_386 : f32 to vector<16x16xf32>
    %select_n3A_388 = arith.select %eq3A_385, %broadcast_in_dim3A_387, %select_n3A_372 : vector<16x16xi1>, vector<16x16xf32>
    %reduce_max3A_389 = arith.constant dense<0xFF800000> : vector<16xf32>
    %reduce_max3A_390 = vector.multi_reduction <maximumf>, %select_n3A_388, %reduce_max3A_389 [1] : vector<16x16xf32> to vector<16xf32>
    %broadcast_in_dim3A_391 = vector.shape_cast %reduce_max3A_390 : vector<16xf32> to vector<16x1xf32>
    %eq3A_392 = vector.broadcast %broadcast_in_dim3A_391 : vector<16x1xf32> to vector<16x16xf32>
    %eq3A_393 = arith.cmpf oeq, %select_n3A_388, %eq3A_392 : vector<16x16xf32>
    %jit3A_394 = arith.constant -1 : i32
    %broadcast_in_dim3A_395 = vector.broadcast %jit3A_394 : i32 to vector<16x16xi32>
    %select_n3A_396 = arith.select %eq3A_393, %get3A_281, %broadcast_in_dim3A_395 : vector<16x16xi1>, vector<16x16xi32>
    %reduce_max3A_397 = arith.constant dense<-2147483648> : vector<16xi32>
    %reduce_max3A_398 = vector.multi_reduction <maxsi>, %select_n3A_396, %reduce_max3A_397 [1] : vector<16x16xi32> to vector<16xi32>
    %broadcast_in_dim3A_399 = vector.shape_cast %reduce_max3A_398 : vector<16xi32> to vector<16x1xi32>
    %eq3A_400 = vector.broadcast %broadcast_in_dim3A_399 : vector<16x1xi32> to vector<16x16xi32>
    %eq3A_401 = arith.cmpi eq, %get3A_281, %eq3A_400 : vector<16x16xi32>
    %jit3A_402 = arith.constant 0xFF800000 : f32
    %broadcast_in_dim3A_403 = vector.broadcast %jit3A_402 : f32 to vector<16x16xf32>
    %select_n3A_404 = arith.select %eq3A_401, %broadcast_in_dim3A_403, %select_n3A_388 : vector<16x16xi1>, vector<16x16xf32>
    %reduce_max3A_405 = arith.constant dense<0xFF800000> : vector<16xf32>
    %reduce_max3A_406 = vector.multi_reduction <maximumf>, %select_n3A_404, %reduce_max3A_405 [1] : vector<16x16xf32> to vector<16xf32>
    %broadcast_in_dim3A_407 = vector.shape_cast %reduce_max3A_406 : vector<16xf32> to vector<16x1xf32>
    %eq3A_408 = vector.broadcast %broadcast_in_dim3A_407 : vector<16x1xf32> to vector<16x16xf32>
    %eq3A_409 = arith.cmpf oeq, %select_n3A_404, %eq3A_408 : vector<16x16xf32>
    %jit3A_410 = arith.constant -1 : i32
    %broadcast_in_dim3A_411 = vector.broadcast %jit3A_410 : i32 to vector<16x16xi32>
    %select_n3A_412 = arith.select %eq3A_409, %get3A_281, %broadcast_in_dim3A_411 : vector<16x16xi1>, vector<16x16xi32>
    %reduce_max3A_413 = arith.constant dense<-2147483648> : vector<16xi32>
    %reduce_max3A_414 = vector.multi_reduction <maxsi>, %select_n3A_412, %reduce_max3A_413 [1] : vector<16x16xi32> to vector<16xi32>
    %broadcast_in_dim3A_415 = vector.shape_cast %reduce_max3A_414 : vector<16xi32> to vector<16x1xi32>
    %eq3A_416 = vector.broadcast %broadcast_in_dim3A_415 : vector<16x1xi32> to vector<16x16xi32>
    %eq3A_417 = arith.cmpi eq, %get3A_281, %eq3A_416 : vector<16x16xi32>
    %jit3A_418 = arith.constant 0xFF800000 : f32
    %broadcast_in_dim3A_419 = vector.broadcast %jit3A_418 : f32 to vector<16x16xf32>
    %select_n3A_420 = arith.select %eq3A_417, %broadcast_in_dim3A_419, %select_n3A_404 : vector<16x16xi1>, vector<16x16xf32>
    %reduce_max3A_421 = arith.constant dense<0xFF800000> : vector<16xf32>
    %reduce_max3A_422 = vector.multi_reduction <maximumf>, %select_n3A_420, %reduce_max3A_421 [1] : vector<16x16xf32> to vector<16xf32>
    %broadcast_in_dim3A_423 = vector.shape_cast %reduce_max3A_422 : vector<16xf32> to vector<16x1xf32>
    %eq3A_424 = vector.broadcast %broadcast_in_dim3A_423 : vector<16x1xf32> to vector<16x16xf32>
    %eq3A_425 = arith.cmpf oeq, %select_n3A_420, %eq3A_424 : vector<16x16xf32>
    %jit3A_426 = arith.constant -1 : i32
    %broadcast_in_dim3A_427 = vector.broadcast %jit3A_426 : i32 to vector<16x16xi32>
    %select_n3A_428 = arith.select %eq3A_425, %get3A_281, %broadcast_in_dim3A_427 : vector<16x16xi1>, vector<16x16xi32>
    %reduce_max3A_429 = arith.constant dense<-2147483648> : vector<16xi32>
    %reduce_max3A_430 = vector.multi_reduction <maxsi>, %select_n3A_428, %reduce_max3A_429 [1] : vector<16x16xi32> to vector<16xi32>
    %broadcast_in_dim3A_431 = vector.shape_cast %reduce_max3A_430 : vector<16xi32> to vector<16x1xi32>
    %broadcast_in_dim3A_432 = arith.constant 1073741824 : i32
    %broadcast_in_dim3A_433 = vector.broadcast %broadcast_in_dim3A_432 : i32 to vector<16x16xi32>
    %eq3A_434 = arith.constant 0 : i32
    %eq3A_435 = vector.broadcast %eq3A_434 : i32 to vector<16x16xi32>
    %eq3A_436 = arith.cmpi eq, %iota3A, %eq3A_435 : vector<16x16xi32>
    %broadcast_in_dim3A_437 = vector.shape_cast %broadcast_in_dim3A_287 : vector<16x1xi32> to vector<16x1xi32>
    %broadcast_in_dim3A_438 = vector.broadcast %broadcast_in_dim3A_437 : vector<16x1xi32> to vector<16x16xi32>
    %select_n3A_439 = arith.select %eq3A_436, %broadcast_in_dim3A_438, %broadcast_in_dim3A_433 : vector<16x16xi1>, vector<16x16xi32>
    %eq3A_440 = arith.constant 1 : i32
    %eq3A_441 = vector.broadcast %eq3A_440 : i32 to vector<16x16xi32>
    %eq3A_442 = arith.cmpi eq, %iota3A, %eq3A_441 : vector<16x16xi32>
    %broadcast_in_dim3A_443 = vector.shape_cast %broadcast_in_dim3A_303 : vector<16x1xi32> to vector<16x1xi32>
    %broadcast_in_dim3A_444 = vector.broadcast %broadcast_in_dim3A_443 : vector<16x1xi32> to vector<16x16xi32>
    %select_n3A_445 = arith.select %eq3A_442, %broadcast_in_dim3A_444, %select_n3A_439 : vector<16x16xi1>, vector<16x16xi32>
    %eq3A_446 = arith.constant 2 : i32
    %eq3A_447 = vector.broadcast %eq3A_446 : i32 to vector<16x16xi32>
    %eq3A_448 = arith.cmpi eq, %iota3A, %eq3A_447 : vector<16x16xi32>
    %broadcast_in_dim3A_449 = vector.shape_cast %broadcast_in_dim3A_319 : vector<16x1xi32> to vector<16x1xi32>
    %broadcast_in_dim3A_450 = vector.broadcast %broadcast_in_dim3A_449 : vector<16x1xi32> to vector<16x16xi32>
    %select_n3A_451 = arith.select %eq3A_448, %broadcast_in_dim3A_450, %select_n3A_445 : vector<16x16xi1>, vector<16x16xi32>
    %eq3A_452 = arith.constant 3 : i32
    %eq3A_453 = vector.broadcast %eq3A_452 : i32 to vector<16x16xi32>
    %eq3A_454 = arith.cmpi eq, %iota3A, %eq3A_453 : vector<16x16xi32>
    %broadcast_in_dim3A_455 = vector.shape_cast %broadcast_in_dim3A_335 : vector<16x1xi32> to vector<16x1xi32>
    %broadcast_in_dim3A_456 = vector.broadcast %broadcast_in_dim3A_455 : vector<16x1xi32> to vector<16x16xi32>
    %select_n3A_457 = arith.select %eq3A_454, %broadcast_in_dim3A_456, %select_n3A_451 : vector<16x16xi1>, vector<16x16xi32>
    %eq3A_458 = arith.constant 4 : i32
    %eq3A_459 = vector.broadcast %eq3A_458 : i32 to vector<16x16xi32>
    %eq3A_460 = arith.cmpi eq, %iota3A, %eq3A_459 : vector<16x16xi32>
    %broadcast_in_dim3A_461 = vector.shape_cast %broadcast_in_dim3A_351 : vector<16x1xi32> to vector<16x1xi32>
    %broadcast_in_dim3A_462 = vector.broadcast %broadcast_in_dim3A_461 : vector<16x1xi32> to vector<16x16xi32>
    %select_n3A_463 = arith.select %eq3A_460, %broadcast_in_dim3A_462, %select_n3A_457 : vector<16x16xi1>, vector<16x16xi32>
    %eq3A_464 = arith.constant 5 : i32
    %eq3A_465 = vector.broadcast %eq3A_464 : i32 to vector<16x16xi32>
    %eq3A_466 = arith.cmpi eq, %iota3A, %eq3A_465 : vector<16x16xi32>
    %broadcast_in_dim3A_467 = vector.shape_cast %broadcast_in_dim3A_367 : vector<16x1xi32> to vector<16x1xi32>
    %broadcast_in_dim3A_468 = vector.broadcast %broadcast_in_dim3A_467 : vector<16x1xi32> to vector<16x16xi32>
    %select_n3A_469 = arith.select %eq3A_466, %broadcast_in_dim3A_468, %select_n3A_463 : vector<16x16xi1>, vector<16x16xi32>
    %eq3A_470 = arith.constant 6 : i32
    %eq3A_471 = vector.broadcast %eq3A_470 : i32 to vector<16x16xi32>
    %eq3A_472 = arith.cmpi eq, %iota3A, %eq3A_471 : vector<16x16xi32>
    %broadcast_in_dim3A_473 = vector.shape_cast %broadcast_in_dim3A_383 : vector<16x1xi32> to vector<16x1xi32>
    %broadcast_in_dim3A_474 = vector.broadcast %broadcast_in_dim3A_473 : vector<16x1xi32> to vector<16x16xi32>
    %select_n3A_475 = arith.select %eq3A_472, %broadcast_in_dim3A_474, %select_n3A_469 : vector<16x16xi1>, vector<16x16xi32>
    %eq3A_476 = arith.constant 7 : i32
    %eq3A_477 = vector.broadcast %eq3A_476 : i32 to vector<16x16xi32>
    %eq3A_478 = arith.cmpi eq, %iota3A, %eq3A_477 : vector<16x16xi32>
    %broadcast_in_dim3A_479 = vector.shape_cast %broadcast_in_dim3A_399 : vector<16x1xi32> to vector<16x1xi32>
    %broadcast_in_dim3A_480 = vector.broadcast %broadcast_in_dim3A_479 : vector<16x1xi32> to vector<16x16xi32>
    %select_n3A_481 = arith.select %eq3A_478, %broadcast_in_dim3A_480, %select_n3A_475 : vector<16x16xi1>, vector<16x16xi32>
    %eq3A_482 = arith.constant 8 : i32
    %eq3A_483 = vector.broadcast %eq3A_482 : i32 to vector<16x16xi32>
    %eq3A_484 = arith.cmpi eq, %iota3A, %eq3A_483 : vector<16x16xi32>
    %broadcast_in_dim3A_485 = vector.shape_cast %broadcast_in_dim3A_415 : vector<16x1xi32> to vector<16x1xi32>
    %broadcast_in_dim3A_486 = vector.broadcast %broadcast_in_dim3A_485 : vector<16x1xi32> to vector<16x16xi32>
    %select_n3A_487 = arith.select %eq3A_484, %broadcast_in_dim3A_486, %select_n3A_481 : vector<16x16xi1>, vector<16x16xi32>
    %eq3A_488 = arith.constant 9 : i32
    %eq3A_489 = vector.broadcast %eq3A_488 : i32 to vector<16x16xi32>
    %eq3A_490 = arith.cmpi eq, %iota3A, %eq3A_489 : vector<16x16xi32>
    %broadcast_in_dim3A_491 = vector.shape_cast %broadcast_in_dim3A_431 : vector<16x1xi32> to vector<16x1xi32>
    %broadcast_in_dim3A_492 = vector.broadcast %broadcast_in_dim3A_491 : vector<16x1xi32> to vector<16x16xi32>
    %select_n3A_493 = arith.select %eq3A_490, %broadcast_in_dim3A_492, %select_n3A_487 : vector<16x16xi1>, vector<16x16xi32>
    %reduce_min3A = arith.constant dense<2147483647> : vector<16xi32>
    %reduce_min3A_494 = vector.multi_reduction <minsi>, %select_n3A_493, %reduce_min3A [1] : vector<16x16xi32> to vector<16xi32>
    %broadcast_in_dim3A_495 = vector.shape_cast %reduce_min3A_494 : vector<16xi32> to vector<16x1xi32>
    %eq3A_496 = vector.broadcast %broadcast_in_dim3A_495 : vector<16x1xi32> to vector<16x16xi32>
    %eq3A_497 = arith.cmpi eq, %select_n3A_493, %eq3A_496 : vector<16x16xi32>
    %jit3A_498 = arith.constant 1073741824 : i32
    %broadcast_in_dim3A_499 = vector.broadcast %jit3A_498 : i32 to vector<16x16xi32>
    %select_n3A_500 = arith.select %eq3A_497, %broadcast_in_dim3A_499, %select_n3A_493 : vector<16x16xi1>, vector<16x16xi32>
    %reduce_min3A_501 = arith.constant dense<2147483647> : vector<16xi32>
    %reduce_min3A_502 = vector.multi_reduction <minsi>, %select_n3A_500, %reduce_min3A_501 [1] : vector<16x16xi32> to vector<16xi32>
    %broadcast_in_dim3A_503 = vector.shape_cast %reduce_min3A_502 : vector<16xi32> to vector<16x1xi32>
    %eq3A_504 = vector.broadcast %broadcast_in_dim3A_503 : vector<16x1xi32> to vector<16x16xi32>
    %eq3A_505 = arith.cmpi eq, %select_n3A_500, %eq3A_504 : vector<16x16xi32>
    %jit3A_506 = arith.constant 1073741824 : i32
    %broadcast_in_dim3A_507 = vector.broadcast %jit3A_506 : i32 to vector<16x16xi32>
    %select_n3A_508 = arith.select %eq3A_505, %broadcast_in_dim3A_507, %select_n3A_500 : vector<16x16xi1>, vector<16x16xi32>
    %reduce_min3A_509 = arith.constant dense<2147483647> : vector<16xi32>
    %reduce_min3A_510 = vector.multi_reduction <minsi>, %select_n3A_508, %reduce_min3A_509 [1] : vector<16x16xi32> to vector<16xi32>
    %broadcast_in_dim3A_511 = vector.shape_cast %reduce_min3A_510 : vector<16xi32> to vector<16x1xi32>
    %eq3A_512 = vector.broadcast %broadcast_in_dim3A_511 : vector<16x1xi32> to vector<16x16xi32>
    %eq3A_513 = arith.cmpi eq, %select_n3A_508, %eq3A_512 : vector<16x16xi32>
    %jit3A_514 = arith.constant 1073741824 : i32
    %broadcast_in_dim3A_515 = vector.broadcast %jit3A_514 : i32 to vector<16x16xi32>
    %select_n3A_516 = arith.select %eq3A_513, %broadcast_in_dim3A_515, %select_n3A_508 : vector<16x16xi1>, vector<16x16xi32>
    %reduce_min3A_517 = arith.constant dense<2147483647> : vector<16xi32>
    %reduce_min3A_518 = vector.multi_reduction <minsi>, %select_n3A_516, %reduce_min3A_517 [1] : vector<16x16xi32> to vector<16xi32>
    %broadcast_in_dim3A_519 = vector.shape_cast %reduce_min3A_518 : vector<16xi32> to vector<16x1xi32>
    %eq3A_520 = vector.broadcast %broadcast_in_dim3A_519 : vector<16x1xi32> to vector<16x16xi32>
    %eq3A_521 = arith.cmpi eq, %select_n3A_516, %eq3A_520 : vector<16x16xi32>
    %jit3A_522 = arith.constant 1073741824 : i32
    %broadcast_in_dim3A_523 = vector.broadcast %jit3A_522 : i32 to vector<16x16xi32>
    %select_n3A_524 = arith.select %eq3A_521, %broadcast_in_dim3A_523, %select_n3A_516 : vector<16x16xi1>, vector<16x16xi32>
    %reduce_min3A_525 = arith.constant dense<2147483647> : vector<16xi32>
    %reduce_min3A_526 = vector.multi_reduction <minsi>, %select_n3A_524, %reduce_min3A_525 [1] : vector<16x16xi32> to vector<16xi32>
    %broadcast_in_dim3A_527 = vector.shape_cast %reduce_min3A_526 : vector<16xi32> to vector<16x1xi32>
    %eq3A_528 = vector.broadcast %broadcast_in_dim3A_527 : vector<16x1xi32> to vector<16x16xi32>
    %eq3A_529 = arith.cmpi eq, %select_n3A_524, %eq3A_528 : vector<16x16xi32>
    %jit3A_530 = arith.constant 1073741824 : i32
    %broadcast_in_dim3A_531 = vector.broadcast %jit3A_530 : i32 to vector<16x16xi32>
    %select_n3A_532 = arith.select %eq3A_529, %broadcast_in_dim3A_531, %select_n3A_524 : vector<16x16xi1>, vector<16x16xi32>
    %reduce_min3A_533 = arith.constant dense<2147483647> : vector<16xi32>
    %reduce_min3A_534 = vector.multi_reduction <minsi>, %select_n3A_532, %reduce_min3A_533 [1] : vector<16x16xi32> to vector<16xi32>
    %broadcast_in_dim3A_535 = vector.shape_cast %reduce_min3A_534 : vector<16xi32> to vector<16x1xi32>
    %eq3A_536 = vector.broadcast %broadcast_in_dim3A_535 : vector<16x1xi32> to vector<16x16xi32>
    %eq3A_537 = arith.cmpi eq, %select_n3A_532, %eq3A_536 : vector<16x16xi32>
    %jit3A_538 = arith.constant 1073741824 : i32
    %broadcast_in_dim3A_539 = vector.broadcast %jit3A_538 : i32 to vector<16x16xi32>
    %select_n3A_540 = arith.select %eq3A_537, %broadcast_in_dim3A_539, %select_n3A_532 : vector<16x16xi1>, vector<16x16xi32>
    %reduce_min3A_541 = arith.constant dense<2147483647> : vector<16xi32>
    %reduce_min3A_542 = vector.multi_reduction <minsi>, %select_n3A_540, %reduce_min3A_541 [1] : vector<16x16xi32> to vector<16xi32>
    %broadcast_in_dim3A_543 = vector.shape_cast %reduce_min3A_542 : vector<16xi32> to vector<16x1xi32>
    %eq3A_544 = vector.broadcast %broadcast_in_dim3A_543 : vector<16x1xi32> to vector<16x16xi32>
    %eq3A_545 = arith.cmpi eq, %select_n3A_540, %eq3A_544 : vector<16x16xi32>
    %jit3A_546 = arith.constant 1073741824 : i32
    %broadcast_in_dim3A_547 = vector.broadcast %jit3A_546 : i32 to vector<16x16xi32>
    %select_n3A_548 = arith.select %eq3A_545, %broadcast_in_dim3A_547, %select_n3A_540 : vector<16x16xi1>, vector<16x16xi32>
    %reduce_min3A_549 = arith.constant dense<2147483647> : vector<16xi32>
    %reduce_min3A_550 = vector.multi_reduction <minsi>, %select_n3A_548, %reduce_min3A_549 [1] : vector<16x16xi32> to vector<16xi32>
    %broadcast_in_dim3A_551 = vector.shape_cast %reduce_min3A_550 : vector<16xi32> to vector<16x1xi32>
    %eq3A_552 = vector.broadcast %broadcast_in_dim3A_551 : vector<16x1xi32> to vector<16x16xi32>
    %eq3A_553 = arith.cmpi eq, %select_n3A_548, %eq3A_552 : vector<16x16xi32>
    %jit3A_554 = arith.constant 1073741824 : i32
    %broadcast_in_dim3A_555 = vector.broadcast %jit3A_554 : i32 to vector<16x16xi32>
    %select_n3A_556 = arith.select %eq3A_553, %broadcast_in_dim3A_555, %select_n3A_548 : vector<16x16xi1>, vector<16x16xi32>
    %reduce_min3A_557 = arith.constant dense<2147483647> : vector<16xi32>
    %reduce_min3A_558 = vector.multi_reduction <minsi>, %select_n3A_556, %reduce_min3A_557 [1] : vector<16x16xi32> to vector<16xi32>
    %broadcast_in_dim3A_559 = vector.shape_cast %reduce_min3A_558 : vector<16xi32> to vector<16x1xi32>
    %eq3A_560 = vector.broadcast %broadcast_in_dim3A_559 : vector<16x1xi32> to vector<16x16xi32>
    %eq3A_561 = arith.cmpi eq, %select_n3A_556, %eq3A_560 : vector<16x16xi32>
    %jit3A_562 = arith.constant 1073741824 : i32
    %broadcast_in_dim3A_563 = vector.broadcast %jit3A_562 : i32 to vector<16x16xi32>
    %select_n3A_564 = arith.select %eq3A_561, %broadcast_in_dim3A_563, %select_n3A_556 : vector<16x16xi1>, vector<16x16xi32>
    %reduce_min3A_565 = arith.constant dense<2147483647> : vector<16xi32>
    %reduce_min3A_566 = vector.multi_reduction <minsi>, %select_n3A_564, %reduce_min3A_565 [1] : vector<16x16xi32> to vector<16xi32>
    %broadcast_in_dim3A_567 = vector.shape_cast %reduce_min3A_566 : vector<16xi32> to vector<16x1xi32>
    %broadcast_in_dim3A_568 = arith.constant 0 : i32
    %broadcast_in_dim3A_569 = vector.broadcast %broadcast_in_dim3A_568 : i32 to vector<16x16xi32>
    %eq3A_570 = arith.constant 0 : i32
    %eq3A_571 = vector.broadcast %eq3A_570 : i32 to vector<16x16xi32>
    %eq3A_572 = arith.cmpi eq, %iota3A, %eq3A_571 : vector<16x16xi32>
    %broadcast_in_dim3A_573 = vector.shape_cast %broadcast_in_dim3A_495 : vector<16x1xi32> to vector<16x1xi32>
    %broadcast_in_dim3A_574 = vector.broadcast %broadcast_in_dim3A_573 : vector<16x1xi32> to vector<16x16xi32>
    %select_n3A_575 = arith.select %eq3A_572, %broadcast_in_dim3A_574, %broadcast_in_dim3A_569 : vector<16x16xi1>, vector<16x16xi32>
    %eq3A_576 = arith.constant 1 : i32
    %eq3A_577 = vector.broadcast %eq3A_576 : i32 to vector<16x16xi32>
    %eq3A_578 = arith.cmpi eq, %iota3A, %eq3A_577 : vector<16x16xi32>
    %broadcast_in_dim3A_579 = vector.shape_cast %broadcast_in_dim3A_503 : vector<16x1xi32> to vector<16x1xi32>
    %broadcast_in_dim3A_580 = vector.broadcast %broadcast_in_dim3A_579 : vector<16x1xi32> to vector<16x16xi32>
    %select_n3A_581 = arith.select %eq3A_578, %broadcast_in_dim3A_580, %select_n3A_575 : vector<16x16xi1>, vector<16x16xi32>
    %eq3A_582 = arith.constant 2 : i32
    %eq3A_583 = vector.broadcast %eq3A_582 : i32 to vector<16x16xi32>
    %eq3A_584 = arith.cmpi eq, %iota3A, %eq3A_583 : vector<16x16xi32>
    %broadcast_in_dim3A_585 = vector.shape_cast %broadcast_in_dim3A_511 : vector<16x1xi32> to vector<16x1xi32>
    %broadcast_in_dim3A_586 = vector.broadcast %broadcast_in_dim3A_585 : vector<16x1xi32> to vector<16x16xi32>
    %select_n3A_587 = arith.select %eq3A_584, %broadcast_in_dim3A_586, %select_n3A_581 : vector<16x16xi1>, vector<16x16xi32>
    %eq3A_588 = arith.constant 3 : i32
    %eq3A_589 = vector.broadcast %eq3A_588 : i32 to vector<16x16xi32>
    %eq3A_590 = arith.cmpi eq, %iota3A, %eq3A_589 : vector<16x16xi32>
    %broadcast_in_dim3A_591 = vector.shape_cast %broadcast_in_dim3A_519 : vector<16x1xi32> to vector<16x1xi32>
    %broadcast_in_dim3A_592 = vector.broadcast %broadcast_in_dim3A_591 : vector<16x1xi32> to vector<16x16xi32>
    %select_n3A_593 = arith.select %eq3A_590, %broadcast_in_dim3A_592, %select_n3A_587 : vector<16x16xi1>, vector<16x16xi32>
    %eq3A_594 = arith.constant 4 : i32
    %eq3A_595 = vector.broadcast %eq3A_594 : i32 to vector<16x16xi32>
    %eq3A_596 = arith.cmpi eq, %iota3A, %eq3A_595 : vector<16x16xi32>
    %broadcast_in_dim3A_597 = vector.shape_cast %broadcast_in_dim3A_527 : vector<16x1xi32> to vector<16x1xi32>
    %broadcast_in_dim3A_598 = vector.broadcast %broadcast_in_dim3A_597 : vector<16x1xi32> to vector<16x16xi32>
    %select_n3A_599 = arith.select %eq3A_596, %broadcast_in_dim3A_598, %select_n3A_593 : vector<16x16xi1>, vector<16x16xi32>
    %eq3A_600 = arith.constant 5 : i32
    %eq3A_601 = vector.broadcast %eq3A_600 : i32 to vector<16x16xi32>
    %eq3A_602 = arith.cmpi eq, %iota3A, %eq3A_601 : vector<16x16xi32>
    %broadcast_in_dim3A_603 = vector.shape_cast %broadcast_in_dim3A_535 : vector<16x1xi32> to vector<16x1xi32>
    %broadcast_in_dim3A_604 = vector.broadcast %broadcast_in_dim3A_603 : vector<16x1xi32> to vector<16x16xi32>
    %select_n3A_605 = arith.select %eq3A_602, %broadcast_in_dim3A_604, %select_n3A_599 : vector<16x16xi1>, vector<16x16xi32>
    %eq3A_606 = arith.constant 6 : i32
    %eq3A_607 = vector.broadcast %eq3A_606 : i32 to vector<16x16xi32>
    %eq3A_608 = arith.cmpi eq, %iota3A, %eq3A_607 : vector<16x16xi32>
    %broadcast_in_dim3A_609 = vector.shape_cast %broadcast_in_dim3A_543 : vector<16x1xi32> to vector<16x1xi32>
    %broadcast_in_dim3A_610 = vector.broadcast %broadcast_in_dim3A_609 : vector<16x1xi32> to vector<16x16xi32>
    %select_n3A_611 = arith.select %eq3A_608, %broadcast_in_dim3A_610, %select_n3A_605 : vector<16x16xi1>, vector<16x16xi32>
    %eq3A_612 = arith.constant 7 : i32
    %eq3A_613 = vector.broadcast %eq3A_612 : i32 to vector<16x16xi32>
    %eq3A_614 = arith.cmpi eq, %iota3A, %eq3A_613 : vector<16x16xi32>
    %broadcast_in_dim3A_615 = vector.shape_cast %broadcast_in_dim3A_551 : vector<16x1xi32> to vector<16x1xi32>
    %broadcast_in_dim3A_616 = vector.broadcast %broadcast_in_dim3A_615 : vector<16x1xi32> to vector<16x16xi32>
    %select_n3A_617 = arith.select %eq3A_614, %broadcast_in_dim3A_616, %select_n3A_611 : vector<16x16xi1>, vector<16x16xi32>
    %eq3A_618 = arith.constant 8 : i32
    %eq3A_619 = vector.broadcast %eq3A_618 : i32 to vector<16x16xi32>
    %eq3A_620 = arith.cmpi eq, %iota3A, %eq3A_619 : vector<16x16xi32>
    %broadcast_in_dim3A_621 = vector.shape_cast %broadcast_in_dim3A_559 : vector<16x1xi32> to vector<16x1xi32>
    %broadcast_in_dim3A_622 = vector.broadcast %broadcast_in_dim3A_621 : vector<16x1xi32> to vector<16x16xi32>
    %select_n3A_623 = arith.select %eq3A_620, %broadcast_in_dim3A_622, %select_n3A_617 : vector<16x16xi1>, vector<16x16xi32>
    %eq3A_624 = arith.constant 9 : i32
    %eq3A_625 = vector.broadcast %eq3A_624 : i32 to vector<16x16xi32>
    %eq3A_626 = arith.cmpi eq, %iota3A, %eq3A_625 : vector<16x16xi32>
    %broadcast_in_dim3A_627 = vector.shape_cast %broadcast_in_dim3A_567 : vector<16x1xi32> to vector<16x1xi32>
    %broadcast_in_dim3A_628 = vector.broadcast %broadcast_in_dim3A_627 : vector<16x1xi32> to vector<16x16xi32>
    %select_n3A_629 = arith.select %eq3A_626, %broadcast_in_dim3A_628, %select_n3A_623 : vector<16x16xi1>, vector<16x16xi32>
    %eq3A_630 = arith.constant 10 : i32
    %eq3A_631 = vector.broadcast %eq3A_630 : i32 to vector<16x16xi32>
    %eq3A_632 = arith.cmpi eq, %iota3A, %eq3A_631 : vector<16x16xi32>
    %broadcast_in_dim3A_633 = vector.shape_cast %broadcast_in_dim3A_567 : vector<16x1xi32> to vector<16x1xi32>
    %broadcast_in_dim3A_634 = vector.broadcast %broadcast_in_dim3A_633 : vector<16x1xi32> to vector<16x16xi32>
    %select_n3A_635 = arith.select %eq3A_632, %broadcast_in_dim3A_634, %select_n3A_629 : vector<16x16xi1>, vector<16x16xi32>
    %eq3A_636 = arith.constant 11 : i32
    %eq3A_637 = vector.broadcast %eq3A_636 : i32 to vector<16x16xi32>
    %eq3A_638 = arith.cmpi eq, %iota3A, %eq3A_637 : vector<16x16xi32>
    %broadcast_in_dim3A_639 = vector.shape_cast %broadcast_in_dim3A_567 : vector<16x1xi32> to vector<16x1xi32>
    %broadcast_in_dim3A_640 = vector.broadcast %broadcast_in_dim3A_639 : vector<16x1xi32> to vector<16x16xi32>
    %select_n3A_641 = arith.select %eq3A_638, %broadcast_in_dim3A_640, %select_n3A_635 : vector<16x16xi1>, vector<16x16xi32>
    %eq3A_642 = arith.constant 12 : i32
    %eq3A_643 = vector.broadcast %eq3A_642 : i32 to vector<16x16xi32>
    %eq3A_644 = arith.cmpi eq, %iota3A, %eq3A_643 : vector<16x16xi32>
    %broadcast_in_dim3A_645 = vector.shape_cast %broadcast_in_dim3A_567 : vector<16x1xi32> to vector<16x1xi32>
    %broadcast_in_dim3A_646 = vector.broadcast %broadcast_in_dim3A_645 : vector<16x1xi32> to vector<16x16xi32>
    %select_n3A_647 = arith.select %eq3A_644, %broadcast_in_dim3A_646, %select_n3A_641 : vector<16x16xi1>, vector<16x16xi32>
    %eq3A_648 = arith.constant 13 : i32
    %eq3A_649 = vector.broadcast %eq3A_648 : i32 to vector<16x16xi32>
    %eq3A_650 = arith.cmpi eq, %iota3A, %eq3A_649 : vector<16x16xi32>
    %broadcast_in_dim3A_651 = vector.shape_cast %broadcast_in_dim3A_567 : vector<16x1xi32> to vector<16x1xi32>
    %broadcast_in_dim3A_652 = vector.broadcast %broadcast_in_dim3A_651 : vector<16x1xi32> to vector<16x16xi32>
    %select_n3A_653 = arith.select %eq3A_650, %broadcast_in_dim3A_652, %select_n3A_647 : vector<16x16xi1>, vector<16x16xi32>
    %eq3A_654 = arith.constant 14 : i32
    %eq3A_655 = vector.broadcast %eq3A_654 : i32 to vector<16x16xi32>
    %eq3A_656 = arith.cmpi eq, %iota3A, %eq3A_655 : vector<16x16xi32>
    %broadcast_in_dim3A_657 = vector.shape_cast %broadcast_in_dim3A_567 : vector<16x1xi32> to vector<16x1xi32>
    %broadcast_in_dim3A_658 = vector.broadcast %broadcast_in_dim3A_657 : vector<16x1xi32> to vector<16x16xi32>
    %select_n3A_659 = arith.select %eq3A_656, %broadcast_in_dim3A_658, %select_n3A_653 : vector<16x16xi1>, vector<16x16xi32>
    %eq3A_660 = arith.constant 15 : i32
    %eq3A_661 = vector.broadcast %eq3A_660 : i32 to vector<16x16xi32>
    %eq3A_662 = arith.cmpi eq, %iota3A, %eq3A_661 : vector<16x16xi32>
    %broadcast_in_dim3A_663 = vector.shape_cast %broadcast_in_dim3A_567 : vector<16x1xi32> to vector<16x1xi32>
    %broadcast_in_dim3A_664 = vector.broadcast %broadcast_in_dim3A_663 : vector<16x1xi32> to vector<16x16xi32>
    %select_n3A_665 = arith.select %eq3A_662, %broadcast_in_dim3A_664, %select_n3A_659 : vector<16x16xi1>, vector<16x16xi32>
    %swap3A = arith.constant 0 : index
    %swap3A_666 = arith.constant 0 : index
    %swap3A_667 = vector.load %arg6[%swap3A, %swap3A_666] : memref<16x16xi32, #tpu.memory_space<vmem>>, vector<16x16xi32>
    tpu.vector_store %arg6[%swap3A, %swap3A_666], %select_n3A_665 {strides = array<i32>} : memref<16x16xi32, #tpu.memory_space<vmem>>, vector<16x16xi32>,
    return
  }
}

</mosaic_0001>

<sc_bundles>
// kernel: kernel.10.cloned.1.call-start
scs
__scs_entry_jumppad:
0x0: {  	(pc) =	sbr.rel $0x88, $3  }
0x1: {  	(tag) =	ssettag $0x0;
	lr =	simm.s32 $0x1  }
0x2: {  	[smem:$0x3F9B] =	sst lr;
	_ =	strace $0xD0000000  }
0x3: {  	_ = 	snop  }
0x4: {  	_ = 	snop  }
0x5: {  	_ = 	snop  }
0x6: {  	_ = 	snop  }
0x7: {  	_ = 	snop  }
__scs_overlays_trampoline_lowered:
0x8: {  	[smem:$0x3FAA] =	sst s0  }
0x9: {  	[smem:$0x3FAB] =	sst s1  }
0xa: {  	[smem:$0x3FAC] =	sst s2  }
0xb: {  	[smem:$0x3FAD] =	sst s3  }
0xc: {  	[smem:$0x3FAE] =	sst s4  }
0xd: {  	[smem:$0x3FAF] =	sst s5  }
0xe: {  	[smem:$0x3FB0] =	sst s6  }
0xf: {  	[smem:$0x3FB1] =	sst s7  }
0x10: {  	[smem:$0x3FB2] =	sst s8  }
0x11: {  	[smem:$0x3FB3] =	sst s9;
	s0 =	simm.s32 @!p0 $0x0  }
0x12: {  	s1 =	sld [smem:$0x3F99];
	s0 =	simm.s32 @p0 $0x1  }
0x13: {  	[smem:$0x3FB4] =	sst s0;
	s0 =	simm.s32 @!p1 $0x0  }
0x14: {  	s2 =	sld [smem:$0x3F98];
	s0 =	simm.s32 @p1 $0x1  }
0x15: {  	[smem:$0x3FB5] =	sst s0;
	s0 =	simm.s32 @!p2 $0x0  }
0x16: {  	s3 =	sld [smem:$0x3FDB];
	s0 =	simm.s32 @p2 $0x1  }
0x17: {  	s4 =	simm.s32 $0x1BF5;
	[smem:$0x3FB7] =	sst s0  }
0x18: {  	s0 =	sld [smem:$0x3F9A];
	_ =	swait.ge [sflag:s4], $0x0  }
0x19: {  	s7 =	sld [smem:$0x3F9B]  }
0x1a: {  	s8 =	sadd.s32 $0xFFFFE003, lr  }
0x1b: {  	s9 =	sadd.s32 $0xFFFFFEF7, lr;
	s5 =	simm.s32 $0xFFFFFFFF;
	p2 =	slt.u32 s8, $0xFFFFF086  }
0x1c: {  	p1 =	slt.u32 s9, $0xF7A;
	s5 =	simm.s32 @!p2 $0x0  }
0x1d: {  	s5 =	simm.s32 @p1 $0x1;
	p0 =	seq.s32 s7, s2  }
0x1e: {  	s7 =	smul.u32 @!p0 $0xF7A, s2;
	p2 =	seq.s32 @!p0 s5, $0x0  }
0x1f: {  	s9 =	smul.u32 $0xF7A, s1;
	s8 =	simm.s32 @!p0 $0x1BF5;
	p2 =	por !p2, p0  }
0x20: {  	[sflag:s8] =	ssyncset.s32 @!p0 $0xFFFFF086;
	s6 =	sadd.s32 @!p0 s3, s7;
	s7 =	simm.s32 @!p0 $0x108  }
0x21: {  	s3 =	sadd.s32 s3, s9;
	s6 =	sadd.s32 @!p0 $0x88, s6;
	s7 =	simm.s32 @p2 $0x1082  }
0x22: {  	[simem:s7], [sflag:s8] =	dma.local @!p0 [hbm:s6], $0xF7A  }
0x23: {  	s9 =	sor.u32 $0xD0000000, s2;
	s6 =	simm.s32 $0x108;
	_ =	swait.ge @!p0 [sflag:s8], $0x0  }
0x24: {  	s3 =	sadd.s32 $0x88, s3;
	s6 =	simm.s32 @!p1 $0x1082;
	[sflag:s4] =	ssyncset.s32 $0xFFFFF086  }
0x25: {  	[simem:s6], [sflag:s4] =	dma.local [hbm:s3], $0xF7A  }
0x26: {  	[smem:$0x3F9B] =	sst s1;
	(tag) =	ssettag s2;
	_ =	strace s9  }
0x27: {  	s1 =	sld [smem:$0x3FAB]  }
0x28: {  	s2 =	sld [smem:$0x3FAC]  }
0x29: {  	s4 =	sld [smem:$0x3FAE]  }
0x2a: {  	p0 =	seq.s32 s5, $0x0;
	s5 =	sld [smem:$0x3FAF]  }
0x2b: {  	s6 =	sld [smem:$0x3FB0]  }
0x2c: {  	s7 =	sld [smem:$0x3FB1]  }
0x2d: {  	s3 =	simm.s32 $0x108;
	s8 =	sld [smem:$0x3FB2]  }
0x2e: {  	s3 =	simm.s32 @!p0 $0x1082;
	s9 =	sld [smem:$0x3FB3]  }
0x2f: {  	lr =	sadd.s32 s0, s3;
	s0 =	sld [smem:$0x3FAA]  }
0x30: {  	s3 =	sld [smem:$0x3FAD]  }
0x31: {  	[smem:$0x3FB6] =	sst s10  }
0x32: {  	s10 =	sld [smem:$0x3FB4];
	_ =	sdelay $0x3  }
0x33: {  	p0 =	seq.s32 s10, $0x1;
	s10 =	sld [smem:$0x3FB6];
	_ =	sdelay $0x3  }
0x34: {  	[smem:$0x3FB6] =	sst s10  }
0x35: {  	s10 =	sld [smem:$0x3FB5];
	_ =	sdelay $0x3  }
0x36: {  	p1 =	seq.s32 s10, $0x1;
	s10 =	sld [smem:$0x3FB6];
	_ =	sdelay $0x3  }
0x37: {  	[smem:$0x3FB6] =	sst s10  }
0x38: {  	s10 =	sld [smem:$0x3FB7]  }
0x39: {  	_ = 	snop;
	(pc) =	sbr.ind lr, $3  }
0x3a: {  	_ = 	snop  }
0x3b: {  	_ = 	snop  }
0x3c: {  	p2 =	seq.s32 s10, $0x1;
	s10 =	sld [smem:$0x3FB6]  }
0x3d: {  	_ =	shalt  }
0x3e: {  	_ =	shalt  }
0x3f: {  	_ =	shalt  }
0x40: {  	_ =	shalt  }
0x41: {  	_ =	shalt  }
0x42: {  	_ =	shalt  }
0x43: {  	_ =	shalt  }
0x44: {  	_ =	shalt  }
0x45: {  	_ =	shalt  }
0x46: {  	_ =	shalt  }
0x47: {  	_ =	shalt  }
0x48: {  	_ =	shalt  }
0x49: {  	_ =	shalt  }
0x4a: {  	_ =	shalt  }
0x4b: {  	_ =	shalt  }
0x4c: {  	_ =	shalt  }
0x4d: {  	_ =	shalt  }
0x4e: {  	_ =	shalt  }
0x4f: {  	_ =	shalt  }
0x50: {  	_ =	shalt  }
0x51: {  	_ =	shalt  }
0x52: {  	_ =	shalt  }
0x53: {  	_ =	shalt  }
0x54: {  	_ =	shalt  }
0x55: {  	_ =	shalt  }
0x56: {  	_ =	shalt  }
0x57: {  	_ =	shalt  }
0x58: {  	_ =	shalt  }
0x59: {  	_ =	shalt  }
0x5a: {  	_ =	shalt  }
0x5b: {  	_ =	shalt  }
0x5c: {  	_ =	shalt  }
0x5d: {  	_ =	shalt  }
0x5e: {  	_ =	shalt  }
0x5f: {  	_ =	shalt  }
0x60: {  	_ =	shalt  }
0x61: {  	_ =	shalt  }
0x62: {  	_ =	shalt  }
0x63: {  	_ =	shalt  }
0x64: {  	_ =	shalt  }
0x65: {  	_ =	shalt  }
0x66: {  	_ =	shalt  }
0x67: {  	_ =	shalt  }
0x68: {  	_ =	shalt  }
0x69: {  	_ =	shalt  }
0x6a: {  	_ =	shalt  }
0x6b: {  	_ =	shalt  }
0x6c: {  	_ =	shalt  }
0x6d: {  	_ =	shalt  }
0x6e: {  	_ =	shalt  }
0x6f: {  	_ =	shalt  }
0x70: {  	_ =	shalt  }
0x71: {  	_ =	shalt  }
0x72: {  	_ =	shalt  }
0x73: {  	_ =	shalt  }
0x74: {  	_ =	shalt  }
0x75: {  	_ =	shalt  }
0x76: {  	_ =	shalt  }
0x77: {  	_ =	shalt  }
0x78: {  	_ =	shalt  }
0x79: {  	_ =	shalt  }
0x7a: {  	_ =	shalt  }
0x7b: {  	_ =	shalt  }
0x7c: {  	_ =	shalt  }
0x7d: {  	_ =	shalt  }
0x7e: {  	_ =	shalt  }
0x7f: {  	_ =	shalt  }
0x80: {  	_ =	shalt  }
0x81: {  	_ =	shalt  }
0x82: {  	_ =	shalt  }
0x83: {  	_ =	shalt  }
0x84: {  	_ =	shalt  }
0x85: {  	_ =	shalt  }
0x86: {  	_ =	shalt  }
0x87: {  	_ =	shalt  }
.Lfunc_end0:
.L_simem_size_0:
called_computation.1_lowered:
.L_overlay_start_0:
0x88: {  	s2 =	sld [smem:$0x3FD9]  }
0x89: {  	s3 =	sld [smem:$0x3FFE];
	_ =	sdelay $0x1  }
0x8a: {  	s1 =	srdreg.scid  }
0x8b: {  	s0 =	sand.u32 $0x1, s1  }
0x8c: {  	s14 =	sshll.u32 s0, $0xA;
	s2 =	sadd.s32 s3, s2  }
0x8d: {  	s2 =	sadd.s32 s2, s14  }
0x8e: {  	[smem:$0x3FC2] =	sst s2  }
0x8f: {  	_ = 	snop  }
0x90: {  	s2 =	sld [smem:$0x3FD0];
	_ =	sdelay $0x2  }
0x91: {  	s4 =	simm.s32 $0xA;
	s5 =	simm.s32 $0x10;
	s15 =	sld [smem:$0x3FC9]  }
0x92: {  	[smem:s5], [sflag:s4] =	dma.local [hbm:s2], $0x1  }
0x93: {  	_ =	swait.eq [sflag:s4], $0x1  }
0x94: {  	[sflag:s4] =	ssyncset.done $0x0  }
0x95: {  	[sflag:s4] =	ssyncadd.s32 $0xFFFFFFFF  }
0x96: {  	s16 =	sld [smem:$0x12];
	(tm) =	ssettm $0x1  }
0x97: {  	s17 =	sld [smem:$0x3FFB];
	_ =	sdelay $0x3  }
0x98: {  	_ =	strace s17  }
0x99: {  	s4 =	sld [smem:$0x3FFC];
	_ =	sdelay $0x3  }
0x9a: {  	_ =	strace s4  }
0x9b: {  	s4 =	sld [smem:$0x3FFD];
	_ =	sdelay $0x3  }
0x9c: {  	_ =	strace s4  }
0x9d: {  	_ =	strace $0x8FFFFFFF  }
0x9e: {  	s18 =	sld [smem:$0x3FDB];
	_ =	sdelay $0x1  }
0x9f: {  	s19 =	simm.s32 $_scs_section_size  }
0xa0: {  	s6 =	simm.s32 $_size__tile_overlayer_lowered;
	s7 =	simm.s32 $_tile_overlayer_lowered  }
0xa1: {  	s22 =	simm.s32 $0x1BFF;
	s21 =	sshll.u32 s7, $0x1;
	s4 =	sadd.s32 s19, s18  }
0xa2: {  	s8 =	simm.s32 $0x0;
	s20 =	sshll.u32 s6, $0x1;
	s6 =	sadd.s32 s21, s4  }
0xa3: {  	[timem:s8], [sflag:s22] =	dma.local [hbm:s6], s20  }
0xa4: {  	_ =	swait.ge [sflag:s22], s20  }
0xa5: {  	s5 =	ssub.s32 $0x0, s20;
	[sflag:s22] =	ssyncset.done $0x0  }
0xa6: {  	[sflag:s22] =	ssyncadd.s32 s5;
	_ =	sdelay $0x1  }
0xa7: {  	s23 =	simm.s32 $0x1B8B  }
0xa8: {  	_ =	swait.ge [sflag:s23], $0x1  }
0xa9: {  	[sflag:s23] =	ssyncset.done $0x0  }
0xaa: {  	s25 =	simm.s32 $0x1B8E;
	s24 =	sld [smem:$0x3FFE];
	[sflag:s23] =	ssyncadd.s32 $0xFFFFFFFF  }
0xab: {  	s26 =	simm.s32 $execute0_lowered;
	[smem:$0x3FD2] =	sst s25  }
0xac: {  	s6 =	sshll.u32 s26, $0x1;
	_ =	strace $0x80000049;
	[dreg:$0x1] =	wrdreg $0xFFFFFFFF  }
0xad: {  	s28 =	simm.s32 $_size_execute0_lowered;
	s4 =	sadd.s32 s4, s6;
	[dreg:$0x0] =	wrdreg $0x0  }
0xae: {  	s6 =	sshll.u32 s28, $0x1;
	[dreg:$0x2] =	wrdreg s4  }
0xaf: {  	[dreg:$0x3] =	wrdreg s6  }
0xb0: {  	[dreg:$0x4] =	wrdreg $0xC0  }
0xb1: {  	_ =	task [dreg:s8], $0x5FFFF  }
0xb2: {  	[dreg:$0x1] =	wrdreg $0xFFFFFFFF  }
0xb3: {  	[dreg:$0x0] =	wrdreg $0x60  }
0xb4: {  	[dreg:$0x2] =	wrdreg s15  }
0xb5: {  	[dreg:$0x3] =	wrdreg s24  }
0xb6: {  	[dreg:$0x4] =	wrdreg s16  }
0xb7: {  	[dreg:$0x5] =	wrdreg $0x9  }
0xb8: {  	_ =	task.clear_ibuf [dreg:s8], $0x6FFFF;
	_ =	strace $0x90000049  }
0xb9: {  	s29 =	simm.s32 $0x9;
	_ =	strace $0x8000004B  }
0xba: {  	_ =	swait.ge [sflag:s29], $0x1  }
0xbb: {  	[sflag:s29] =	ssyncadd.s32 $0xFFFFFFFF  }
0xbc: {  	_ =	strace $0x9000004B  }
0xbd: {  	_ =	sfence  }
0xbe: {  	s30 =	sld [smem:$0x0];
	_ =	sdelay $0x2  }
0xbf: {  	s31 =	sshll.u32 s1, $0xD;
	s1 =	sshrl.u32 s1, $0x2  }
0xc0: {  	s3 =	sand.u32 $0x4000, s31;
	s1 =	sadd.s32 s1, s30  }
0xc1: {  	s0 =	sor.u32 s3, s0;
	s1 =	sshll.u32 s1, $0x11  }
0xc2: {  	s0 =	sor.u32 s1, s0  }
0xc3: {  	s0 =	sadd.s32 $0x8F2B, s0  }
0xc4: {  	[sflag:s0] =	ssyncadd.remote.s32 $0x1  }
0xc5: {  	_ =	sfence.sel $0xFFFF  }
0xc6: {  	[dreg:$0x0] =	wrdreg $0xFFFFFFFF;
	(pc) =	sbr.abs _section_cstart, $3  }
0xc7: {  	[dreg:$0x1] =	wrdreg $0xFFFFFFFF  }
0xc8: {  	_ =	task.clear_ibuf [dreg:s8], $0x2FFFF;
	_ =	strace $0x9FFFFFFF  }
0xc9: {  	(tm) =	ssettm $0x7FFFFFFF  }
tec
execute0_lowered:
.L_overlay_start_1:
0x0: {  	(tag) =	ssettag $0x1  }
0x1: {  	s1 =	rddreg [dreg:$0x0]  }
0x2: {  	s5 =	rddreg [dreg:$0x1]  }
0x3: {  	s7 =	rddreg [dreg:$0x2]  }
0x4: {  	s0 =	rddreg [dreg:$0x3];
	s4 =	srdreg.scid  }
0x5: {  	s2 =	stileid.u32;
	s3 =	simm.s32 $0x0;
	s14 =	simm.s32 $0x880  }
0x6: {  	s15 =	simm.s32 $0x1080;
	s16 =	simm.s32 $0x1880;
	s17 =	simm.s32 $0x1  }
0x7: {  	s6 =	sand.u32 $0x1, s4;
	s30 =	sshll.u32 s2, $0x1;
	[smem:$0x7FF] =	sst s3  }
0x8: {  	s4 =	sadd.s32 $0x40F000, s5;
	s11 =	sadd.s32 $0xF000, s5;
	p0 =	slt.u32 s2, $0x8  }
0x9: {  	s8 =	sor.u32 s6, s30;
	_ =	strace $0x8000004A;
	s6 =	ssub.s32 $0x2, s6  }
0xa: {  	s4 =	smov.u32 @p0 s11;
	s9 =	sshll.u32 s8, $0xA;
	s12 =	sshrl.u32 s6, $0x1  }
0xb: {  	s8 =	sshll.u32 s8, $0x4;
	s11 =	sadd.s32 $0x100, s4;
	s10 =	sand.u32 $0x3C00, s9  }
0xc: {  	s13 =	sadd.s32 s9, s5;
	s12 =	ssub.s32 s6, s12;
	s31 =	sand.u32 $0xF0, s8  }
0xd: {  	s10 =	sadd.s32 s10, s5;
	s5 =	sadd.s32 s7, s31;
	s7 =	sadd.s32 s7, s8  }
0xe: {  	v2 =	vlaneseq.u32;
	s8 =	sadd.s32 $0x100, s1;
	s9 =	sadd.s32 $0x2E00, s13;
	s13 =	sadd.s32 $0xAE00, s13  }
0xf: {  	vm1 =	vmmov $0xffff;
	v0 =	vand.u32 $0x7, v2;
	v1 =	vshrl.u32 v2, $0x3;
	s6 =	sadd.s32 $0x6E00, s10;
	s10 =	smax.u32 s12, $0x1;
	s5 =	smov.u32 @p0 s7  }
0x10: {  	v2 =	vor.u32 $0x8, v2;
	vm0 =	vmmov @p0 $0xffff;
	v1 =	vmul.u32 $0x8, v1;
	s12 =	simm.s32 $0x2;
	s6 =	smov.u32 @p0 s13;
	s13 =	simm.s32 $0x80  }
.LBB2_1:
0x11: {  	s18 =	simm.s32 @p0 $0x0;
	s19 =	simm.s32 @p0 $0x2  }
0x12: {  	[tilespmem:s18], [sflag:$0x2] =	stream.linear.gather @p0 [hbm4b:s7+s18], $0x80, $0x38;
	[tilespmem:$0x2080] =	vst v63  }
0x13: {  	_ =	swait.ge @p0 [sflag:s19], $0x80  }
0x14: {  	[sflag:s19] =	ssyncset.done @p0 $0x0  }
0x15: {  	[sflag:s19] =	ssyncadd.s32 @p0 $0xFFFFFF80  }
0x16: {  	v3 =	vld @p0 [tilespmem:$0x0];
	_ =	sdelay $0x4  }
0x17: {  	v4 =	vshll.u32 @p0 v3, $0x2  }
0x18: {  	v5 =	vlaneseq.u32 @p0;
	v3 =	vand.u32 @p0 $0x7, v3;
	v4 =	vand.u32 @p0 $0xFFFFFFE0, v4  }
0x19: {  	v6 =	vshrl.u32 @p0 v5, $0x3;
	v3 =	vor.u32 @p0 v3, v4;
	v4 =	vand.u32 @p0 $0x7, v5  }
0x1a: {  	v6 =	vmul.u32 @p0 $0x8, v6;
	v4 =	vperm.xlane @p0 v3, v4;
	_ =	sdelay $0x1  }
0x1b: {  	v4 =	vadd.s32 @p0 v6, v4  }
0x1c: {  	v5 =	vor.u32 @p0 $0x8, v5  }
0x1d: {  	v3 =	vperm.xlane @p0 v3, v5;
	_ =	sdelay $0x1  }
0x1e: {  	s20 =	simm.s32 @p0 $0x80;
	v3 =	vadd.s32 @p0 v6, v3  }
0x1f: {  	[tilespmem:s20], [sflag:$0x1] =	stream.indirect_vreg.gather @p0 [hbm4b:s1+s18], $0x80, v4, vm0, $0xb8;
	[tilespmem:$0x2080] =	vst v63  }
0x20: {  	s21 =	simm.s32 @p0 $0x880  }
0x21: {  	[tilespmem:s21], [sflag:$0x1] =	stream.indirect_vreg.gather @p0 [hbm4b:s8+s18], $0x80, v4, vm0, $0xb8;
	[tilespmem:$0x2080] =	vst v63  }
0x22: {  	s21 =	simm.s32 @p0 $0x1080  }
0x23: {  	[tilespmem:s21], [sflag:$0x1] =	stream.indirect_vreg.gather @p0 [hbm4b:s1+s18], $0x80, v3, vm0, $0xb8;
	[tilespmem:$0x2080] =	vst v63  }
0x24: {  	s21 =	simm.s32 @p0 $0x1880  }
0x25: {  	[tilespmem:s21], [sflag:$0x1] =	stream.indirect_vreg.gather @p0 [hbm4b:s8+s18], $0x80, v3, vm0, $0xb8;
	[tilespmem:$0x2080] =	vst v63  }
0x26: {  	s21 =	simm.s32 @p0 $0x1  }
0x27: {  	_ =	swait.ge @p0 [sflag:s21], $0x2000  }
0x28: {  	[sflag:s21] =	ssyncset.done @p0 $0x0  }
0x29: {  	[sflag:s21] =	ssyncadd.s32 @p0 $0xFFFFE000  }
0x2a: {  	[hbm4b:s9+s18] =	stream.linear.scatter @p0 [tilespmem:s20], [sflag:$0x2], $0x2000, $0x38;
	[tilespmem:$0x2080] =	vst v63  }
0x2b: {  	_ =	swait.ge @p0 [sflag:s19], $0x2000  }
0x2c: {  	[sflag:s19] =	ssyncset.done @p0 $0x0  }
0x2d: {  	[sflag:s19] =	ssyncadd.s32 @p0 $0xFFFFE000  }
0x2e: {  	[tilespmem:s3], [sflag:$0x2] =	stream.linear.gather [hbm4b:s5+s3], $0x80, $0x38;
	[tilespmem:$0x2080] =	vst v63  }
0x2f: {  	_ =	swait.ge [sflag:s12], $0x80  }
0x30: {  	[sflag:s12] =	ssyncset.done $0x0  }
0x31: {  	[sflag:s12] =	ssyncadd.s32 $0xFFFFFF80  }
0x32: {  	v3 =	vld [tilespmem:$0x0];
	_ =	sdelay $0x4  }
0x33: {  	v63 =	vshll.u32 v3, $0x2  }
0x34: {  	v3 =	vand.u32 $0x7, v3;
	v4 =	vand.u32 $0xFFFFFFE0, v63  }
0x35: {  	v3 =	vor.u32 v3, v4  }
0x36: {  	v4 =	vperm.xlane v3, v0;
	_ =	sdelay $0x1  }
0x37: {  	v4 =	vadd.s32 v1, v4;
	_ =	sdelay $0x1  }
0x38: {  	v3 =	vperm.xlane v3, v2;
	_ =	sdelay $0x1  }
0x39: {  	v3 =	vadd.s32 v1, v3  }
0x3a: {  	[tilespmem:s13], [sflag:$0x1] =	stream.indirect_vreg.gather [hbm4b:s4+s3], $0x80, v4, vm1, $0xb8;
	[tilespmem:$0x2080] =	vst v63  }
0x3b: {  	_ = 	snop  }
0x3c: {  	[tilespmem:s14], [sflag:$0x1] =	stream.indirect_vreg.gather [hbm4b:s11+s3], $0x80, v4, vm1, $0xb8;
	[tilespmem:$0x2080] =	vst v63  }
0x3d: {  	_ = 	snop  }
0x3e: {  	[tilespmem:s15], [sflag:$0x1] =	stream.indirect_vreg.gather [hbm4b:s4+s3], $0x80, v3, vm1, $0xb8;
	[tilespmem:$0x2080] =	vst v63  }
0x3f: {  	_ = 	snop  }
0x40: {  	[tilespmem:s16], [sflag:$0x1] =	stream.indirect_vreg.gather [hbm4b:s11+s3], $0x80, v3, vm1, $0xb8;
	[tilespmem:$0x2080] =	vst v63  }
0x41: {  	s10 =	sadd.s32 $0xFFFFFFFF, s10;
	_ =	swait.ge [sflag:s17], $0x2000  }
0x42: {  	p1 =	sne.s32 s10, $0x0;
	[sflag:s17] =	ssyncset.done $0x0  }
.Ltmp0:
0x43: {  	[sflag:s17] =	ssyncadd.s32 $0xFFFFE000;
	(pc) =	sbr.rel @p1 .LBB2_1-.Ltmp0, $4  }
0x44: {  	[hbm4b:s6+s3] =	stream.linear.scatter [tilespmem:s13], [sflag:$0x2], $0x2000, $0x38;
	[tilespmem:$0x2080] =	vst v63  }
0x45: {  	_ =	swait.ge [sflag:s12], $0x2000  }
0x46: {  	[sflag:s12] =	ssyncset.done $0x0  }
0x47: {  	[sflag:s12] =	ssyncadd.s32 $0xFFFFE000  }
0x48: {  	_ =	sfence.sel $0x180000  }
0x49: {  	[bflag:$0x0] =	sbarrier.arrive $0xFFFF  }
0x4a: {  	p0 =	sne.s32 s2, $0x0;
	_ =	strace $0x9000004A  }
0x4b: {  	s0 =	sadd.s32 @!p0 $0x100000, s0;
	[bflag:$0x2] =	sbarrier.arrive $0xFFFF  }
0x4c: {  	[sflag:s0] =	ssyncadd.tile.s32 @!p0 $0x1;
	_ =	shalt  }
.Lfunc_end2:
_tile_overlayer_lowered:
.L_overlay_start_2:
0x4d: {  	(tag) =	ssettag $0x2  }
0x4e: {  	s0 =	rddreg [dreg:$0x0];
	s2 =	stileid.u32  }
0x4f: {  	s1 =	rddreg [dreg:$0x1];
	p0 =	sne.s32 s2, $0x0  }
0x50: {  	s3 =	rddreg [dreg:$0x2];
	[bflag:$0x3] =	sbarrier.arrive $0xFFFF;
	s2 =	simm.s32 @!p0 $0x1C02  }
0x51: {  	[timem:s3], [sflag:s2] =	dma.local @!p0 [hbm:s0], s1  }
0x52: {  	s0 =	simm.s32 @!p0 $0x2  }
0x53: {  	_ =	swait.ge @!p0 [sflag:s0], s1  }
0x54: {  	s1 =	ssub.s32 @!p0 $0x0, s1;
	[sflag:s0] =	ssyncset.done @!p0 $0x0  }
0x55: {  	[sflag:s0] =	ssyncadd.s32 @!p0 s1  }
0x56: {  	[bflag:$0x3] =	sbarrier.arrive $0xFFFF  }
0x57: {  	_ =	shalt  }

// kernel: kernel.7.cloned.1.call-start
scs
__scs_entry_jumppad:
0x0: {  	(pc) =	sbr.rel $0x88, $3  }
0x1: {  	(tag) =	ssettag $0x0;
	lr =	simm.s32 $0x1  }
0x2: {  	[smem:$0x3F9B] =	sst lr;
	_ =	strace $0xD0000000  }
0x3: {  	_ = 	snop  }
0x4: {  	_ = 	snop  }
0x5: {  	_ = 	snop  }
0x6: {  	_ = 	snop  }
0x7: {  	_ = 	snop  }
__scs_overlays_trampoline_lowered:
0x8: {  	[smem:$0x3FAA] =	sst s0  }
0x9: {  	[smem:$0x3FAB] =	sst s1  }
0xa: {  	[smem:$0x3FAC] =	sst s2  }
0xb: {  	[smem:$0x3FAD] =	sst s3  }
0xc: {  	[smem:$0x3FAE] =	sst s4  }
0xd: {  	[smem:$0x3FAF] =	sst s5  }
0xe: {  	[smem:$0x3FB0] =	sst s6  }
0xf: {  	[smem:$0x3FB1] =	sst s7  }
0x10: {  	[smem:$0x3FB2] =	sst s8  }
0x11: {  	[smem:$0x3FB3] =	sst s9;
	s0 =	simm.s32 @!p0 $0x0  }
0x12: {  	s1 =	sld [smem:$0x3F99];
	s0 =	simm.s32 @p0 $0x1  }
0x13: {  	[smem:$0x3FB4] =	sst s0;
	s0 =	simm.s32 @!p1 $0x0  }
0x14: {  	s2 =	sld [smem:$0x3F98];
	s0 =	simm.s32 @p1 $0x1  }
0x15: {  	[smem:$0x3FB5] =	sst s0;
	s0 =	simm.s32 @!p2 $0x0  }
0x16: {  	s3 =	sld [smem:$0x3FDB];
	s0 =	simm.s32 @p2 $0x1  }
0x17: {  	s4 =	simm.s32 $0x1BF5;
	[smem:$0x3FB7] =	sst s0  }
0x18: {  	s0 =	sld [smem:$0x3F9A];
	_ =	swait.ge [sflag:s4], $0x0  }
0x19: {  	s7 =	sld [smem:$0x3F9B]  }
0x1a: {  	s8 =	sadd.s32 $0xFFFFE003, lr  }
0x1b: {  	s9 =	sadd.s32 $0xFFFFFEF7, lr;
	s5 =	simm.s32 $0xFFFFFFFF;
	p2 =	slt.u32 s8, $0xFFFFF086  }
0x1c: {  	p1 =	slt.u32 s9, $0xF7A;
	s5 =	simm.s32 @!p2 $0x0  }
0x1d: {  	s5 =	simm.s32 @p1 $0x1;
	p0 =	seq.s32 s7, s2  }
0x1e: {  	s7 =	smul.u32 @!p0 $0xF7A, s2;
	p2 =	seq.s32 @!p0 s5, $0x0  }
0x1f: {  	s9 =	smul.u32 $0xF7A, s1;
	s8 =	simm.s32 @!p0 $0x1BF5;
	p2 =	por !p2, p0  }
0x20: {  	[sflag:s8] =	ssyncset.s32 @!p0 $0xFFFFF086;
	s6 =	sadd.s32 @!p0 s3, s7;
	s7 =	simm.s32 @!p0 $0x108  }
0x21: {  	s3 =	sadd.s32 s3, s9;
	s6 =	sadd.s32 @!p0 $0x88, s6;
	s7 =	simm.s32 @p2 $0x1082  }
0x22: {  	[simem:s7], [sflag:s8] =	dma.local @!p0 [hbm:s6], $0xF7A  }
0x23: {  	s9 =	sor.u32 $0xD0000000, s2;
	s6 =	simm.s32 $0x108;
	_ =	swait.ge @!p0 [sflag:s8], $0x0  }
0x24: {  	s3 =	sadd.s32 $0x88, s3;
	s6 =	simm.s32 @!p1 $0x1082;
	[sflag:s4] =	ssyncset.s32 $0xFFFFF086  }
0x25: {  	[simem:s6], [sflag:s4] =	dma.local [hbm:s3], $0xF7A  }
0x26: {  	[smem:$0x3F9B] =	sst s1;
	(tag) =	ssettag s2;
	_ =	strace s9  }
0x27: {  	s1 =	sld [smem:$0x3FAB]  }
0x28: {  	s2 =	sld [smem:$0x3FAC]  }
0x29: {  	s4 =	sld [smem:$0x3FAE]  }
0x2a: {  	p0 =	seq.s32 s5, $0x0;
	s5 =	sld [smem:$0x3FAF]  }
0x2b: {  	s6 =	sld [smem:$0x3FB0]  }
0x2c: {  	s7 =	sld [smem:$0x3FB1]  }
0x2d: {  	s3 =	simm.s32 $0x108;
	s8 =	sld [smem:$0x3FB2]  }
0x2e: {  	s3 =	simm.s32 @!p0 $0x1082;
	s9 =	sld [smem:$0x3FB3]  }
0x2f: {  	lr =	sadd.s32 s0, s3;
	s0 =	sld [smem:$0x3FAA]  }
0x30: {  	s3 =	sld [smem:$0x3FAD]  }
0x31: {  	[smem:$0x3FB6] =	sst s10  }
0x32: {  	s10 =	sld [smem:$0x3FB4];
	_ =	sdelay $0x3  }
0x33: {  	p0 =	seq.s32 s10, $0x1;
	s10 =	sld [smem:$0x3FB6];
	_ =	sdelay $0x3  }
0x34: {  	[smem:$0x3FB6] =	sst s10  }
0x35: {  	s10 =	sld [smem:$0x3FB5];
	_ =	sdelay $0x3  }
0x36: {  	p1 =	seq.s32 s10, $0x1;
	s10 =	sld [smem:$0x3FB6];
	_ =	sdelay $0x3  }
0x37: {  	[smem:$0x3FB6] =	sst s10  }
0x38: {  	s10 =	sld [smem:$0x3FB7]  }
0x39: {  	_ = 	snop;
	(pc) =	sbr.ind lr, $3  }
0x3a: {  	_ = 	snop  }
0x3b: {  	_ = 	snop  }
0x3c: {  	p2 =	seq.s32 s10, $0x1;
	s10 =	sld [smem:$0x3FB6]  }
0x3d: {  	_ =	shalt  }
0x3e: {  	_ =	shalt  }
0x3f: {  	_ =	shalt  }
0x40: {  	_ =	shalt  }
0x41: {  	_ =	shalt  }
0x42: {  	_ =	shalt  }
0x43: {  	_ =	shalt  }
0x44: {  	_ =	shalt  }
0x45: {  	_ =	shalt  }
0x46: {  	_ =	shalt  }
0x47: {  	_ =	shalt  }
0x48: {  	_ =	shalt  }
0x49: {  	_ =	shalt  }
0x4a: {  	_ =	shalt  }
0x4b: {  	_ =	shalt  }
0x4c: {  	_ =	shalt  }
0x4d: {  	_ =	shalt  }
0x4e: {  	_ =	shalt  }
0x4f: {  	_ =	shalt  }
0x50: {  	_ =	shalt  }
0x51: {  	_ =	shalt  }
0x52: {  	_ =	shalt  }
0x53: {  	_ =	shalt  }
0x54: {  	_ =	shalt  }
0x55: {  	_ =	shalt  }
0x56: {  	_ =	shalt  }
0x57: {  	_ =	shalt  }
0x58: {  	_ =	shalt  }
0x59: {  	_ =	shalt  }
0x5a: {  	_ =	shalt  }
0x5b: {  	_ =	shalt  }
0x5c: {  	_ =	shalt  }
0x5d: {  	_ =	shalt  }
0x5e: {  	_ =	shalt  }
0x5f: {  	_ =	shalt  }
0x60: {  	_ =	shalt  }
0x61: {  	_ =	shalt  }
0x62: {  	_ =	shalt  }
0x63: {  	_ =	shalt  }
0x64: {  	_ =	shalt  }
0x65: {  	_ =	shalt  }
0x66: {  	_ =	shalt  }
0x67: {  	_ =	shalt  }
0x68: {  	_ =	shalt  }
0x69: {  	_ =	shalt  }
0x6a: {  	_ =	shalt  }
0x6b: {  	_ =	shalt  }
0x6c: {  	_ =	shalt  }
0x6d: {  	_ =	shalt  }
0x6e: {  	_ =	shalt  }
0x6f: {  	_ =	shalt  }
0x70: {  	_ =	shalt  }
0x71: {  	_ =	shalt  }
0x72: {  	_ =	shalt  }
0x73: {  	_ =	shalt  }
0x74: {  	_ =	shalt  }
0x75: {  	_ =	shalt  }
0x76: {  	_ =	shalt  }
0x77: {  	_ =	shalt  }
0x78: {  	_ =	shalt  }
0x79: {  	_ =	shalt  }
0x7a: {  	_ =	shalt  }
0x7b: {  	_ =	shalt  }
0x7c: {  	_ =	shalt  }
0x7d: {  	_ =	shalt  }
0x7e: {  	_ =	shalt  }
0x7f: {  	_ =	shalt  }
0x80: {  	_ =	shalt  }
0x81: {  	_ =	shalt  }
0x82: {  	_ =	shalt  }
0x83: {  	_ =	shalt  }
0x84: {  	_ =	shalt  }
0x85: {  	_ =	shalt  }
0x86: {  	_ =	shalt  }
0x87: {  	_ =	shalt  }
.Lfunc_end0:
.L_simem_size_0:
called_computation_lowered:
.L_overlay_start_0:
0x88: {  	s2 =	sld [smem:$0x3FD9]  }
0x89: {  	s3 =	sld [smem:$0x3FFE];
	_ =	sdelay $0x1  }
0x8a: {  	s1 =	srdreg.scid  }
0x8b: {  	s0 =	sand.u32 $0x1, s1  }
0x8c: {  	s14 =	sshll.u32 s0, $0xA;
	s2 =	sadd.s32 s3, s2  }
0x8d: {  	s2 =	sadd.s32 s2, s14  }
0x8e: {  	[smem:$0x3FC2] =	sst s2  }
0x8f: {  	_ = 	snop  }
0x90: {  	s2 =	sld [smem:$0x3FD0];
	_ =	sdelay $0x2  }
0x91: {  	s4 =	simm.s32 $0xA;
	s5 =	simm.s32 $0x10;
	s15 =	sld [smem:$0x3FC8]  }
0x92: {  	[smem:s5], [sflag:s4] =	dma.local [hbm:s2], $0x1  }
0x93: {  	_ =	swait.eq [sflag:s4], $0x1  }
0x94: {  	[sflag:s4] =	ssyncset.done $0x0  }
0x95: {  	[sflag:s4] =	ssyncadd.s32 $0xFFFFFFFF  }
0x96: {  	s16 =	sld [smem:$0x11];
	(tm) =	ssettm $0x1  }
0x97: {  	s17 =	sld [smem:$0x3FFB];
	_ =	sdelay $0x3  }
0x98: {  	_ =	strace s17  }
0x99: {  	s4 =	sld [smem:$0x3FFC];
	_ =	sdelay $0x3  }
0x9a: {  	_ =	strace s4  }
0x9b: {  	s4 =	sld [smem:$0x3FFD];
	_ =	sdelay $0x3  }
0x9c: {  	_ =	strace s4  }
0x9d: {  	_ =	strace $0x8FFFFFFF  }
0x9e: {  	s18 =	sld [smem:$0x3FDB];
	_ =	sdelay $0x1  }
0x9f: {  	s19 =	simm.s32 $_scs_section_size  }
0xa0: {  	s6 =	simm.s32 $_size__tile_overlayer_lowered;
	s7 =	simm.s32 $_tile_overlayer_lowered  }
0xa1: {  	s22 =	simm.s32 $0x1BFF;
	s21 =	sshll.u32 s7, $0x1;
	s4 =	sadd.s32 s19, s18  }
0xa2: {  	s8 =	simm.s32 $0x0;
	s20 =	sshll.u32 s6, $0x1;
	s6 =	sadd.s32 s21, s4  }
0xa3: {  	[timem:s8], [sflag:s22] =	dma.local [hbm:s6], s20  }
0xa4: {  	_ =	swait.ge [sflag:s22], s20  }
0xa5: {  	s5 =	ssub.s32 $0x0, s20;
	[sflag:s22] =	ssyncset.done $0x0  }
0xa6: {  	[sflag:s22] =	ssyncadd.s32 s5;
	_ =	sdelay $0x1  }
0xa7: {  	s23 =	simm.s32 $0x1B8B  }
0xa8: {  	_ =	swait.ge [sflag:s23], $0x1  }
0xa9: {  	[sflag:s23] =	ssyncset.done $0x0  }
0xaa: {  	s25 =	simm.s32 $0x1B8E;
	s24 =	sld [smem:$0x3FFE];
	[sflag:s23] =	ssyncadd.s32 $0xFFFFFFFF  }
0xab: {  	s26 =	simm.s32 $execute0_lowered;
	[smem:$0x3FD2] =	sst s25  }
0xac: {  	s6 =	sshll.u32 s26, $0x1;
	_ =	strace $0x80000046;
	[dreg:$0x1] =	wrdreg $0xFFFFFFFF  }
0xad: {  	s28 =	simm.s32 $_size_execute0_lowered;
	s4 =	sadd.s32 s4, s6;
	[dreg:$0x0] =	wrdreg $0x0  }
0xae: {  	s6 =	sshll.u32 s28, $0x1;
	[dreg:$0x2] =	wrdreg s4  }
0xaf: {  	[dreg:$0x3] =	wrdreg s6  }
0xb0: {  	[dreg:$0x4] =	wrdreg $0xC0  }
0xb1: {  	_ =	task [dreg:s8], $0x5FFFF  }
0xb2: {  	[dreg:$0x1] =	wrdreg $0xFFFFFFFF  }
0xb3: {  	[dreg:$0x0] =	wrdreg $0x60  }
0xb4: {  	[dreg:$0x2] =	wrdreg s15  }
0xb5: {  	[dreg:$0x3] =	wrdreg s16  }
0xb6: {  	[dreg:$0x4] =	wrdreg s24  }
0xb7: {  	[dreg:$0x5] =	wrdreg $0x9  }
0xb8: {  	_ =	task.clear_ibuf [dreg:s8], $0x6FFFF;
	_ =	strace $0x90000046  }
0xb9: {  	s29 =	simm.s32 $0x9;
	_ =	strace $0x80000048  }
0xba: {  	_ =	swait.ge [sflag:s29], $0x1  }
0xbb: {  	[sflag:s29] =	ssyncadd.s32 $0xFFFFFFFF  }
0xbc: {  	_ =	strace $0x90000048  }
0xbd: {  	_ =	sfence  }
0xbe: {  	s30 =	sld [smem:$0x0];
	_ =	sdelay $0x2  }
0xbf: {  	s31 =	sshll.u32 s1, $0xD;
	s1 =	sshrl.u32 s1, $0x2  }
0xc0: {  	s3 =	sand.u32 $0x4000, s31;
	s1 =	sadd.s32 s1, s30  }
0xc1: {  	s0 =	sor.u32 s3, s0;
	s1 =	sshll.u32 s1, $0x11  }
0xc2: {  	s0 =	sor.u32 s1, s0  }
0xc3: {  	s0 =	sadd.s32 $0x8F2B, s0  }
0xc4: {  	[sflag:s0] =	ssyncadd.remote.s32 $0x1  }
0xc5: {  	_ =	sfence.sel $0xFFFF  }
0xc6: {  	[dreg:$0x0] =	wrdreg $0xFFFFFFFF;
	(pc) =	sbr.abs _section_cstart, $3  }
0xc7: {  	[dreg:$0x1] =	wrdreg $0xFFFFFFFF  }
0xc8: {  	_ =	task.clear_ibuf [dreg:s8], $0x2FFFF;
	_ =	strace $0x9FFFFFFF  }
0xc9: {  	(tm) =	ssettm $0x7FFFFFFF  }
tec
execute0_lowered:
.L_overlay_start_1:
0x0: {  	(tag) =	ssettag $0x1  }
0x1: {  	s1 =	stileid.u32  }
0x2: {  	p0 =	sgt.u32 s1, $0x7  }
.Ltmp0:
0x3: {  	s2 =	rddreg [dreg:$0x0];
	(pc) =	sbr.rel @p0 .LBB2_4-.Ltmp0, $4  }
0x4: {  	s4 =	rddreg [dreg:$0x1]  }
0x5: {  	s12 =	rddreg [dreg:$0x2];
	s3 =	simm.s32 $0x0  }
0x6: {  	[smem:$0x7FF] =	sst s3  }
0x7: {  	s0 =	rddreg [dreg:$0x3];
	_ =	strace $0x80000047  }
0x8: {  	s5 =	srdreg.scid  }
0x9: {  	s30 =	sshll.u32 s1, $0x1;
	s10 =	sand.u32 $0x1, s5  }
0xa: {  	s13 =	sor.u32 s10, s30  }
0xb: {  	s5 =	sshll.u32 s13, $0x4  }
0xc: {  	s5 =	sadd.s32 s4, s5;
	s4 =	simm.s32 $0x2  }
0xd: {  	[tilespmem:s3], [sflag:$0x2] =	stream.linear.gather [hbm4b:s5+s3], $0x80, $0x38;
	[tilespmem:$0x2080] =	vst v63  }
0xe: {  	_ =	swait.ge [sflag:s4], $0x80  }
0xf: {  	[sflag:s4] =	ssyncset.done $0x0  }
0x10: {  	[sflag:s4] =	ssyncadd.s32 $0xFFFFFF80  }
0x11: {  	v0 =	vld [tilespmem:$0x0];
	_ =	sdelay $0x4  }
0x12: {  	v1 =	vshll.u32 v0, $0x2  }
0x13: {  	v2 =	vlaneseq.u32;
	v3 =	vand.u32 $0x7, v0;
	v1 =	vand.u32 $0xFFFFFFE0, v1  }
0x14: {  	v4 =	vshrl.u32 v2, $0x3;
	v0 =	vand.u32 $0x7, v2;
	v3 =	vor.u32 v3, v1  }
0x15: {  	v1 =	vmul.u32 $0x8, v4;
	v63 =	vperm.xlane v3, v0;
	_ =	sdelay $0x1  }
0x16: {  	v4 =	vadd.s32 v1, v63  }
0x17: {  	v2 =	vor.u32 $0x8, v2  }
0x18: {  	v3 =	vperm.xlane v3, v2;
	_ =	sdelay $0x1  }
0x19: {  	vm0 =	vmmov $0xffff;
	s6 =	simm.s32 $0x80;
	s7 =	sadd.s32 $0x100, s2;
	s14 =	ssub.s32 $0x2, s10;
	v3 =	vadd.s32 v1, v3  }
0x1a: {  	[tilespmem:s6], [sflag:$0x1] =	stream.indirect_vreg.gather [hbm4b:s2+s3], $0x80, v4, vm0, $0xb8;
	[tilespmem:$0x2080] =	vst v63  }
0x1b: {  	s8 =	simm.s32 $0x880;
	s9 =	simm.s32 $0x1080;
	s15 =	sshrl.u32 s14, $0x1  }
0x1c: {  	[tilespmem:s8], [sflag:$0x1] =	stream.indirect_vreg.gather [hbm4b:s7+s3], $0x80, v4, vm0, $0xb8;
	[tilespmem:$0x2080] =	vst v63  }
0x1d: {  	s11 =	simm.s32 $0x1;
	s13 =	sshll.u32 s13, $0xA;
	s31 =	ssub.s32 s14, s15  }
0x1e: {  	[tilespmem:s9], [sflag:$0x1] =	stream.indirect_vreg.gather [hbm4b:s2+s3], $0x80, v3, vm0, $0xb8;
	[tilespmem:$0x2080] =	vst v63  }
0x1f: {  	s10 =	simm.s32 $0x1880;
	s12 =	sadd.s32 s13, s12;
	s13 =	smax.u32 s31, $0x1  }
0x20: {  	[tilespmem:s10], [sflag:$0x1] =	stream.indirect_vreg.gather [hbm4b:s7+s3], $0x80, v3, vm0, $0xb8;
	[tilespmem:$0x2080] =	vst v63  }
0x21: {  	p0 =	sne.s32 s13, $0x1;
	_ =	swait.ge [sflag:s11], $0x2000  }
.Ltmp1:
0x22: {  	[sflag:s11] =	ssyncset.done $0x0;
	(pc) =	sbr.rel @!p0 .LBB2_3-.Ltmp1, $4  }
0x23: {  	s12 =	sadd.s32 $0xB000, s12;
	[sflag:s11] =	ssyncadd.s32 $0xFFFFE000  }
0x24: {  	[hbm4b:s12+s3] =	stream.linear.scatter [tilespmem:s6], [sflag:$0x2], $0x2000, $0x38;
	[tilespmem:$0x2080] =	vst v63  }
0x25: {  	_ =	swait.ge [sflag:s4], $0x2000  }
0x26: {  	s13 =	sadd.s32 $0xFFFFFFFF, s13;
	[sflag:s4] =	ssyncset.done $0x0  }
.LBB2_2:
0x27: {  	p0 =	sne.s32 s13, $0x1;
	s13 =	sadd.s32 $0xFFFFFFFF, s13;
	[sflag:s4] =	ssyncadd.s32 $0xFFFFE000  }
0x28: {  	[tilespmem:s3], [sflag:$0x2] =	stream.linear.gather [hbm4b:s5+s3], $0x80, $0x38;
	[tilespmem:$0x2080] =	vst v63  }
0x29: {  	_ =	swait.ge [sflag:s4], $0x80  }
0x2a: {  	[sflag:s4] =	ssyncset.done $0x0  }
0x2b: {  	[sflag:s4] =	ssyncadd.s32 $0xFFFFFF80  }
0x2c: {  	v3 =	vld [tilespmem:$0x0];
	_ =	sdelay $0x4  }
0x2d: {  	v4 =	vshll.u32 v3, $0x2  }
0x2e: {  	v3 =	vand.u32 $0x7, v3;
	v4 =	vand.u32 $0xFFFFFFE0, v4  }
0x2f: {  	v3 =	vor.u32 v3, v4  }
0x30: {  	v4 =	vperm.xlane v3, v0;
	v3 =	vperm.xlane v3, v2;
	_ =	sdelay $0x1  }
0x31: {  	v4 =	vadd.s32 v1, v4;
	_ =	sdelay $0x3  }
0x32: {  	v3 =	vadd.s32 v1, v3  }
0x33: {  	[tilespmem:s6], [sflag:$0x1] =	stream.indirect_vreg.gather [hbm4b:s2+s3], $0x80, v4, vm0, $0xb8;
	[tilespmem:$0x2080] =	vst v63  }
0x34: {  	_ = 	snop  }
0x35: {  	[tilespmem:s8], [sflag:$0x1] =	stream.indirect_vreg.gather [hbm4b:s7+s3], $0x80, v4, vm0, $0xb8;
	[tilespmem:$0x2080] =	vst v63  }
0x36: {  	_ = 	snop  }
0x37: {  	[tilespmem:s9], [sflag:$0x1] =	stream.indirect_vreg.gather [hbm4b:s2+s3], $0x80, v3, vm0, $0xb8;
	[tilespmem:$0x2080] =	vst v63  }
0x38: {  	_ = 	snop  }
0x39: {  	[tilespmem:s10], [sflag:$0x1] =	stream.indirect_vreg.gather [hbm4b:s7+s3], $0x80, v3, vm0, $0xb8;
	[tilespmem:$0x2080] =	vst v63  }
0x3a: {  	_ =	swait.ge [sflag:s11], $0x2000  }
.Ltmp2:
0x3b: {  	[sflag:s11] =	ssyncset.done $0x0;
	(pc) =	sbr.rel @p0 .LBB2_2-.Ltmp2, $4  }
0x3c: {  	[sflag:s11] =	ssyncadd.s32 $0xFFFFE000  }
0x3d: {  	[hbm4b:s12+s3] =	stream.linear.scatter [tilespmem:s6], [sflag:$0x2], $0x2000, $0x38;
	[tilespmem:$0x2080] =	vst v63  }
0x3e: {  	_ =	swait.ge [sflag:s4], $0x2000  }
0x3f: {  	[sflag:s4] =	ssyncset.done $0x0  }
.LBB2_3:
0x40: {  	[sflag:s4] =	ssyncadd.s32 $0xFFFFE000  }
.LBB2_4:
0x41: {  	_ =	sfence.sel $0x180000  }
0x42: {  	[bflag:$0x0] =	sbarrier.arrive $0xFFFF  }
0x43: {  	p0 =	sne.s32 s1, $0x0;
	_ =	strace $0x90000047  }
0x44: {  	s0 =	sadd.s32 @!p0 $0x100000, s0;
	[bflag:$0x2] =	sbarrier.arrive $0xFFFF  }
0x45: {  	[sflag:s0] =	ssyncadd.tile.s32 @!p0 $0x1;
	_ =	shalt  }
.Lfunc_end2:
_tile_overlayer_lowered:
.L_overlay_start_2:
0x46: {  	(tag) =	ssettag $0x2  }
0x47: {  	s0 =	rddreg [dreg:$0x0];
	s2 =	stileid.u32  }
0x48: {  	s1 =	rddreg [dreg:$0x1];
	p0 =	sne.s32 s2, $0x0  }
0x49: {  	s3 =	rddreg [dreg:$0x2];
	[bflag:$0x3] =	sbarrier.arrive $0xFFFF;
	s2 =	simm.s32 @!p0 $0x1C02  }
0x4a: {  	[timem:s3], [sflag:s2] =	dma.local @!p0 [hbm:s0], s1  }
0x4b: {  	s0 =	simm.s32 @!p0 $0x2  }
0x4c: {  	_ =	swait.ge @!p0 [sflag:s0], s1  }
0x4d: {  	s1 =	ssub.s32 @!p0 $0x0, s1;
	[sflag:s0] =	ssyncset.done @!p0 $0x0  }
0x4e: {  	[sflag:s0] =	ssyncadd.s32 @!p0 s1  }
0x4f: {  	[bflag:$0x3] =	sbarrier.arrive $0xFFFF  }
0x50: {  	_ =	shalt  }

</sc_bundles>
